<compile_context>
chip_gen: v7x
topology: tpu7x:2x2x1
jax: 0.10.2.dev20260603
libtpu: 0.0.44.dev20260713+nightly
codegen_flags: <defaults>
</compile_context>

<pallas_src>
import functools

import jax
import jax.numpy as jnp
from jax import lax
from jax.experimental import pallas as pl
from jax.experimental.pallas import tpu as pltpu
from jax.experimental.pallas import tpu_sc as plsc

N = 10000
D = 128
E = 320000
NC = 2
NS = 16
NW = NC * NS
CHUNK = 128
CPW = 79
E_PAD = NW * CPW * CHUNK
RPW = 624
TAIL = N - NS * RPW
BR = 1000
GRID = N // BR


_sc_mesh = plsc.VectorSubcoreMesh(core_axis_name="c", subcore_axis_name="s")


@functools.partial(
    pl.kernel,
    out_type=jax.ShapeDtypeStruct((2 * N, D), jnp.float32),
    mesh=_sc_mesh,
    scratch_types=[
        pltpu.VMEM_SHARED((N + 16, D), jnp.float32),
        pltpu.VMEM((CHUNK,), jnp.int32),
        pltpu.VMEM((CHUNK,), jnp.int32),
        pltpu.VMEM((CHUNK, D), jnp.float32),
        pltpu.SemaphoreType.DMA,
        pltpu.SemaphoreType.DMA,
    ],
)
def _sc_edge(m_hbm, srcp_hbm, dstp_hbm, z_hbm, out_hbm, acc, sidx, didx, rows,
             gsem, isem):
    c = lax.axis_index("c")
    s = lax.axis_index("s")
    wid = c * NS + s

    pltpu.sync_copy(z_hbm, acc.at[pl.ds(s * RPW, RPW)])

    @pl.when(s == NS - 1)
    def _zero_tail():
        pltpu.sync_copy(z_hbm.at[pl.ds(0, TAIL)], acc.at[pl.ds(NS * RPW, TAIL)])

    plsc.subcore_barrier()

    def body(j, carry):
        base = pl.multiple_of((wid * CPW + j) * CHUNK, CHUNK)
        h1 = pltpu.async_copy(srcp_hbm.at[pl.ds(base, CHUNK)], sidx, isem)
        h2 = pltpu.async_copy(dstp_hbm.at[pl.ds(base, CHUNK)], didx, isem)
        h1.wait()
        h2.wait()
        pltpu.async_copy(m_hbm.at[sidx], rows, gsem).wait()
        pltpu.sync_copy(rows, acc.at[didx], add=True)
        return carry

    lax.fori_loop(0, CPW, body, 0, unroll=False)
    plsc.subcore_barrier()

    out_base = c * N + s * RPW
    pltpu.sync_copy(acc.at[pl.ds(s * RPW, RPW)], out_hbm.at[pl.ds(out_base, RPW)])

    @pl.when(s == NS - 1)
    def _write_tail():
        pltpu.sync_copy(acc.at[pl.ds(NS * RPW, TAIL)],
                        out_hbm.at[pl.ds(c * N + NS * RPW, TAIL)])


def _mm_body(x_ref, wt_ref, b_ref, o_ref):
    o_ref[...] = (
        jnp.dot(x_ref[...], wt_ref[...], preferred_element_type=jnp.float32)
        + b_ref[...]
    )


def _mm_bias(x, wt, b):
    return pl.pallas_call(
        _mm_body,
        grid=(GRID,),
        in_specs=[
            pl.BlockSpec((BR, D), lambda i: (i, 0)),
            pl.BlockSpec(wt.shape, lambda i: (0, 0)),
            pl.BlockSpec((1, wt.shape[1]), lambda i: (0, 0)),
        ],
        out_specs=pl.BlockSpec((BR, wt.shape[1]), lambda i: (i, 0)),
        out_shape=jax.ShapeDtypeStruct((N, wt.shape[1]), jnp.float32),
    )(x, wt, b)


def _gru_body(ap0, ap1, h_ref, wih, whh, bih, bhh, wn, wbn, ho, mo):
    a = ap0[...] + ap1[...]
    h = h_ref[...]
    gi = jnp.dot(a, wih[...], preferred_element_type=jnp.float32) + bih[...]
    gh = jnp.dot(h, whh[...], preferred_element_type=jnp.float32) + bhh[...]
    r = jax.nn.sigmoid(gi[:, :D] + gh[:, :D])
    z = jax.nn.sigmoid(gi[:, D:2 * D] + gh[:, D:2 * D])
    n = jnp.tanh(gi[:, 2 * D:] + r * gh[:, 2 * D:])
    hn = (1.0 - z) * n + z * h
    ho[...] = hn
    mo[...] = (
        jnp.dot(hn, wn[...], preferred_element_type=jnp.float32) + wbn[...]
    )


def _gru_step(ap, h, wihT, whhT, bih, bhh, wnT, wbn):
    return pl.pallas_call(
        _gru_body,
        grid=(GRID,),
        in_specs=[
            pl.BlockSpec((BR, D), lambda i: (i, 0)),
            pl.BlockSpec((BR, D), lambda i: (i + GRID, 0)),
            pl.BlockSpec((BR, D), lambda i: (i, 0)),
            pl.BlockSpec((D, 3 * D), lambda i: (0, 0)),
            pl.BlockSpec((D, 3 * D), lambda i: (0, 0)),
            pl.BlockSpec((1, 3 * D), lambda i: (0, 0)),
            pl.BlockSpec((1, 3 * D), lambda i: (0, 0)),
            pl.BlockSpec((D, D), lambda i: (0, 0)),
            pl.BlockSpec((1, D), lambda i: (0, 0)),
        ],
        out_specs=[
            pl.BlockSpec((BR, D), lambda i: (i, 0)),
            pl.BlockSpec((BR, D), lambda i: (i, 0)),
        ],
        out_shape=[
            jax.ShapeDtypeStruct((N, D), jnp.float32),
            jax.ShapeDtypeStruct((N, D), jnp.float32),
        ],
    )(ap, ap, h, wihT, whhT, bih, bhh, wnT, wbn)


def _colsum_body(h_ref, o_ref):
    @pl.when(pl.program_id(0) == 0)
    def _init():
        o_ref[...] = jnp.zeros_like(o_ref)

    o_ref[...] += jnp.sum(h_ref[...], axis=0, keepdims=True)


def _colsum(h):
    return pl.pallas_call(
        _colsum_body,
        grid=(GRID,),
        in_specs=[pl.BlockSpec((BR, D), lambda i: (i, 0))],
        out_specs=pl.BlockSpec((1, D), lambda i: (0, 0)),
        out_shape=jax.ShapeDtypeStruct((1, D), jnp.float32),
    )(h)


def _head_body(s_ref, wct_ref, bc_ref, o_ref):
    o_ref[...] = (
        jnp.dot(s_ref[...] * (1.0 / N), wct_ref[...],
                preferred_element_type=jnp.float32)
        + bc_ref[...]
    )


def _head(s, wcT, bc):
    k = wcT.shape[1]
    return pl.pallas_call(
        _head_body,
        in_specs=[
            pl.BlockSpec((1, D), lambda: (0, 0)),
            pl.BlockSpec((D, k), lambda: (0, 0)),
            pl.BlockSpec((1, k), lambda: (0, 0)),
        ],
        out_specs=pl.BlockSpec((1, k), lambda: (0, 0)),
        out_shape=jax.ShapeDtypeStruct((1, k), jnp.float32),
    )(s, wcT, bc)


def kernel(x, edge_index, W0, Wb0, Wih0, Whh0, bih0, bhh0,
           W1, Wb1, Wih1, Whh1, bih1, bhh1, Wc, bc):
    pad = E_PAD - E
    srcp = jnp.concatenate(
        [edge_index[0], jnp.zeros((pad,), jnp.int32)]
    )
    dstp = jnp.concatenate(
        [edge_index[1], jnp.full((pad,), N, jnp.int32)]
    )
    z = jnp.zeros((RPW, D), jnp.float32)

    WT = [W0.T, W1.T]
    Wb = [Wb0.reshape(1, D), Wb1.reshape(1, D)]
    gru_params = [
        (Wih0.T, Whh0.T, bih0.reshape(1, 3 * D), bhh0.reshape(1, 3 * D)),
        (Wih1.T, Whh1.T, bih1.reshape(1, 3 * D), bhh1.reshape(1, 3 * D)),
    ]

    h = x
    m = _mm_bias(h, WT[0], Wb[0])
    for k in range(6):
        layer = k // 3
        nxt = min((k + 1) // 3, 1)
        ap = _sc_edge(m, srcp, dstp, z)
        h, m = _gru_step(ap, h, *gru_params[layer], WT[nxt], Wb[nxt])

    return _head(_colsum(h), Wc.T, bc.reshape(1, 16))

# --- scband reference (transcript-rebuilt; emitter-appended) ---
"""Pipeline reference for scband-classifier-13134009991242 (READ-ONLY COPY).

The authoritative reference and input builder live on the scoring server;
editing this copy changes nothing except your own understanding.
"""

import jax, jax.numpy as jnp
import numpy as np

N_NODES = 10000
N_EDGES = 320000
D = 128
N_CLASSES = 16
N_STEPS = 3


def setup_inputs(seed: int = 0) -> dict:
    key = jax.random.key(seed)
    ks = jax.random.split(key, 20)
    inp = {}
    inp['x'] = jax.random.normal(ks[0], (N_NODES, D), dtype=jnp.float32)
    inp['edge_index'] = jax.random.randint(ks[1], (2, N_EDGES), 0, N_NODES, dtype=jnp.int64 if jax.config.jax_enable_x64 else jnp.int32).astype(jnp.int32)
    # Two GatedGraphConv layers, each with one edge-type linear (W,b) and a GRUCell
    for l in range(2):
        base = 2 + l * 6
        inp[f'W{l}'] = jax.random.normal(ks[base + 0], (D, D), dtype=jnp.float32) * 0.05
        inp[f'Wb{l}'] = jnp.zeros((D,), dtype=jnp.float32)
        inp[f'Wih{l}'] = jax.random.normal(ks[base + 1], (3 * D, D), dtype=jnp.float32) * 0.05
        inp[f'Whh{l}'] = jax.random.normal(ks[base + 2], (3 * D, D), dtype=jnp.float32) * 0.05
        inp[f'bih{l}'] = jnp.zeros((3 * D,), dtype=jnp.float32)
        inp[f'bhh{l}'] = jnp.zeros((3 * D,), dtype=jnp.float32)
    inp['Wc'] = jax.random.normal(ks[15], (N_CLASSES, D), dtype=jnp.float32) * 0.05
    inp['bc'] = jnp.zeros((N_CLASSES,), dtype=jnp.float32)
    return inp


def _gru_cell(a, h, Wih, Whh, bih, bhh):
    gi = a @ Wih.T + bih
    gh = h @ Whh.T + bhh
    i_r, i_z, i_n = jnp.split(gi, 3, axis=1)
    h_r, h_z, h_n = jnp.split(gh, 3, axis=1)
    r = jax.nn.sigmoid(i_r + h_r)
    z = jax.nn.sigmoid(i_z + h_z)
    n = jnp.tanh(i_n + r * h_n)
    return (1.0 - z) * n + z * h


def _gated_graph_conv(h, src, dst, W, Wb, Wih, Whh, bih, bhh):
    # DGL GatedGraphConv with n_etypes=1: repeat n_steps of (linear msg -> scatter-add -> GRU)
    for _ in range(N_STEPS):
        m = h @ W.T + Wb
        msgs = m[src]                              # gather over source nodes
        a = jnp.zeros_like(h).at[dst].add(msgs)    # scatter-add to destination nodes
        h = _gru_cell(a, h, Wih, Whh, bih, bhh)
    return h


def reference(x, edge_index, W0, Wb0, Wih0, Whh0, bih0, bhh0, W1, Wb1, Wih1, Whh1, bih1, bhh1, Wc, bc):
    src = edge_index[0]
    dst = edge_index[1]
    h = x  # in_dim == hidden_dim, so no zero-padding needed
    h = _gated_graph_conv(h, src, dst, W0, Wb0, Wih0, Whh0, bih0, bhh0)
    # dropout p=0.0 -> identity
    h = _gated_graph_conv(h, src, dst, W1, Wb1, Wih1, Whh1, bih1, bhh1)
    # mean readout over the single batched graph
    hg = jnp.mean(h, axis=0, keepdims=True)        # [1, D]
    return hg @ Wc.T + bc                          # [1, n_classes]


if False:  # reference __main__ guard neutralized (emitter)
    out = reference(**setup_inputs())
    print(out.shape)

if __name__ == "__main__":
    import jax
    _d = setup_inputs()
    print(jax.jit(kernel)(*tuple(_d.values())))

</pallas_src>

<mosaic_0001>
#map = affine_map<(d0, d1) -> (0, 0)>
#map1 = affine_map<(d0, d1) -> (0)>
module attributes {stable_mosaic.version = 14 : i64} {
  func.func @_sc_edge(%arg0: i32, %arg1: i32, %arg2: memref<10000x128xf32, #tpu.memory_space<hbm>>, %arg3: memref<323584xi32, #tpu.memory_space<hbm>>, %arg4: memref<323584xi32, #tpu.memory_space<hbm>>, %arg5: memref<624x128xf32, #tpu.memory_space<hbm>>, %arg6: memref<20000x128xf32, #tpu.memory_space<hbm>>, %arg7: memref<10016x128xf32, #tpu.memory_space<vmem_shared>>, %arg8: memref<128xi32, #tpu.memory_space<vmem>>, %arg9: memref<128xi32, #tpu.memory_space<vmem>>, %arg10: memref<128x128xf32, #tpu.memory_space<vmem>>, %arg11: memref<!tpu.dma_semaphore, #tpu.memory_space<semaphore_mem>>, %arg12: memref<!tpu.dma_semaphore, #tpu.memory_space<semaphore_mem>>) attributes {dimension_semantics = [#tpu.dimension_semantics<core_parallel>, #tpu.dimension_semantics<subcore_parallel>], iteration_bounds = array<i64: 2, 16>, scalar_prefetch = 0 : i64, scratch_operands = 6 : i64, tpu.core_type = #tpu.core_type<sc_vector_subcore>, window_params = [{transform_indices = #map}, {transform_indices = #map1}, {transform_indices = #map1}, {transform_indices = #map}, {transform_indices = #map}]} {
    %mul3A = arith.constant 16 : i32
    %mul3A_0 = arith.muli %arg0, %mul3A : i32
    %add3A = arith.addi %mul3A_0, %arg1 : i32
    %mul3A_1 = arith.constant 624 : i32
    %mul3A_2 = arith.muli %arg1, %mul3A_1 : i32
    "tpu.region"() ({
      %run_scoped3A = tpu.sem_alloc : memref<!tpu.dma_semaphore, #tpu.memory_space<semaphore_mem>>
      %dma_start3A = arith.constant 0 : i32
      %dma_start3A_23 = tpu.memref_slice %arg7[%mul3A_2, %dma_start3A] : memref<10016x128xf32, #tpu.memory_space<vmem_shared>> -> memref<624x128xf32, #tpu.memory_space<vmem_shared>>
      tpu.enqueue_dma source(%arg5 : memref<624x128xf32, #tpu.memory_space<hbm>>) target(%dma_start3A_23 : memref<624x128xf32, #tpu.memory_space<vmem_shared>>) target_semaphore(%run_scoped3A : memref<!tpu.dma_semaphore, #tpu.memory_space<semaphore_mem>>)
      %dma_wait3A = arith.constant 0 : i32
      %dma_wait3A_24 = tpu.memref_slice %arg7[%mul3A_2, %dma_wait3A] : memref<10016x128xf32, #tpu.memory_space<vmem_shared>> -> memref<624x128xf32, #tpu.memory_space<vmem_shared>>
      tpu.wait_dma2 semaphore(%run_scoped3A : memref<!tpu.dma_semaphore, #tpu.memory_space<semaphore_mem>>) src(%arg5 : memref<624x128xf32, #tpu.memory_space<hbm>>) dst(%dma_wait3A_24 : memref<624x128xf32, #tpu.memory_space<vmem_shared>>)
      tpu.yield
    }) : () -> ()
    %eq3A = arith.constant 15 : i32
    %eq3A_3 = arith.cmpi eq, %arg1, %eq3A : i32
    %convert_element_type3A = arith.extui %eq3A_3 : i1 to i32
    %cond3A = arith.constant 0 : i32
    %cond3A_4 = arith.cmpi ne, %convert_element_type3A, %cond3A : i32
    scf.if %cond3A_4 {
      "tpu.region"() ({
        %run_scoped3A = tpu.sem_alloc : memref<!tpu.dma_semaphore, #tpu.memory_space<semaphore_mem>>
        %dma_start3A = arith.constant 9984 : i32
        %dma_start3A_23 = arith.constant 0 : i32
        %dma_start3A_24 = tpu.memref_slice %arg7[%dma_start3A, %dma_start3A_23] : memref<10016x128xf32, #tpu.memory_space<vmem_shared>> -> memref<16x128xf32, #tpu.memory_space<vmem_shared>>
        %dma_start3A_25 = arith.constant 0 : i32
        %dma_start3A_26 = arith.constant 0 : i32
        %dma_start3A_27 = tpu.memref_slice %arg5[%dma_start3A_25, %dma_start3A_26] : memref<624x128xf32, #tpu.memory_space<hbm>> -> memref<16x128xf32, #tpu.memory_space<hbm>>
        tpu.enqueue_dma source(%dma_start3A_27 : memref<16x128xf32, #tpu.memory_space<hbm>>) target(%dma_start3A_24 : memref<16x128xf32, #tpu.memory_space<vmem_shared>>) target_semaphore(%run_scoped3A : memref<!tpu.dma_semaphore, #tpu.memory_space<semaphore_mem>>)
        %dma_wait3A = arith.constant 9984 : i32
        %dma_wait3A_28 = arith.constant 0 : i32
        %dma_wait3A_29 = tpu.memref_slice %arg7[%dma_wait3A, %dma_wait3A_28] : memref<10016x128xf32, #tpu.memory_space<vmem_shared>> -> memref<16x128xf32, #tpu.memory_space<vmem_shared>>
        %dma_wait3A_30 = arith.constant 0 : i32
        %dma_wait3A_31 = arith.constant 0 : i32
        %dma_wait3A_32 = tpu.memref_slice %arg5[%dma_wait3A_30, %dma_wait3A_31] : memref<624x128xf32, #tpu.memory_space<hbm>> -> memref<16x128xf32, #tpu.memory_space<hbm>>
        tpu.wait_dma2 semaphore(%run_scoped3A : memref<!tpu.dma_semaphore, #tpu.memory_space<semaphore_mem>>) src(%dma_wait3A_32 : memref<16x128xf32, #tpu.memory_space<hbm>>) dst(%dma_wait3A_29 : memref<16x128xf32, #tpu.memory_space<vmem_shared>>)
        tpu.yield
      }) : () -> ()
    } else {
    }
    %barrier3A = arith.constant 0 : index
    tpu.barrier barrier_id(%barrier3A)
    %scan3A = arith.constant 0 : i32
    %scan3A_5 = arith.constant 0 : i32
    %scan3A_6 = arith.constant 79 : i32
    %scan3A_7 = arith.addi %scan3A_5, %scan3A_6 : i32
    %scan3A_8 = arith.constant 1 : i32
    scf.for %scan3A_23 = %scan3A_5 to %scan3A_7 step %scan3A_8  : i32 {
      %mul3A_24 = arith.constant 79 : i32
      %mul3A_25 = arith.muli %add3A, %mul3A_24 : i32
      %add3A_26 = arith.addi %mul3A_25, %scan3A_23 : i32
      %mul3A_27 = arith.constant 128 : i32
      %mul3A_28 = arith.muli %add3A_26, %mul3A_27 : i32
      %multiple_of3A = tpu.assume_multiple %mul3A_28, 128 : i32
      %dma_start3A = tpu.memref_slice %arg3[%multiple_of3A] : memref<323584xi32, #tpu.memory_space<hbm>> -> memref<128xi32, #tpu.memory_space<hbm>>
      %dma_start3A_29 = tpu.memref_slice %arg3[%multiple_of3A] : memref<323584xi32, #tpu.memory_space<hbm>> -> memref<128xi32, #tpu.memory_space<hbm>>
      tpu.enqueue_dma source(%dma_start3A_29 : memref<128xi32, #tpu.memory_space<hbm>>) target(%arg8 : memref<128xi32, #tpu.memory_space<vmem>>) target_semaphore(%arg12 : memref<!tpu.dma_semaphore, #tpu.memory_space<semaphore_mem>>)
      %dma_start3A_30 = tpu.memref_slice %arg4[%multiple_of3A] : memref<323584xi32, #tpu.memory_space<hbm>> -> memref<128xi32, #tpu.memory_space<hbm>>
      %dma_start3A_31 = tpu.memref_slice %arg4[%multiple_of3A] : memref<323584xi32, #tpu.memory_space<hbm>> -> memref<128xi32, #tpu.memory_space<hbm>>
      tpu.enqueue_dma source(%dma_start3A_31 : memref<128xi32, #tpu.memory_space<hbm>>) target(%arg9 : memref<128xi32, #tpu.memory_space<vmem>>) target_semaphore(%arg12 : memref<!tpu.dma_semaphore, #tpu.memory_space<semaphore_mem>>)
      %dma_wait3A = tpu.memref_slice %arg3[%multiple_of3A] : memref<323584xi32, #tpu.memory_space<hbm>> -> memref<128xi32, #tpu.memory_space<hbm>>
      %dma_wait3A_32 = tpu.memref_slice %arg3[%multiple_of3A] : memref<323584xi32, #tpu.memory_space<hbm>> -> memref<128xi32, #tpu.memory_space<hbm>>
      tpu.wait_dma2 semaphore(%arg12 : memref<!tpu.dma_semaphore, #tpu.memory_space<semaphore_mem>>) src(%dma_wait3A_32 : memref<128xi32, #tpu.memory_space<hbm>>) dst(%arg8 : memref<128xi32, #tpu.memory_space<vmem>>)
      %dma_wait3A_33 = tpu.memref_slice %arg4[%multiple_of3A] : memref<323584xi32, #tpu.memory_space<hbm>> -> memref<128xi32, #tpu.memory_space<hbm>>
      %dma_wait3A_34 = tpu.memref_slice %arg4[%multiple_of3A] : memref<323584xi32, #tpu.memory_space<hbm>> -> memref<128xi32, #tpu.memory_space<hbm>>
      tpu.wait_dma2 semaphore(%arg12 : memref<!tpu.dma_semaphore, #tpu.memory_space<semaphore_mem>>) src(%dma_wait3A_34 : memref<128xi32, #tpu.memory_space<hbm>>) dst(%arg9 : memref<128xi32, #tpu.memory_space<vmem>>)
      %dma_start3A_35 = arith.constant 0 : i32
      %dma_start3A_36 = arith.constant 0 : i32
      %dma_start3A_37 = tpu.memref_slice %arg2[%dma_start3A_35, %dma_start3A_36] : memref<10000x128xf32, #tpu.memory_space<hbm>> -> memref<10000x128xf32, #tpu.memory_space<hbm>>
      tpu.enqueue_indirect_dma source(%dma_start3A_37 : memref<10000x128xf32, #tpu.memory_space<hbm>>) target(%arg10 : memref<128x128xf32, #tpu.memory_space<vmem>>) offsets(%arg8 : memref<128xi32, #tpu.memory_space<vmem>>) semaphore(%arg11 : memref<!tpu.dma_semaphore, #tpu.memory_space<semaphore_mem>>)
      %dma_wait3A_38 = arith.constant 0 : i32
      %dma_wait3A_39 = arith.constant 0 : i32
      %dma_wait3A_40 = tpu.memref_slice %arg2[%dma_wait3A_38, %dma_wait3A_39] : memref<10000x128xf32, #tpu.memory_space<hbm>> -> memref<10000x128xf32, #tpu.memory_space<hbm>>
      tpu.wait_indirect_dma semaphore(%arg11 : memref<!tpu.dma_semaphore, #tpu.memory_space<semaphore_mem>>) src(%dma_wait3A_40 : memref<10000x128xf32, #tpu.memory_space<hbm>>) dst(%arg10 : memref<128x128xf32, #tpu.memory_space<vmem>>)
      "tpu.region"() ({
        %run_scoped3A = tpu.sem_alloc : memref<!tpu.dma_semaphore, #tpu.memory_space<semaphore_mem>>
        %dma_start3A_41 = arith.constant 0 : i32
        %dma_start3A_42 = arith.constant 0 : i32
        %dma_start3A_43 = tpu.memref_slice %arg7[%dma_start3A_41, %dma_start3A_42] : memref<10016x128xf32, #tpu.memory_space<vmem_shared>> -> memref<10016x128xf32, #tpu.memory_space<vmem_shared>>
        tpu.enqueue_indirect_dma source(%arg10 : memref<128x128xf32, #tpu.memory_space<vmem>>) target(%dma_start3A_43 : memref<10016x128xf32, #tpu.memory_space<vmem_shared>>) offsets(%arg9 : memref<128xi32, #tpu.memory_space<vmem>>) semaphore(%run_scoped3A : memref<!tpu.dma_semaphore, #tpu.memory_space<semaphore_mem>>) {add = true}
        %dma_wait3A_44 = arith.constant 0 : i32
        %dma_wait3A_45 = arith.constant 0 : i32
        %dma_wait3A_46 = tpu.memref_slice %arg7[%dma_wait3A_44, %dma_wait3A_45] : memref<10016x128xf32, #tpu.memory_space<vmem_shared>> -> memref<10016x128xf32, #tpu.memory_space<vmem_shared>>
        tpu.wait_indirect_dma semaphore(%run_scoped3A : memref<!tpu.dma_semaphore, #tpu.memory_space<semaphore_mem>>) src(%arg10 : memref<128x128xf32, #tpu.memory_space<vmem>>) dst(%dma_wait3A_46 : memref<10016x128xf32, #tpu.memory_space<vmem_shared>>)
        tpu.yield
      }) : () -> ()
    }
    %scan3A_9 = arith.constant 79 : i32
    %barrier3A_10 = arith.constant 0 : index
    tpu.barrier barrier_id(%barrier3A_10)
    %mul3A_11 = arith.constant 10000 : i32
    %mul3A_12 = arith.muli %arg0, %mul3A_11 : i32
    %mul3A_13 = arith.constant 624 : i32
    %mul3A_14 = arith.muli %arg1, %mul3A_13 : i32
    %add3A_15 = arith.addi %mul3A_12, %mul3A_14 : i32
    %mul3A_16 = arith.constant 624 : i32
    %mul3A_17 = arith.muli %arg1, %mul3A_16 : i32
    "tpu.region"() ({
      %run_scoped3A = tpu.sem_alloc : memref<!tpu.dma_semaphore, #tpu.memory_space<semaphore_mem>>
      %dma_start3A = arith.constant 0 : i32
      %dma_start3A_23 = tpu.memref_slice %arg6[%add3A_15, %dma_start3A] : memref<20000x128xf32, #tpu.memory_space<hbm>> -> memref<624x128xf32, #tpu.memory_space<hbm>>
      %dma_start3A_24 = arith.constant 0 : i32
      %dma_start3A_25 = tpu.memref_slice %arg7[%mul3A_17, %dma_start3A_24] : memref<10016x128xf32, #tpu.memory_space<vmem_shared>> -> memref<624x128xf32, #tpu.memory_space<vmem_shared>>
      tpu.enqueue_dma source(%dma_start3A_25 : memref<624x128xf32, #tpu.memory_space<vmem_shared>>) target(%dma_start3A_23 : memref<624x128xf32, #tpu.memory_space<hbm>>) target_semaphore(%run_scoped3A : memref<!tpu.dma_semaphore, #tpu.memory_space<semaphore_mem>>)
      %dma_wait3A = arith.constant 0 : i32
      %dma_wait3A_26 = tpu.memref_slice %arg6[%add3A_15, %dma_wait3A] : memref<20000x128xf32, #tpu.memory_space<hbm>> -> memref<624x128xf32, #tpu.memory_space<hbm>>
      %dma_wait3A_27 = arith.constant 0 : i32
      %dma_wait3A_28 = tpu.memref_slice %arg7[%mul3A_17, %dma_wait3A_27] : memref<10016x128xf32, #tpu.memory_space<vmem_shared>> -> memref<624x128xf32, #tpu.memory_space<vmem_shared>>
      tpu.wait_dma2 semaphore(%run_scoped3A : memref<!tpu.dma_semaphore, #tpu.memory_space<semaphore_mem>>) src(%dma_wait3A_28 : memref<624x128xf32, #tpu.memory_space<vmem_shared>>) dst(%dma_wait3A_26 : memref<624x128xf32, #tpu.memory_space<hbm>>)
      tpu.yield
    }) : () -> ()
    %eq3A_18 = arith.constant 15 : i32
    %eq3A_19 = arith.cmpi eq, %arg1, %eq3A_18 : i32
    %convert_element_type3A_20 = arith.extui %eq3A_19 : i1 to i32
    %cond3A_21 = arith.constant 0 : i32
    %cond3A_22 = arith.cmpi ne, %convert_element_type3A_20, %cond3A_21 : i32
    scf.if %cond3A_22 {
      %mul3A_23 = arith.constant 10000 : i32
      %mul3A_24 = arith.muli %arg0, %mul3A_23 : i32
      %add3A_25 = arith.constant 9984 : i32
      %add3A_26 = arith.addi %mul3A_24, %add3A_25 : i32
      "tpu.region"() ({
        %run_scoped3A = tpu.sem_alloc : memref<!tpu.dma_semaphore, #tpu.memory_space<semaphore_mem>>
        %dma_start3A = arith.constant 0 : i32
        %dma_start3A_27 = tpu.memref_slice %arg6[%add3A_26, %dma_start3A] : memref<20000x128xf32, #tpu.memory_space<hbm>> -> memref<16x128xf32, #tpu.memory_space<hbm>>
        %dma_start3A_28 = arith.constant 9984 : i32
        %dma_start3A_29 = arith.constant 0 : i32
        %dma_start3A_30 = tpu.memref_slice %arg7[%dma_start3A_28, %dma_start3A_29] : memref<10016x128xf32, #tpu.memory_space<vmem_shared>> -> memref<16x128xf32, #tpu.memory_space<vmem_shared>>
        tpu.enqueue_dma source(%dma_start3A_30 : memref<16x128xf32, #tpu.memory_space<vmem_shared>>) target(%dma_start3A_27 : memref<16x128xf32, #tpu.memory_space<hbm>>) target_semaphore(%run_scoped3A : memref<!tpu.dma_semaphore, #tpu.memory_space<semaphore_mem>>)
        %dma_wait3A = arith.constant 0 : i32
        %dma_wait3A_31 = tpu.memref_slice %arg6[%add3A_26, %dma_wait3A] : memref<20000x128xf32, #tpu.memory_space<hbm>> -> memref<16x128xf32, #tpu.memory_space<hbm>>
        %dma_wait3A_32 = arith.constant 9984 : i32
        %dma_wait3A_33 = arith.constant 0 : i32
        %dma_wait3A_34 = tpu.memref_slice %arg7[%dma_wait3A_32, %dma_wait3A_33] : memref<10016x128xf32, #tpu.memory_space<vmem_shared>> -> memref<16x128xf32, #tpu.memory_space<vmem_shared>>
        tpu.wait_dma2 semaphore(%run_scoped3A : memref<!tpu.dma_semaphore, #tpu.memory_space<semaphore_mem>>) src(%dma_wait3A_34 : memref<16x128xf32, #tpu.memory_space<vmem_shared>>) dst(%dma_wait3A_31 : memref<16x128xf32, #tpu.memory_space<hbm>>)
        tpu.yield
      }) : () -> ()
    } else {
    }
    return
  }
}

#map = affine_map<(d0, d1) -> (0, 0)>
#map1 = affine_map<(d0, d1) -> (0)>
module attributes {stable_mosaic.version = 14 : i64} {
  func.func @_sc_edge(%arg0: i32, %arg1: i32, %arg2: memref<10000x128xf32, #tpu.memory_space<hbm>>, %arg3: memref<323584xi32, #tpu.memory_space<hbm>>, %arg4: memref<323584xi32, #tpu.memory_space<hbm>>, %arg5: memref<624x128xf32, #tpu.memory_space<hbm>>, %arg6: memref<20000x128xf32, #tpu.memory_space<hbm>>, %arg7: memref<10016x128xf32, #tpu.memory_space<vmem_shared>>, %arg8: memref<128xi32, #tpu.memory_space<vmem>>, %arg9: memref<128xi32, #tpu.memory_space<vmem>>, %arg10: memref<128x128xf32, #tpu.memory_space<vmem>>, %arg11: memref<!tpu.dma_semaphore, #tpu.memory_space<semaphore_mem>>, %arg12: memref<!tpu.dma_semaphore, #tpu.memory_space<semaphore_mem>>) attributes {dimension_semantics = [#tpu.dimension_semantics<core_parallel>, #tpu.dimension_semantics<subcore_parallel>], iteration_bounds = array<i64: 2, 16>, scalar_prefetch = 0 : i64, scratch_operands = 6 : i64, tpu.core_type = #tpu.core_type<sc_vector_subcore>, window_params = [{transform_indices = #map}, {transform_indices = #map1}, {transform_indices = #map1}, {transform_indices = #map}, {transform_indices = #map}]} {
    %mul3A = arith.constant 16 : i32
    %mul3A_0 = arith.muli %arg0, %mul3A : i32
    %add3A = arith.addi %mul3A_0, %arg1 : i32
    %mul3A_1 = arith.constant 624 : i32
    %mul3A_2 = arith.muli %arg1, %mul3A_1 : i32
    "tpu.region"() ({
      %run_scoped3A = tpu.sem_alloc : memref<!tpu.dma_semaphore, #tpu.memory_space<semaphore_mem>>
      %dma_start3A = arith.constant 0 : i32
      %dma_start3A_23 = tpu.memref_slice %arg7[%mul3A_2, %dma_start3A] : memref<10016x128xf32, #tpu.memory_space<vmem_shared>> -> memref<624x128xf32, #tpu.memory_space<vmem_shared>>
      tpu.enqueue_dma source(%arg5 : memref<624x128xf32, #tpu.memory_space<hbm>>) target(%dma_start3A_23 : memref<624x128xf32, #tpu.memory_space<vmem_shared>>) target_semaphore(%run_scoped3A : memref<!tpu.dma_semaphore, #tpu.memory_space<semaphore_mem>>)
      %dma_wait3A = arith.constant 0 : i32
      %dma_wait3A_24 = tpu.memref_slice %arg7[%mul3A_2, %dma_wait3A] : memref<10016x128xf32, #tpu.memory_space<vmem_shared>> -> memref<624x128xf32, #tpu.memory_space<vmem_shared>>
      tpu.wait_dma2 semaphore(%run_scoped3A : memref<!tpu.dma_semaphore, #tpu.memory_space<semaphore_mem>>) src(%arg5 : memref<624x128xf32, #tpu.memory_space<hbm>>) dst(%dma_wait3A_24 : memref<624x128xf32, #tpu.memory_space<vmem_shared>>)
      tpu.yield
    }) : () -> ()
    %eq3A = arith.constant 15 : i32
    %eq3A_3 = arith.cmpi eq, %arg1, %eq3A : i32
    %convert_element_type3A = arith.extui %eq3A_3 : i1 to i32
    %cond3A = arith.constant 0 : i32
    %cond3A_4 = arith.cmpi ne, %convert_element_type3A, %cond3A : i32
    scf.if %cond3A_4 {
      "tpu.region"() ({
        %run_scoped3A = tpu.sem_alloc : memref<!tpu.dma_semaphore, #tpu.memory_space<semaphore_mem>>
        %dma_start3A = arith.constant 9984 : i32
        %dma_start3A_23 = arith.constant 0 : i32
        %dma_start3A_24 = tpu.memref_slice %arg7[%dma_start3A, %dma_start3A_23] : memref<10016x128xf32, #tpu.memory_space<vmem_shared>> -> memref<16x128xf32, #tpu.memory_space<vmem_shared>>
        %dma_start3A_25 = arith.constant 0 : i32
        %dma_start3A_26 = arith.constant 0 : i32
        %dma_start3A_27 = tpu.memref_slice %arg5[%dma_start3A_25, %dma_start3A_26] : memref<624x128xf32, #tpu.memory_space<hbm>> -> memref<16x128xf32, #tpu.memory_space<hbm>>
        tpu.enqueue_dma source(%dma_start3A_27 : memref<16x128xf32, #tpu.memory_space<hbm>>) target(%dma_start3A_24 : memref<16x128xf32, #tpu.memory_space<vmem_shared>>) target_semaphore(%run_scoped3A : memref<!tpu.dma_semaphore, #tpu.memory_space<semaphore_mem>>)
        %dma_wait3A = arith.constant 9984 : i32
        %dma_wait3A_28 = arith.constant 0 : i32
        %dma_wait3A_29 = tpu.memref_slice %arg7[%dma_wait3A, %dma_wait3A_28] : memref<10016x128xf32, #tpu.memory_space<vmem_shared>> -> memref<16x128xf32, #tpu.memory_space<vmem_shared>>
        %dma_wait3A_30 = arith.constant 0 : i32
        %dma_wait3A_31 = arith.constant 0 : i32
        %dma_wait3A_32 = tpu.memref_slice %arg5[%dma_wait3A_30, %dma_wait3A_31] : memref<624x128xf32, #tpu.memory_space<hbm>> -> memref<16x128xf32, #tpu.memory_space<hbm>>
        tpu.wait_dma2 semaphore(%run_scoped3A : memref<!tpu.dma_semaphore, #tpu.memory_space<semaphore_mem>>) src(%dma_wait3A_32 : memref<16x128xf32, #tpu.memory_space<hbm>>) dst(%dma_wait3A_29 : memref<16x128xf32, #tpu.memory_space<vmem_shared>>)
        tpu.yield
      }) : () -> ()
    } else {
    }
    %barrier3A = arith.constant 0 : index
    tpu.barrier barrier_id(%barrier3A)
    %scan3A = arith.constant 0 : i32
    %scan3A_5 = arith.constant 0 : i32
    %scan3A_6 = arith.constant 79 : i32
    %scan3A_7 = arith.addi %scan3A_5, %scan3A_6 : i32
    %scan3A_8 = arith.constant 1 : i32
    scf.for %scan3A_23 = %scan3A_5 to %scan3A_7 step %scan3A_8  : i32 {
      %mul3A_24 = arith.constant 79 : i32
      %mul3A_25 = arith.muli %add3A, %mul3A_24 : i32
      %add3A_26 = arith.addi %mul3A_25, %scan3A_23 : i32
      %mul3A_27 = arith.constant 128 : i32
      %mul3A_28 = arith.muli %add3A_26, %mul3A_27 : i32
      %multiple_of3A = tpu.assume_multiple %mul3A_28, 128 : i32
      %dma_start3A = tpu.memref_slice %arg3[%multiple_of3A] : memref<323584xi32, #tpu.memory_space<hbm>> -> memref<128xi32, #tpu.memory_space<hbm>>
      %dma_start3A_29 = tpu.memref_slice %arg3[%multiple_of3A] : memref<323584xi32, #tpu.memory_space<hbm>> -> memref<128xi32, #tpu.memory_space<hbm>>
      tpu.enqueue_dma source(%dma_start3A_29 : memref<128xi32, #tpu.memory_space<hbm>>) target(%arg8 : memref<128xi32, #tpu.memory_space<vmem>>) target_semaphore(%arg12 : memref<!tpu.dma_semaphore, #tpu.memory_space<semaphore_mem>>)
      %dma_start3A_30 = tpu.memref_slice %arg4[%multiple_of3A] : memref<323584xi32, #tpu.memory_space<hbm>> -> memref<128xi32, #tpu.memory_space<hbm>>
      %dma_start3A_31 = tpu.memref_slice %arg4[%multiple_of3A] : memref<323584xi32, #tpu.memory_space<hbm>> -> memref<128xi32, #tpu.memory_space<hbm>>
      tpu.enqueue_dma source(%dma_start3A_31 : memref<128xi32, #tpu.memory_space<hbm>>) target(%arg9 : memref<128xi32, #tpu.memory_space<vmem>>) target_semaphore(%arg12 : memref<!tpu.dma_semaphore, #tpu.memory_space<semaphore_mem>>)
      %dma_wait3A = tpu.memref_slice %arg3[%multiple_of3A] : memref<323584xi32, #tpu.memory_space<hbm>> -> memref<128xi32, #tpu.memory_space<hbm>>
      %dma_wait3A_32 = tpu.memref_slice %arg3[%multiple_of3A] : memref<323584xi32, #tpu.memory_space<hbm>> -> memref<128xi32, #tpu.memory_space<hbm>>
      tpu.wait_dma2 semaphore(%arg12 : memref<!tpu.dma_semaphore, #tpu.memory_space<semaphore_mem>>) src(%dma_wait3A_32 : memref<128xi32, #tpu.memory_space<hbm>>) dst(%arg8 : memref<128xi32, #tpu.memory_space<vmem>>)
      %dma_wait3A_33 = tpu.memref_slice %arg4[%multiple_of3A] : memref<323584xi32, #tpu.memory_space<hbm>> -> memref<128xi32, #tpu.memory_space<hbm>>
      %dma_wait3A_34 = tpu.memref_slice %arg4[%multiple_of3A] : memref<323584xi32, #tpu.memory_space<hbm>> -> memref<128xi32, #tpu.memory_space<hbm>>
      tpu.wait_dma2 semaphore(%arg12 : memref<!tpu.dma_semaphore, #tpu.memory_space<semaphore_mem>>) src(%dma_wait3A_34 : memref<128xi32, #tpu.memory_space<hbm>>) dst(%arg9 : memref<128xi32, #tpu.memory_space<vmem>>)
      %dma_start3A_35 = arith.constant 0 : i32
      %dma_start3A_36 = arith.constant 0 : i32
      %dma_start3A_37 = tpu.memref_slice %arg2[%dma_start3A_35, %dma_start3A_36] : memref<10000x128xf32, #tpu.memory_space<hbm>> -> memref<10000x128xf32, #tpu.memory_space<hbm>>
      tpu.enqueue_indirect_dma source(%dma_start3A_37 : memref<10000x128xf32, #tpu.memory_space<hbm>>) target(%arg10 : memref<128x128xf32, #tpu.memory_space<vmem>>) offsets(%arg8 : memref<128xi32, #tpu.memory_space<vmem>>) semaphore(%arg11 : memref<!tpu.dma_semaphore, #tpu.memory_space<semaphore_mem>>)
      %dma_wait3A_38 = arith.constant 0 : i32
      %dma_wait3A_39 = arith.constant 0 : i32
      %dma_wait3A_40 = tpu.memref_slice %arg2[%dma_wait3A_38, %dma_wait3A_39] : memref<10000x128xf32, #tpu.memory_space<hbm>> -> memref<10000x128xf32, #tpu.memory_space<hbm>>
      tpu.wait_indirect_dma semaphore(%arg11 : memref<!tpu.dma_semaphore, #tpu.memory_space<semaphore_mem>>) src(%dma_wait3A_40 : memref<10000x128xf32, #tpu.memory_space<hbm>>) dst(%arg10 : memref<128x128xf32, #tpu.memory_space<vmem>>)
      "tpu.region"() ({
        %run_scoped3A = tpu.sem_alloc : memref<!tpu.dma_semaphore, #tpu.memory_space<semaphore_mem>>
        %dma_start3A_41 = arith.constant 0 : i32
        %dma_start3A_42 = arith.constant 0 : i32
        %dma_start3A_43 = tpu.memref_slice %arg7[%dma_start3A_41, %dma_start3A_42] : memref<10016x128xf32, #tpu.memory_space<vmem_shared>> -> memref<10016x128xf32, #tpu.memory_space<vmem_shared>>
        tpu.enqueue_indirect_dma source(%arg10 : memref<128x128xf32, #tpu.memory_space<vmem>>) target(%dma_start3A_43 : memref<10016x128xf32, #tpu.memory_space<vmem_shared>>) offsets(%arg9 : memref<128xi32, #tpu.memory_space<vmem>>) semaphore(%run_scoped3A : memref<!tpu.dma_semaphore, #tpu.memory_space<semaphore_mem>>) {add = true}
        %dma_wait3A_44 = arith.constant 0 : i32
        %dma_wait3A_45 = arith.constant 0 : i32
        %dma_wait3A_46 = tpu.memref_slice %arg7[%dma_wait3A_44, %dma_wait3A_45] : memref<10016x128xf32, #tpu.memory_space<vmem_shared>> -> memref<10016x128xf32, #tpu.memory_space<vmem_shared>>
        tpu.wait_indirect_dma semaphore(%run_scoped3A : memref<!tpu.dma_semaphore, #tpu.memory_space<semaphore_mem>>) src(%arg10 : memref<128x128xf32, #tpu.memory_space<vmem>>) dst(%dma_wait3A_46 : memref<10016x128xf32, #tpu.memory_space<vmem_shared>>)
        tpu.yield
      }) : () -> ()
    }
    %scan3A_9 = arith.constant 79 : i32
    %barrier3A_10 = arith.constant 0 : index
    tpu.barrier barrier_id(%barrier3A_10)
    %mul3A_11 = arith.constant 10000 : i32
    %mul3A_12 = arith.muli %arg0, %mul3A_11 : i32
    %mul3A_13 = arith.constant 624 : i32
    %mul3A_14 = arith.muli %arg1, %mul3A_13 : i32
    %add3A_15 = arith.addi %mul3A_12, %mul3A_14 : i32
    %mul3A_16 = arith.constant 624 : i32
    %mul3A_17 = arith.muli %arg1, %mul3A_16 : i32
    "tpu.region"() ({
      %run_scoped3A = tpu.sem_alloc : memref<!tpu.dma_semaphore, #tpu.memory_space<semaphore_mem>>
      %dma_start3A = arith.constant 0 : i32
      %dma_start3A_23 = tpu.memref_slice %arg6[%add3A_15, %dma_start3A] : memref<20000x128xf32, #tpu.memory_space<hbm>> -> memref<624x128xf32, #tpu.memory_space<hbm>>
      %dma_start3A_24 = arith.constant 0 : i32
      %dma_start3A_25 = tpu.memref_slice %arg7[%mul3A_17, %dma_start3A_24] : memref<10016x128xf32, #tpu.memory_space<vmem_shared>> -> memref<624x128xf32, #tpu.memory_space<vmem_shared>>
      tpu.enqueue_dma source(%dma_start3A_25 : memref<624x128xf32, #tpu.memory_space<vmem_shared>>) target(%dma_start3A_23 : memref<624x128xf32, #tpu.memory_space<hbm>>) target_semaphore(%run_scoped3A : memref<!tpu.dma_semaphore, #tpu.memory_space<semaphore_mem>>)
      %dma_wait3A = arith.constant 0 : i32
      %dma_wait3A_26 = tpu.memref_slice %arg6[%add3A_15, %dma_wait3A] : memref<20000x128xf32, #tpu.memory_space<hbm>> -> memref<624x128xf32, #tpu.memory_space<hbm>>
      %dma_wait3A_27 = arith.constant 0 : i32
      %dma_wait3A_28 = tpu.memref_slice %arg7[%mul3A_17, %dma_wait3A_27] : memref<10016x128xf32, #tpu.memory_space<vmem_shared>> -> memref<624x128xf32, #tpu.memory_space<vmem_shared>>
      tpu.wait_dma2 semaphore(%run_scoped3A : memref<!tpu.dma_semaphore, #tpu.memory_space<semaphore_mem>>) src(%dma_wait3A_28 : memref<624x128xf32, #tpu.memory_space<vmem_shared>>) dst(%dma_wait3A_26 : memref<624x128xf32, #tpu.memory_space<hbm>>)
      tpu.yield
    }) : () -> ()
    %eq3A_18 = arith.constant 15 : i32
    %eq3A_19 = arith.cmpi eq, %arg1, %eq3A_18 : i32
    %convert_element_type3A_20 = arith.extui %eq3A_19 : i1 to i32
    %cond3A_21 = arith.constant 0 : i32
    %cond3A_22 = arith.cmpi ne, %convert_element_type3A_20, %cond3A_21 : i32
    scf.if %cond3A_22 {
      %mul3A_23 = arith.constant 10000 : i32
      %mul3A_24 = arith.muli %arg0, %mul3A_23 : i32
      %add3A_25 = arith.constant 9984 : i32
      %add3A_26 = arith.addi %mul3A_24, %add3A_25 : i32
      "tpu.region"() ({
        %run_scoped3A = tpu.sem_alloc : memref<!tpu.dma_semaphore, #tpu.memory_space<semaphore_mem>>
        %dma_start3A = arith.constant 0 : i32
        %dma_start3A_27 = tpu.memref_slice %arg6[%add3A_26, %dma_start3A] : memref<20000x128xf32, #tpu.memory_space<hbm>> -> memref<16x128xf32, #tpu.memory_space<hbm>>
        %dma_start3A_28 = arith.constant 9984 : i32
        %dma_start3A_29 = arith.constant 0 : i32
        %dma_start3A_30 = tpu.memref_slice %arg7[%dma_start3A_28, %dma_start3A_29] : memref<10016x128xf32, #tpu.memory_space<vmem_shared>> -> memref<16x128xf32, #tpu.memory_space<vmem_shared>>
        tpu.enqueue_dma source(%dma_start3A_30 : memref<16x128xf32, #tpu.memory_space<vmem_shared>>) target(%dma_start3A_27 : memref<16x128xf32, #tpu.memory_space<hbm>>) target_semaphore(%run_scoped3A : memref<!tpu.dma_semaphore, #tpu.memory_space<semaphore_mem>>)
        %dma_wait3A = arith.constant 0 : i32
        %dma_wait3A_31 = tpu.memref_slice %arg6[%add3A_26, %dma_wait3A] : memref<20000x128xf32, #tpu.memory_space<hbm>> -> memref<16x128xf32, #tpu.memory_space<hbm>>
        %dma_wait3A_32 = arith.constant 9984 : i32
        %dma_wait3A_33 = arith.constant 0 : i32
        %dma_wait3A_34 = tpu.memref_slice %arg7[%dma_wait3A_32, %dma_wait3A_33] : memref<10016x128xf32, #tpu.memory_space<vmem_shared>> -> memref<16x128xf32, #tpu.memory_space<vmem_shared>>
        tpu.wait_dma2 semaphore(%run_scoped3A : memref<!tpu.dma_semaphore, #tpu.memory_space<semaphore_mem>>) src(%dma_wait3A_34 : memref<16x128xf32, #tpu.memory_space<vmem_shared>>) dst(%dma_wait3A_31 : memref<16x128xf32, #tpu.memory_space<hbm>>)
        tpu.yield
      }) : () -> ()
    } else {
    }
    return
  }
}

#map = affine_map<(d0, d1) -> (0, 0)>
#map1 = affine_map<(d0, d1) -> (0)>
module attributes {stable_mosaic.version = 14 : i64} {
  func.func @_sc_edge(%arg0: i32, %arg1: i32, %arg2: memref<10000x128xf32, #tpu.memory_space<hbm>>, %arg3: memref<323584xi32, #tpu.memory_space<hbm>>, %arg4: memref<323584xi32, #tpu.memory_space<hbm>>, %arg5: memref<624x128xf32, #tpu.memory_space<hbm>>, %arg6: memref<20000x128xf32, #tpu.memory_space<hbm>>, %arg7: memref<10016x128xf32, #tpu.memory_space<vmem_shared>>, %arg8: memref<128xi32, #tpu.memory_space<vmem>>, %arg9: memref<128xi32, #tpu.memory_space<vmem>>, %arg10: memref<128x128xf32, #tpu.memory_space<vmem>>, %arg11: memref<!tpu.dma_semaphore, #tpu.memory_space<semaphore_mem>>, %arg12: memref<!tpu.dma_semaphore, #tpu.memory_space<semaphore_mem>>) attributes {dimension_semantics = [#tpu.dimension_semantics<core_parallel>, #tpu.dimension_semantics<subcore_parallel>], iteration_bounds = array<i64: 2, 16>, scalar_prefetch = 0 : i64, scratch_operands = 6 : i64, tpu.core_type = #tpu.core_type<sc_vector_subcore>, window_params = [{transform_indices = #map}, {transform_indices = #map1}, {transform_indices = #map1}, {transform_indices = #map}, {transform_indices = #map}]} {
    %mul3A = arith.constant 16 : i32
    %mul3A_0 = arith.muli %arg0, %mul3A : i32
    %add3A = arith.addi %mul3A_0, %arg1 : i32
    %mul3A_1 = arith.constant 624 : i32
    %mul3A_2 = arith.muli %arg1, %mul3A_1 : i32
    "tpu.region"() ({
      %run_scoped3A = tpu.sem_alloc : memref<!tpu.dma_semaphore, #tpu.memory_space<semaphore_mem>>
      %dma_start3A = arith.constant 0 : i32
      %dma_start3A_23 = tpu.memref_slice %arg7[%mul3A_2, %dma_start3A] : memref<10016x128xf32, #tpu.memory_space<vmem_shared>> -> memref<624x128xf32, #tpu.memory_space<vmem_shared>>
      tpu.enqueue_dma source(%arg5 : memref<624x128xf32, #tpu.memory_space<hbm>>) target(%dma_start3A_23 : memref<624x128xf32, #tpu.memory_space<vmem_shared>>) target_semaphore(%run_scoped3A : memref<!tpu.dma_semaphore, #tpu.memory_space<semaphore_mem>>)
      %dma_wait3A = arith.constant 0 : i32
      %dma_wait3A_24 = tpu.memref_slice %arg7[%mul3A_2, %dma_wait3A] : memref<10016x128xf32, #tpu.memory_space<vmem_shared>> -> memref<624x128xf32, #tpu.memory_space<vmem_shared>>
      tpu.wait_dma2 semaphore(%run_scoped3A : memref<!tpu.dma_semaphore, #tpu.memory_space<semaphore_mem>>) src(%arg5 : memref<624x128xf32, #tpu.memory_space<hbm>>) dst(%dma_wait3A_24 : memref<624x128xf32, #tpu.memory_space<vmem_shared>>)
      tpu.yield
    }) : () -> ()
    %eq3A = arith.constant 15 : i32
    %eq3A_3 = arith.cmpi eq, %arg1, %eq3A : i32
    %convert_element_type3A = arith.extui %eq3A_3 : i1 to i32
    %cond3A = arith.constant 0 : i32
    %cond3A_4 = arith.cmpi ne, %convert_element_type3A, %cond3A : i32
    scf.if %cond3A_4 {
      "tpu.region"() ({
        %run_scoped3A = tpu.sem_alloc : memref<!tpu.dma_semaphore, #tpu.memory_space<semaphore_mem>>
        %dma_start3A = arith.constant 9984 : i32
        %dma_start3A_23 = arith.constant 0 : i32
        %dma_start3A_24 = tpu.memref_slice %arg7[%dma_start3A, %dma_start3A_23] : memref<10016x128xf32, #tpu.memory_space<vmem_shared>> -> memref<16x128xf32, #tpu.memory_space<vmem_shared>>
        %dma_start3A_25 = arith.constant 0 : i32
        %dma_start3A_26 = arith.constant 0 : i32
        %dma_start3A_27 = tpu.memref_slice %arg5[%dma_start3A_25, %dma_start3A_26] : memref<624x128xf32, #tpu.memory_space<hbm>> -> memref<16x128xf32, #tpu.memory_space<hbm>>
        tpu.enqueue_dma source(%dma_start3A_27 : memref<16x128xf32, #tpu.memory_space<hbm>>) target(%dma_start3A_24 : memref<16x128xf32, #tpu.memory_space<vmem_shared>>) target_semaphore(%run_scoped3A : memref<!tpu.dma_semaphore, #tpu.memory_space<semaphore_mem>>)
        %dma_wait3A = arith.constant 9984 : i32
        %dma_wait3A_28 = arith.constant 0 : i32
        %dma_wait3A_29 = tpu.memref_slice %arg7[%dma_wait3A, %dma_wait3A_28] : memref<10016x128xf32, #tpu.memory_space<vmem_shared>> -> memref<16x128xf32, #tpu.memory_space<vmem_shared>>
        %dma_wait3A_30 = arith.constant 0 : i32
        %dma_wait3A_31 = arith.constant 0 : i32
        %dma_wait3A_32 = tpu.memref_slice %arg5[%dma_wait3A_30, %dma_wait3A_31] : memref<624x128xf32, #tpu.memory_space<hbm>> -> memref<16x128xf32, #tpu.memory_space<hbm>>
        tpu.wait_dma2 semaphore(%run_scoped3A : memref<!tpu.dma_semaphore, #tpu.memory_space<semaphore_mem>>) src(%dma_wait3A_32 : memref<16x128xf32, #tpu.memory_space<hbm>>) dst(%dma_wait3A_29 : memref<16x128xf32, #tpu.memory_space<vmem_shared>>)
        tpu.yield
      }) : () -> ()
    } else {
    }
    %barrier3A = arith.constant 0 : index
    tpu.barrier barrier_id(%barrier3A)
    %scan3A = arith.constant 0 : i32
    %scan3A_5 = arith.constant 0 : i32
    %scan3A_6 = arith.constant 79 : i32
    %scan3A_7 = arith.addi %scan3A_5, %scan3A_6 : i32
    %scan3A_8 = arith.constant 1 : i32
    scf.for %scan3A_23 = %scan3A_5 to %scan3A_7 step %scan3A_8  : i32 {
      %mul3A_24 = arith.constant 79 : i32
      %mul3A_25 = arith.muli %add3A, %mul3A_24 : i32
      %add3A_26 = arith.addi %mul3A_25, %scan3A_23 : i32
      %mul3A_27 = arith.constant 128 : i32
      %mul3A_28 = arith.muli %add3A_26, %mul3A_27 : i32
      %multiple_of3A = tpu.assume_multiple %mul3A_28, 128 : i32
      %dma_start3A = tpu.memref_slice %arg3[%multiple_of3A] : memref<323584xi32, #tpu.memory_space<hbm>> -> memref<128xi32, #tpu.memory_space<hbm>>
      %dma_start3A_29 = tpu.memref_slice %arg3[%multiple_of3A] : memref<323584xi32, #tpu.memory_space<hbm>> -> memref<128xi32, #tpu.memory_space<hbm>>
      tpu.enqueue_dma source(%dma_start3A_29 : memref<128xi32, #tpu.memory_space<hbm>>) target(%arg8 : memref<128xi32, #tpu.memory_space<vmem>>) target_semaphore(%arg12 : memref<!tpu.dma_semaphore, #tpu.memory_space<semaphore_mem>>)
      %dma_start3A_30 = tpu.memref_slice %arg4[%multiple_of3A] : memref<323584xi32, #tpu.memory_space<hbm>> -> memref<128xi32, #tpu.memory_space<hbm>>
      %dma_start3A_31 = tpu.memref_slice %arg4[%multiple_of3A] : memref<323584xi32, #tpu.memory_space<hbm>> -> memref<128xi32, #tpu.memory_space<hbm>>
      tpu.enqueue_dma source(%dma_start3A_31 : memref<128xi32, #tpu.memory_space<hbm>>) target(%arg9 : memref<128xi32, #tpu.memory_space<vmem>>) target_semaphore(%arg12 : memref<!tpu.dma_semaphore, #tpu.memory_space<semaphore_mem>>)
      %dma_wait3A = tpu.memref_slice %arg3[%multiple_of3A] : memref<323584xi32, #tpu.memory_space<hbm>> -> memref<128xi32, #tpu.memory_space<hbm>>
      %dma_wait3A_32 = tpu.memref_slice %arg3[%multiple_of3A] : memref<323584xi32, #tpu.memory_space<hbm>> -> memref<128xi32, #tpu.memory_space<hbm>>
      tpu.wait_dma2 semaphore(%arg12 : memref<!tpu.dma_semaphore, #tpu.memory_space<semaphore_mem>>) src(%dma_wait3A_32 : memref<128xi32, #tpu.memory_space<hbm>>) dst(%arg8 : memref<128xi32, #tpu.memory_space<vmem>>)
      %dma_wait3A_33 = tpu.memref_slice %arg4[%multiple_of3A] : memref<323584xi32, #tpu.memory_space<hbm>> -> memref<128xi32, #tpu.memory_space<hbm>>
      %dma_wait3A_34 = tpu.memref_slice %arg4[%multiple_of3A] : memref<323584xi32, #tpu.memory_space<hbm>> -> memref<128xi32, #tpu.memory_space<hbm>>
      tpu.wait_dma2 semaphore(%arg12 : memref<!tpu.dma_semaphore, #tpu.memory_space<semaphore_mem>>) src(%dma_wait3A_34 : memref<128xi32, #tpu.memory_space<hbm>>) dst(%arg9 : memref<128xi32, #tpu.memory_space<vmem>>)
      %dma_start3A_35 = arith.constant 0 : i32
      %dma_start3A_36 = arith.constant 0 : i32
      %dma_start3A_37 = tpu.memref_slice %arg2[%dma_start3A_35, %dma_start3A_36] : memref<10000x128xf32, #tpu.memory_space<hbm>> -> memref<10000x128xf32, #tpu.memory_space<hbm>>
      tpu.enqueue_indirect_dma source(%dma_start3A_37 : memref<10000x128xf32, #tpu.memory_space<hbm>>) target(%arg10 : memref<128x128xf32, #tpu.memory_space<vmem>>) offsets(%arg8 : memref<128xi32, #tpu.memory_space<vmem>>) semaphore(%arg11 : memref<!tpu.dma_semaphore, #tpu.memory_space<semaphore_mem>>)
      %dma_wait3A_38 = arith.constant 0 : i32
      %dma_wait3A_39 = arith.constant 0 : i32
      %dma_wait3A_40 = tpu.memref_slice %arg2[%dma_wait3A_38, %dma_wait3A_39] : memref<10000x128xf32, #tpu.memory_space<hbm>> -> memref<10000x128xf32, #tpu.memory_space<hbm>>
      tpu.wait_indirect_dma semaphore(%arg11 : memref<!tpu.dma_semaphore, #tpu.memory_space<semaphore_mem>>) src(%dma_wait3A_40 : memref<10000x128xf32, #tpu.memory_space<hbm>>) dst(%arg10 : memref<128x128xf32, #tpu.memory_space<vmem>>)
      "tpu.region"() ({
        %run_scoped3A = tpu.sem_alloc : memref<!tpu.dma_semaphore, #tpu.memory_space<semaphore_mem>>
        %dma_start3A_41 = arith.constant 0 : i32
        %dma_start3A_42 = arith.constant 0 : i32
        %dma_start3A_43 = tpu.memref_slice %arg7[%dma_start3A_41, %dma_start3A_42] : memref<10016x128xf32, #tpu.memory_space<vmem_shared>> -> memref<10016x128xf32, #tpu.memory_space<vmem_shared>>
        tpu.enqueue_indirect_dma source(%arg10 : memref<128x128xf32, #tpu.memory_space<vmem>>) target(%dma_start3A_43 : memref<10016x128xf32, #tpu.memory_space<vmem_shared>>) offsets(%arg9 : memref<128xi32, #tpu.memory_space<vmem>>) semaphore(%run_scoped3A : memref<!tpu.dma_semaphore, #tpu.memory_space<semaphore_mem>>) {add = true}
        %dma_wait3A_44 = arith.constant 0 : i32
        %dma_wait3A_45 = arith.constant 0 : i32
        %dma_wait3A_46 = tpu.memref_slice %arg7[%dma_wait3A_44, %dma_wait3A_45] : memref<10016x128xf32, #tpu.memory_space<vmem_shared>> -> memref<10016x128xf32, #tpu.memory_space<vmem_shared>>
        tpu.wait_indirect_dma semaphore(%run_scoped3A : memref<!tpu.dma_semaphore, #tpu.memory_space<semaphore_mem>>) src(%arg10 : memref<128x128xf32, #tpu.memory_space<vmem>>) dst(%dma_wait3A_46 : memref<10016x128xf32, #tpu.memory_space<vmem_shared>>)
        tpu.yield
      }) : () -> ()
    }
    %scan3A_9 = arith.constant 79 : i32
    %barrier3A_10 = arith.constant 0 : index
    tpu.barrier barrier_id(%barrier3A_10)
    %mul3A_11 = arith.constant 10000 : i32
    %mul3A_12 = arith.muli %arg0, %mul3A_11 : i32
    %mul3A_13 = arith.constant 624 : i32
    %mul3A_14 = arith.muli %arg1, %mul3A_13 : i32
    %add3A_15 = arith.addi %mul3A_12, %mul3A_14 : i32
    %mul3A_16 = arith.constant 624 : i32
    %mul3A_17 = arith.muli %arg1, %mul3A_16 : i32
    "tpu.region"() ({
      %run_scoped3A = tpu.sem_alloc : memref<!tpu.dma_semaphore, #tpu.memory_space<semaphore_mem>>
      %dma_start3A = arith.constant 0 : i32
      %dma_start3A_23 = tpu.memref_slice %arg6[%add3A_15, %dma_start3A] : memref<20000x128xf32, #tpu.memory_space<hbm>> -> memref<624x128xf32, #tpu.memory_space<hbm>>
      %dma_start3A_24 = arith.constant 0 : i32
      %dma_start3A_25 = tpu.memref_slice %arg7[%mul3A_17, %dma_start3A_24] : memref<10016x128xf32, #tpu.memory_space<vmem_shared>> -> memref<624x128xf32, #tpu.memory_space<vmem_shared>>
      tpu.enqueue_dma source(%dma_start3A_25 : memref<624x128xf32, #tpu.memory_space<vmem_shared>>) target(%dma_start3A_23 : memref<624x128xf32, #tpu.memory_space<hbm>>) target_semaphore(%run_scoped3A : memref<!tpu.dma_semaphore, #tpu.memory_space<semaphore_mem>>)
      %dma_wait3A = arith.constant 0 : i32
      %dma_wait3A_26 = tpu.memref_slice %arg6[%add3A_15, %dma_wait3A] : memref<20000x128xf32, #tpu.memory_space<hbm>> -> memref<624x128xf32, #tpu.memory_space<hbm>>
      %dma_wait3A_27 = arith.constant 0 : i32
      %dma_wait3A_28 = tpu.memref_slice %arg7[%mul3A_17, %dma_wait3A_27] : memref<10016x128xf32, #tpu.memory_space<vmem_shared>> -> memref<624x128xf32, #tpu.memory_space<vmem_shared>>
      tpu.wait_dma2 semaphore(%run_scoped3A : memref<!tpu.dma_semaphore, #tpu.memory_space<semaphore_mem>>) src(%dma_wait3A_28 : memref<624x128xf32, #tpu.memory_space<vmem_shared>>) dst(%dma_wait3A_26 : memref<624x128xf32, #tpu.memory_space<hbm>>)
      tpu.yield
    }) : () -> ()
    %eq3A_18 = arith.constant 15 : i32
    %eq3A_19 = arith.cmpi eq, %arg1, %eq3A_18 : i32
    %convert_element_type3A_20 = arith.extui %eq3A_19 : i1 to i32
    %cond3A_21 = arith.constant 0 : i32
    %cond3A_22 = arith.cmpi ne, %convert_element_type3A_20, %cond3A_21 : i32
    scf.if %cond3A_22 {
      %mul3A_23 = arith.constant 10000 : i32
      %mul3A_24 = arith.muli %arg0, %mul3A_23 : i32
      %add3A_25 = arith.constant 9984 : i32
      %add3A_26 = arith.addi %mul3A_24, %add3A_25 : i32
      "tpu.region"() ({
        %run_scoped3A = tpu.sem_alloc : memref<!tpu.dma_semaphore, #tpu.memory_space<semaphore_mem>>
        %dma_start3A = arith.constant 0 : i32
        %dma_start3A_27 = tpu.memref_slice %arg6[%add3A_26, %dma_start3A] : memref<20000x128xf32, #tpu.memory_space<hbm>> -> memref<16x128xf32, #tpu.memory_space<hbm>>
        %dma_start3A_28 = arith.constant 9984 : i32
        %dma_start3A_29 = arith.constant 0 : i32
        %dma_start3A_30 = tpu.memref_slice %arg7[%dma_start3A_28, %dma_start3A_29] : memref<10016x128xf32, #tpu.memory_space<vmem_shared>> -> memref<16x128xf32, #tpu.memory_space<vmem_shared>>
        tpu.enqueue_dma source(%dma_start3A_30 : memref<16x128xf32, #tpu.memory_space<vmem_shared>>) target(%dma_start3A_27 : memref<16x128xf32, #tpu.memory_space<hbm>>) target_semaphore(%run_scoped3A : memref<!tpu.dma_semaphore, #tpu.memory_space<semaphore_mem>>)
        %dma_wait3A = arith.constant 0 : i32
        %dma_wait3A_31 = tpu.memref_slice %arg6[%add3A_26, %dma_wait3A] : memref<20000x128xf32, #tpu.memory_space<hbm>> -> memref<16x128xf32, #tpu.memory_space<hbm>>
        %dma_wait3A_32 = arith.constant 9984 : i32
        %dma_wait3A_33 = arith.constant 0 : i32
        %dma_wait3A_34 = tpu.memref_slice %arg7[%dma_wait3A_32, %dma_wait3A_33] : memref<10016x128xf32, #tpu.memory_space<vmem_shared>> -> memref<16x128xf32, #tpu.memory_space<vmem_shared>>
        tpu.wait_dma2 semaphore(%run_scoped3A : memref<!tpu.dma_semaphore, #tpu.memory_space<semaphore_mem>>) src(%dma_wait3A_34 : memref<16x128xf32, #tpu.memory_space<vmem_shared>>) dst(%dma_wait3A_31 : memref<16x128xf32, #tpu.memory_space<hbm>>)
        tpu.yield
      }) : () -> ()
    } else {
    }
    return
  }
}

#map = affine_map<(d0, d1) -> (0, 0)>
#map1 = affine_map<(d0, d1) -> (0)>
module attributes {stable_mosaic.version = 14 : i64} {
  func.func @_sc_edge(%arg0: i32, %arg1: i32, %arg2: memref<10000x128xf32, #tpu.memory_space<hbm>>, %arg3: memref<323584xi32, #tpu.memory_space<hbm>>, %arg4: memref<323584xi32, #tpu.memory_space<hbm>>, %arg5: memref<624x128xf32, #tpu.memory_space<hbm>>, %arg6: memref<20000x128xf32, #tpu.memory_space<hbm>>, %arg7: memref<10016x128xf32, #tpu.memory_space<vmem_shared>>, %arg8: memref<128xi32, #tpu.memory_space<vmem>>, %arg9: memref<128xi32, #tpu.memory_space<vmem>>, %arg10: memref<128x128xf32, #tpu.memory_space<vmem>>, %arg11: memref<!tpu.dma_semaphore, #tpu.memory_space<semaphore_mem>>, %arg12: memref<!tpu.dma_semaphore, #tpu.memory_space<semaphore_mem>>) attributes {dimension_semantics = [#tpu.dimension_semantics<core_parallel>, #tpu.dimension_semantics<subcore_parallel>], iteration_bounds = array<i64: 2, 16>, scalar_prefetch = 0 : i64, scratch_operands = 6 : i64, tpu.core_type = #tpu.core_type<sc_vector_subcore>, window_params = [{transform_indices = #map}, {transform_indices = #map1}, {transform_indices = #map1}, {transform_indices = #map}, {transform_indices = #map}]} {
    %mul3A = arith.constant 16 : i32
    %mul3A_0 = arith.muli %arg0, %mul3A : i32
    %add3A = arith.addi %mul3A_0, %arg1 : i32
    %mul3A_1 = arith.constant 624 : i32
    %mul3A_2 = arith.muli %arg1, %mul3A_1 : i32
    "tpu.region"() ({
      %run_scoped3A = tpu.sem_alloc : memref<!tpu.dma_semaphore, #tpu.memory_space<semaphore_mem>>
      %dma_start3A = arith.constant 0 : i32
      %dma_start3A_23 = tpu.memref_slice %arg7[%mul3A_2, %dma_start3A] : memref<10016x128xf32, #tpu.memory_space<vmem_shared>> -> memref<624x128xf32, #tpu.memory_space<vmem_shared>>
      tpu.enqueue_dma source(%arg5 : memref<624x128xf32, #tpu.memory_space<hbm>>) target(%dma_start3A_23 : memref<624x128xf32, #tpu.memory_space<vmem_shared>>) target_semaphore(%run_scoped3A : memref<!tpu.dma_semaphore, #tpu.memory_space<semaphore_mem>>)
      %dma_wait3A = arith.constant 0 : i32
      %dma_wait3A_24 = tpu.memref_slice %arg7[%mul3A_2, %dma_wait3A] : memref<10016x128xf32, #tpu.memory_space<vmem_shared>> -> memref<624x128xf32, #tpu.memory_space<vmem_shared>>
      tpu.wait_dma2 semaphore(%run_scoped3A : memref<!tpu.dma_semaphore, #tpu.memory_space<semaphore_mem>>) src(%arg5 : memref<624x128xf32, #tpu.memory_space<hbm>>) dst(%dma_wait3A_24 : memref<624x128xf32, #tpu.memory_space<vmem_shared>>)
      tpu.yield
    }) : () -> ()
    %eq3A = arith.constant 15 : i32
    %eq3A_3 = arith.cmpi eq, %arg1, %eq3A : i32
    %convert_element_type3A = arith.extui %eq3A_3 : i1 to i32
    %cond3A = arith.constant 0 : i32
    %cond3A_4 = arith.cmpi ne, %convert_element_type3A, %cond3A : i32
    scf.if %cond3A_4 {
      "tpu.region"() ({
        %run_scoped3A = tpu.sem_alloc : memref<!tpu.dma_semaphore, #tpu.memory_space<semaphore_mem>>
        %dma_start3A = arith.constant 9984 : i32
        %dma_start3A_23 = arith.constant 0 : i32
        %dma_start3A_24 = tpu.memref_slice %arg7[%dma_start3A, %dma_start3A_23] : memref<10016x128xf32, #tpu.memory_space<vmem_shared>> -> memref<16x128xf32, #tpu.memory_space<vmem_shared>>
        %dma_start3A_25 = arith.constant 0 : i32
        %dma_start3A_26 = arith.constant 0 : i32
        %dma_start3A_27 = tpu.memref_slice %arg5[%dma_start3A_25, %dma_start3A_26] : memref<624x128xf32, #tpu.memory_space<hbm>> -> memref<16x128xf32, #tpu.memory_space<hbm>>
        tpu.enqueue_dma source(%dma_start3A_27 : memref<16x128xf32, #tpu.memory_space<hbm>>) target(%dma_start3A_24 : memref<16x128xf32, #tpu.memory_space<vmem_shared>>) target_semaphore(%run_scoped3A : memref<!tpu.dma_semaphore, #tpu.memory_space<semaphore_mem>>)
        %dma_wait3A = arith.constant 9984 : i32
        %dma_wait3A_28 = arith.constant 0 : i32
        %dma_wait3A_29 = tpu.memref_slice %arg7[%dma_wait3A, %dma_wait3A_28] : memref<10016x128xf32, #tpu.memory_space<vmem_shared>> -> memref<16x128xf32, #tpu.memory_space<vmem_shared>>
        %dma_wait3A_30 = arith.constant 0 : i32
        %dma_wait3A_31 = arith.constant 0 : i32
        %dma_wait3A_32 = tpu.memref_slice %arg5[%dma_wait3A_30, %dma_wait3A_31] : memref<624x128xf32, #tpu.memory_space<hbm>> -> memref<16x128xf32, #tpu.memory_space<hbm>>
        tpu.wait_dma2 semaphore(%run_scoped3A : memref<!tpu.dma_semaphore, #tpu.memory_space<semaphore_mem>>) src(%dma_wait3A_32 : memref<16x128xf32, #tpu.memory_space<hbm>>) dst(%dma_wait3A_29 : memref<16x128xf32, #tpu.memory_space<vmem_shared>>)
        tpu.yield
      }) : () -> ()
    } else {
    }
    %barrier3A = arith.constant 0 : index
    tpu.barrier barrier_id(%barrier3A)
    %scan3A = arith.constant 0 : i32
    %scan3A_5 = arith.constant 0 : i32
    %scan3A_6 = arith.constant 79 : i32
    %scan3A_7 = arith.addi %scan3A_5, %scan3A_6 : i32
    %scan3A_8 = arith.constant 1 : i32
    scf.for %scan3A_23 = %scan3A_5 to %scan3A_7 step %scan3A_8  : i32 {
      %mul3A_24 = arith.constant 79 : i32
      %mul3A_25 = arith.muli %add3A, %mul3A_24 : i32
      %add3A_26 = arith.addi %mul3A_25, %scan3A_23 : i32
      %mul3A_27 = arith.constant 128 : i32
      %mul3A_28 = arith.muli %add3A_26, %mul3A_27 : i32
      %multiple_of3A = tpu.assume_multiple %mul3A_28, 128 : i32
      %dma_start3A = tpu.memref_slice %arg3[%multiple_of3A] : memref<323584xi32, #tpu.memory_space<hbm>> -> memref<128xi32, #tpu.memory_space<hbm>>
      %dma_start3A_29 = tpu.memref_slice %arg3[%multiple_of3A] : memref<323584xi32, #tpu.memory_space<hbm>> -> memref<128xi32, #tpu.memory_space<hbm>>
      tpu.enqueue_dma source(%dma_start3A_29 : memref<128xi32, #tpu.memory_space<hbm>>) target(%arg8 : memref<128xi32, #tpu.memory_space<vmem>>) target_semaphore(%arg12 : memref<!tpu.dma_semaphore, #tpu.memory_space<semaphore_mem>>)
      %dma_start3A_30 = tpu.memref_slice %arg4[%multiple_of3A] : memref<323584xi32, #tpu.memory_space<hbm>> -> memref<128xi32, #tpu.memory_space<hbm>>
      %dma_start3A_31 = tpu.memref_slice %arg4[%multiple_of3A] : memref<323584xi32, #tpu.memory_space<hbm>> -> memref<128xi32, #tpu.memory_space<hbm>>
      tpu.enqueue_dma source(%dma_start3A_31 : memref<128xi32, #tpu.memory_space<hbm>>) target(%arg9 : memref<128xi32, #tpu.memory_space<vmem>>) target_semaphore(%arg12 : memref<!tpu.dma_semaphore, #tpu.memory_space<semaphore_mem>>)
      %dma_wait3A = tpu.memref_slice %arg3[%multiple_of3A] : memref<323584xi32, #tpu.memory_space<hbm>> -> memref<128xi32, #tpu.memory_space<hbm>>
      %dma_wait3A_32 = tpu.memref_slice %arg3[%multiple_of3A] : memref<323584xi32, #tpu.memory_space<hbm>> -> memref<128xi32, #tpu.memory_space<hbm>>
      tpu.wait_dma2 semaphore(%arg12 : memref<!tpu.dma_semaphore, #tpu.memory_space<semaphore_mem>>) src(%dma_wait3A_32 : memref<128xi32, #tpu.memory_space<hbm>>) dst(%arg8 : memref<128xi32, #tpu.memory_space<vmem>>)
      %dma_wait3A_33 = tpu.memref_slice %arg4[%multiple_of3A] : memref<323584xi32, #tpu.memory_space<hbm>> -> memref<128xi32, #tpu.memory_space<hbm>>
      %dma_wait3A_34 = tpu.memref_slice %arg4[%multiple_of3A] : memref<323584xi32, #tpu.memory_space<hbm>> -> memref<128xi32, #tpu.memory_space<hbm>>
      tpu.wait_dma2 semaphore(%arg12 : memref<!tpu.dma_semaphore, #tpu.memory_space<semaphore_mem>>) src(%dma_wait3A_34 : memref<128xi32, #tpu.memory_space<hbm>>) dst(%arg9 : memref<128xi32, #tpu.memory_space<vmem>>)
      %dma_start3A_35 = arith.constant 0 : i32
      %dma_start3A_36 = arith.constant 0 : i32
      %dma_start3A_37 = tpu.memref_slice %arg2[%dma_start3A_35, %dma_start3A_36] : memref<10000x128xf32, #tpu.memory_space<hbm>> -> memref<10000x128xf32, #tpu.memory_space<hbm>>
      tpu.enqueue_indirect_dma source(%dma_start3A_37 : memref<10000x128xf32, #tpu.memory_space<hbm>>) target(%arg10 : memref<128x128xf32, #tpu.memory_space<vmem>>) offsets(%arg8 : memref<128xi32, #tpu.memory_space<vmem>>) semaphore(%arg11 : memref<!tpu.dma_semaphore, #tpu.memory_space<semaphore_mem>>)
      %dma_wait3A_38 = arith.constant 0 : i32
      %dma_wait3A_39 = arith.constant 0 : i32
      %dma_wait3A_40 = tpu.memref_slice %arg2[%dma_wait3A_38, %dma_wait3A_39] : memref<10000x128xf32, #tpu.memory_space<hbm>> -> memref<10000x128xf32, #tpu.memory_space<hbm>>
      tpu.wait_indirect_dma semaphore(%arg11 : memref<!tpu.dma_semaphore, #tpu.memory_space<semaphore_mem>>) src(%dma_wait3A_40 : memref<10000x128xf32, #tpu.memory_space<hbm>>) dst(%arg10 : memref<128x128xf32, #tpu.memory_space<vmem>>)
      "tpu.region"() ({
        %run_scoped3A = tpu.sem_alloc : memref<!tpu.dma_semaphore, #tpu.memory_space<semaphore_mem>>
        %dma_start3A_41 = arith.constant 0 : i32
        %dma_start3A_42 = arith.constant 0 : i32
        %dma_start3A_43 = tpu.memref_slice %arg7[%dma_start3A_41, %dma_start3A_42] : memref<10016x128xf32, #tpu.memory_space<vmem_shared>> -> memref<10016x128xf32, #tpu.memory_space<vmem_shared>>
        tpu.enqueue_indirect_dma source(%arg10 : memref<128x128xf32, #tpu.memory_space<vmem>>) target(%dma_start3A_43 : memref<10016x128xf32, #tpu.memory_space<vmem_shared>>) offsets(%arg9 : memref<128xi32, #tpu.memory_space<vmem>>) semaphore(%run_scoped3A : memref<!tpu.dma_semaphore, #tpu.memory_space<semaphore_mem>>) {add = true}
        %dma_wait3A_44 = arith.constant 0 : i32
        %dma_wait3A_45 = arith.constant 0 : i32
        %dma_wait3A_46 = tpu.memref_slice %arg7[%dma_wait3A_44, %dma_wait3A_45] : memref<10016x128xf32, #tpu.memory_space<vmem_shared>> -> memref<10016x128xf32, #tpu.memory_space<vmem_shared>>
        tpu.wait_indirect_dma semaphore(%run_scoped3A : memref<!tpu.dma_semaphore, #tpu.memory_space<semaphore_mem>>) src(%arg10 : memref<128x128xf32, #tpu.memory_space<vmem>>) dst(%dma_wait3A_46 : memref<10016x128xf32, #tpu.memory_space<vmem_shared>>)
        tpu.yield
      }) : () -> ()
    }
    %scan3A_9 = arith.constant 79 : i32
    %barrier3A_10 = arith.constant 0 : index
    tpu.barrier barrier_id(%barrier3A_10)
    %mul3A_11 = arith.constant 10000 : i32
    %mul3A_12 = arith.muli %arg0, %mul3A_11 : i32
    %mul3A_13 = arith.constant 624 : i32
    %mul3A_14 = arith.muli %arg1, %mul3A_13 : i32
    %add3A_15 = arith.addi %mul3A_12, %mul3A_14 : i32
    %mul3A_16 = arith.constant 624 : i32
    %mul3A_17 = arith.muli %arg1, %mul3A_16 : i32
    "tpu.region"() ({
      %run_scoped3A = tpu.sem_alloc : memref<!tpu.dma_semaphore, #tpu.memory_space<semaphore_mem>>
      %dma_start3A = arith.constant 0 : i32
      %dma_start3A_23 = tpu.memref_slice %arg6[%add3A_15, %dma_start3A] : memref<20000x128xf32, #tpu.memory_space<hbm>> -> memref<624x128xf32, #tpu.memory_space<hbm>>
      %dma_start3A_24 = arith.constant 0 : i32
      %dma_start3A_25 = tpu.memref_slice %arg7[%mul3A_17, %dma_start3A_24] : memref<10016x128xf32, #tpu.memory_space<vmem_shared>> -> memref<624x128xf32, #tpu.memory_space<vmem_shared>>
      tpu.enqueue_dma source(%dma_start3A_25 : memref<624x128xf32, #tpu.memory_space<vmem_shared>>) target(%dma_start3A_23 : memref<624x128xf32, #tpu.memory_space<hbm>>) target_semaphore(%run_scoped3A : memref<!tpu.dma_semaphore, #tpu.memory_space<semaphore_mem>>)
      %dma_wait3A = arith.constant 0 : i32
      %dma_wait3A_26 = tpu.memref_slice %arg6[%add3A_15, %dma_wait3A] : memref<20000x128xf32, #tpu.memory_space<hbm>> -> memref<624x128xf32, #tpu.memory_space<hbm>>
      %dma_wait3A_27 = arith.constant 0 : i32
      %dma_wait3A_28 = tpu.memref_slice %arg7[%mul3A_17, %dma_wait3A_27] : memref<10016x128xf32, #tpu.memory_space<vmem_shared>> -> memref<624x128xf32, #tpu.memory_space<vmem_shared>>
      tpu.wait_dma2 semaphore(%run_scoped3A : memref<!tpu.dma_semaphore, #tpu.memory_space<semaphore_mem>>) src(%dma_wait3A_28 : memref<624x128xf32, #tpu.memory_space<vmem_shared>>) dst(%dma_wait3A_26 : memref<624x128xf32, #tpu.memory_space<hbm>>)
      tpu.yield
    }) : () -> ()
    %eq3A_18 = arith.constant 15 : i32
    %eq3A_19 = arith.cmpi eq, %arg1, %eq3A_18 : i32
    %convert_element_type3A_20 = arith.extui %eq3A_19 : i1 to i32
    %cond3A_21 = arith.constant 0 : i32
    %cond3A_22 = arith.cmpi ne, %convert_element_type3A_20, %cond3A_21 : i32
    scf.if %cond3A_22 {
      %mul3A_23 = arith.constant 10000 : i32
      %mul3A_24 = arith.muli %arg0, %mul3A_23 : i32
      %add3A_25 = arith.constant 9984 : i32
      %add3A_26 = arith.addi %mul3A_24, %add3A_25 : i32
      "tpu.region"() ({
        %run_scoped3A = tpu.sem_alloc : memref<!tpu.dma_semaphore, #tpu.memory_space<semaphore_mem>>
        %dma_start3A = arith.constant 0 : i32
        %dma_start3A_27 = tpu.memref_slice %arg6[%add3A_26, %dma_start3A] : memref<20000x128xf32, #tpu.memory_space<hbm>> -> memref<16x128xf32, #tpu.memory_space<hbm>>
        %dma_start3A_28 = arith.constant 9984 : i32
        %dma_start3A_29 = arith.constant 0 : i32
        %dma_start3A_30 = tpu.memref_slice %arg7[%dma_start3A_28, %dma_start3A_29] : memref<10016x128xf32, #tpu.memory_space<vmem_shared>> -> memref<16x128xf32, #tpu.memory_space<vmem_shared>>
        tpu.enqueue_dma source(%dma_start3A_30 : memref<16x128xf32, #tpu.memory_space<vmem_shared>>) target(%dma_start3A_27 : memref<16x128xf32, #tpu.memory_space<hbm>>) target_semaphore(%run_scoped3A : memref<!tpu.dma_semaphore, #tpu.memory_space<semaphore_mem>>)
        %dma_wait3A = arith.constant 0 : i32
        %dma_wait3A_31 = tpu.memref_slice %arg6[%add3A_26, %dma_wait3A] : memref<20000x128xf32, #tpu.memory_space<hbm>> -> memref<16x128xf32, #tpu.memory_space<hbm>>
        %dma_wait3A_32 = arith.constant 9984 : i32
        %dma_wait3A_33 = arith.constant 0 : i32
        %dma_wait3A_34 = tpu.memref_slice %arg7[%dma_wait3A_32, %dma_wait3A_33] : memref<10016x128xf32, #tpu.memory_space<vmem_shared>> -> memref<16x128xf32, #tpu.memory_space<vmem_shared>>
        tpu.wait_dma2 semaphore(%run_scoped3A : memref<!tpu.dma_semaphore, #tpu.memory_space<semaphore_mem>>) src(%dma_wait3A_34 : memref<16x128xf32, #tpu.memory_space<vmem_shared>>) dst(%dma_wait3A_31 : memref<16x128xf32, #tpu.memory_space<hbm>>)
        tpu.yield
      }) : () -> ()
    } else {
    }
    return
  }
}

#map = affine_map<(d0, d1) -> (0, 0)>
#map1 = affine_map<(d0, d1) -> (0)>
module attributes {stable_mosaic.version = 14 : i64} {
  func.func @_sc_edge(%arg0: i32, %arg1: i32, %arg2: memref<10000x128xf32, #tpu.memory_space<hbm>>, %arg3: memref<323584xi32, #tpu.memory_space<hbm>>, %arg4: memref<323584xi32, #tpu.memory_space<hbm>>, %arg5: memref<624x128xf32, #tpu.memory_space<hbm>>, %arg6: memref<20000x128xf32, #tpu.memory_space<hbm>>, %arg7: memref<10016x128xf32, #tpu.memory_space<vmem_shared>>, %arg8: memref<128xi32, #tpu.memory_space<vmem>>, %arg9: memref<128xi32, #tpu.memory_space<vmem>>, %arg10: memref<128x128xf32, #tpu.memory_space<vmem>>, %arg11: memref<!tpu.dma_semaphore, #tpu.memory_space<semaphore_mem>>, %arg12: memref<!tpu.dma_semaphore, #tpu.memory_space<semaphore_mem>>) attributes {dimension_semantics = [#tpu.dimension_semantics<core_parallel>, #tpu.dimension_semantics<subcore_parallel>], iteration_bounds = array<i64: 2, 16>, scalar_prefetch = 0 : i64, scratch_operands = 6 : i64, tpu.core_type = #tpu.core_type<sc_vector_subcore>, window_params = [{transform_indices = #map}, {transform_indices = #map1}, {transform_indices = #map1}, {transform_indices = #map}, {transform_indices = #map}]} {
    %mul3A = arith.constant 16 : i32
    %mul3A_0 = arith.muli %arg0, %mul3A : i32
    %add3A = arith.addi %mul3A_0, %arg1 : i32
    %mul3A_1 = arith.constant 624 : i32
    %mul3A_2 = arith.muli %arg1, %mul3A_1 : i32
    "tpu.region"() ({
      %run_scoped3A = tpu.sem_alloc : memref<!tpu.dma_semaphore, #tpu.memory_space<semaphore_mem>>
      %dma_start3A = arith.constant 0 : i32
      %dma_start3A_23 = tpu.memref_slice %arg7[%mul3A_2, %dma_start3A] : memref<10016x128xf32, #tpu.memory_space<vmem_shared>> -> memref<624x128xf32, #tpu.memory_space<vmem_shared>>
      tpu.enqueue_dma source(%arg5 : memref<624x128xf32, #tpu.memory_space<hbm>>) target(%dma_start3A_23 : memref<624x128xf32, #tpu.memory_space<vmem_shared>>) target_semaphore(%run_scoped3A : memref<!tpu.dma_semaphore, #tpu.memory_space<semaphore_mem>>)
      %dma_wait3A = arith.constant 0 : i32
      %dma_wait3A_24 = tpu.memref_slice %arg7[%mul3A_2, %dma_wait3A] : memref<10016x128xf32, #tpu.memory_space<vmem_shared>> -> memref<624x128xf32, #tpu.memory_space<vmem_shared>>
      tpu.wait_dma2 semaphore(%run_scoped3A : memref<!tpu.dma_semaphore, #tpu.memory_space<semaphore_mem>>) src(%arg5 : memref<624x128xf32, #tpu.memory_space<hbm>>) dst(%dma_wait3A_24 : memref<624x128xf32, #tpu.memory_space<vmem_shared>>)
      tpu.yield
    }) : () -> ()
    %eq3A = arith.constant 15 : i32
    %eq3A_3 = arith.cmpi eq, %arg1, %eq3A : i32
    %convert_element_type3A = arith.extui %eq3A_3 : i1 to i32
    %cond3A = arith.constant 0 : i32
    %cond3A_4 = arith.cmpi ne, %convert_element_type3A, %cond3A : i32
    scf.if %cond3A_4 {
      "tpu.region"() ({
        %run_scoped3A = tpu.sem_alloc : memref<!tpu.dma_semaphore, #tpu.memory_space<semaphore_mem>>
        %dma_start3A = arith.constant 9984 : i32
        %dma_start3A_23 = arith.constant 0 : i32
        %dma_start3A_24 = tpu.memref_slice %arg7[%dma_start3A, %dma_start3A_23] : memref<10016x128xf32, #tpu.memory_space<vmem_shared>> -> memref<16x128xf32, #tpu.memory_space<vmem_shared>>
        %dma_start3A_25 = arith.constant 0 : i32
        %dma_start3A_26 = arith.constant 0 : i32
        %dma_start3A_27 = tpu.memref_slice %arg5[%dma_start3A_25, %dma_start3A_26] : memref<624x128xf32, #tpu.memory_space<hbm>> -> memref<16x128xf32, #tpu.memory_space<hbm>>
        tpu.enqueue_dma source(%dma_start3A_27 : memref<16x128xf32, #tpu.memory_space<hbm>>) target(%dma_start3A_24 : memref<16x128xf32, #tpu.memory_space<vmem_shared>>) target_semaphore(%run_scoped3A : memref<!tpu.dma_semaphore, #tpu.memory_space<semaphore_mem>>)
        %dma_wait3A = arith.constant 9984 : i32
        %dma_wait3A_28 = arith.constant 0 : i32
        %dma_wait3A_29 = tpu.memref_slice %arg7[%dma_wait3A, %dma_wait3A_28] : memref<10016x128xf32, #tpu.memory_space<vmem_shared>> -> memref<16x128xf32, #tpu.memory_space<vmem_shared>>
        %dma_wait3A_30 = arith.constant 0 : i32
        %dma_wait3A_31 = arith.constant 0 : i32
        %dma_wait3A_32 = tpu.memref_slice %arg5[%dma_wait3A_30, %dma_wait3A_31] : memref<624x128xf32, #tpu.memory_space<hbm>> -> memref<16x128xf32, #tpu.memory_space<hbm>>
        tpu.wait_dma2 semaphore(%run_scoped3A : memref<!tpu.dma_semaphore, #tpu.memory_space<semaphore_mem>>) src(%dma_wait3A_32 : memref<16x128xf32, #tpu.memory_space<hbm>>) dst(%dma_wait3A_29 : memref<16x128xf32, #tpu.memory_space<vmem_shared>>)
        tpu.yield
      }) : () -> ()
    } else {
    }
    %barrier3A = arith.constant 0 : index
    tpu.barrier barrier_id(%barrier3A)
    %scan3A = arith.constant 0 : i32
    %scan3A_5 = arith.constant 0 : i32
    %scan3A_6 = arith.constant 79 : i32
    %scan3A_7 = arith.addi %scan3A_5, %scan3A_6 : i32
    %scan3A_8 = arith.constant 1 : i32
    scf.for %scan3A_23 = %scan3A_5 to %scan3A_7 step %scan3A_8  : i32 {
      %mul3A_24 = arith.constant 79 : i32
      %mul3A_25 = arith.muli %add3A, %mul3A_24 : i32
      %add3A_26 = arith.addi %mul3A_25, %scan3A_23 : i32
      %mul3A_27 = arith.constant 128 : i32
      %mul3A_28 = arith.muli %add3A_26, %mul3A_27 : i32
      %multiple_of3A = tpu.assume_multiple %mul3A_28, 128 : i32
      %dma_start3A = tpu.memref_slice %arg3[%multiple_of3A] : memref<323584xi32, #tpu.memory_space<hbm>> -> memref<128xi32, #tpu.memory_space<hbm>>
      %dma_start3A_29 = tpu.memref_slice %arg3[%multiple_of3A] : memref<323584xi32, #tpu.memory_space<hbm>> -> memref<128xi32, #tpu.memory_space<hbm>>
      tpu.enqueue_dma source(%dma_start3A_29 : memref<128xi32, #tpu.memory_space<hbm>>) target(%arg8 : memref<128xi32, #tpu.memory_space<vmem>>) target_semaphore(%arg12 : memref<!tpu.dma_semaphore, #tpu.memory_space<semaphore_mem>>)
      %dma_start3A_30 = tpu.memref_slice %arg4[%multiple_of3A] : memref<323584xi32, #tpu.memory_space<hbm>> -> memref<128xi32, #tpu.memory_space<hbm>>
      %dma_start3A_31 = tpu.memref_slice %arg4[%multiple_of3A] : memref<323584xi32, #tpu.memory_space<hbm>> -> memref<128xi32, #tpu.memory_space<hbm>>
      tpu.enqueue_dma source(%dma_start3A_31 : memref<128xi32, #tpu.memory_space<hbm>>) target(%arg9 : memref<128xi32, #tpu.memory_space<vmem>>) target_semaphore(%arg12 : memref<!tpu.dma_semaphore, #tpu.memory_space<semaphore_mem>>)
      %dma_wait3A = tpu.memref_slice %arg3[%multiple_of3A] : memref<323584xi32, #tpu.memory_space<hbm>> -> memref<128xi32, #tpu.memory_space<hbm>>
      %dma_wait3A_32 = tpu.memref_slice %arg3[%multiple_of3A] : memref<323584xi32, #tpu.memory_space<hbm>> -> memref<128xi32, #tpu.memory_space<hbm>>
      tpu.wait_dma2 semaphore(%arg12 : memref<!tpu.dma_semaphore, #tpu.memory_space<semaphore_mem>>) src(%dma_wait3A_32 : memref<128xi32, #tpu.memory_space<hbm>>) dst(%arg8 : memref<128xi32, #tpu.memory_space<vmem>>)
      %dma_wait3A_33 = tpu.memref_slice %arg4[%multiple_of3A] : memref<323584xi32, #tpu.memory_space<hbm>> -> memref<128xi32, #tpu.memory_space<hbm>>
      %dma_wait3A_34 = tpu.memref_slice %arg4[%multiple_of3A] : memref<323584xi32, #tpu.memory_space<hbm>> -> memref<128xi32, #tpu.memory_space<hbm>>
      tpu.wait_dma2 semaphore(%arg12 : memref<!tpu.dma_semaphore, #tpu.memory_space<semaphore_mem>>) src(%dma_wait3A_34 : memref<128xi32, #tpu.memory_space<hbm>>) dst(%arg9 : memref<128xi32, #tpu.memory_space<vmem>>)
      %dma_start3A_35 = arith.constant 0 : i32
      %dma_start3A_36 = arith.constant 0 : i32
      %dma_start3A_37 = tpu.memref_slice %arg2[%dma_start3A_35, %dma_start3A_36] : memref<10000x128xf32, #tpu.memory_space<hbm>> -> memref<10000x128xf32, #tpu.memory_space<hbm>>
      tpu.enqueue_indirect_dma source(%dma_start3A_37 : memref<10000x128xf32, #tpu.memory_space<hbm>>) target(%arg10 : memref<128x128xf32, #tpu.memory_space<vmem>>) offsets(%arg8 : memref<128xi32, #tpu.memory_space<vmem>>) semaphore(%arg11 : memref<!tpu.dma_semaphore, #tpu.memory_space<semaphore_mem>>)
      %dma_wait3A_38 = arith.constant 0 : i32
      %dma_wait3A_39 = arith.constant 0 : i32
      %dma_wait3A_40 = tpu.memref_slice %arg2[%dma_wait3A_38, %dma_wait3A_39] : memref<10000x128xf32, #tpu.memory_space<hbm>> -> memref<10000x128xf32, #tpu.memory_space<hbm>>
      tpu.wait_indirect_dma semaphore(%arg11 : memref<!tpu.dma_semaphore, #tpu.memory_space<semaphore_mem>>) src(%dma_wait3A_40 : memref<10000x128xf32, #tpu.memory_space<hbm>>) dst(%arg10 : memref<128x128xf32, #tpu.memory_space<vmem>>)
      "tpu.region"() ({
        %run_scoped3A = tpu.sem_alloc : memref<!tpu.dma_semaphore, #tpu.memory_space<semaphore_mem>>
        %dma_start3A_41 = arith.constant 0 : i32
        %dma_start3A_42 = arith.constant 0 : i32
        %dma_start3A_43 = tpu.memref_slice %arg7[%dma_start3A_41, %dma_start3A_42] : memref<10016x128xf32, #tpu.memory_space<vmem_shared>> -> memref<10016x128xf32, #tpu.memory_space<vmem_shared>>
        tpu.enqueue_indirect_dma source(%arg10 : memref<128x128xf32, #tpu.memory_space<vmem>>) target(%dma_start3A_43 : memref<10016x128xf32, #tpu.memory_space<vmem_shared>>) offsets(%arg9 : memref<128xi32, #tpu.memory_space<vmem>>) semaphore(%run_scoped3A : memref<!tpu.dma_semaphore, #tpu.memory_space<semaphore_mem>>) {add = true}
        %dma_wait3A_44 = arith.constant 0 : i32
        %dma_wait3A_45 = arith.constant 0 : i32
        %dma_wait3A_46 = tpu.memref_slice %arg7[%dma_wait3A_44, %dma_wait3A_45] : memref<10016x128xf32, #tpu.memory_space<vmem_shared>> -> memref<10016x128xf32, #tpu.memory_space<vmem_shared>>
        tpu.wait_indirect_dma semaphore(%run_scoped3A : memref<!tpu.dma_semaphore, #tpu.memory_space<semaphore_mem>>) src(%arg10 : memref<128x128xf32, #tpu.memory_space<vmem>>) dst(%dma_wait3A_46 : memref<10016x128xf32, #tpu.memory_space<vmem_shared>>)
        tpu.yield
      }) : () -> ()
    }
    %scan3A_9 = arith.constant 79 : i32
    %barrier3A_10 = arith.constant 0 : index
    tpu.barrier barrier_id(%barrier3A_10)
    %mul3A_11 = arith.constant 10000 : i32
    %mul3A_12 = arith.muli %arg0, %mul3A_11 : i32
    %mul3A_13 = arith.constant 624 : i32
    %mul3A_14 = arith.muli %arg1, %mul3A_13 : i32
    %add3A_15 = arith.addi %mul3A_12, %mul3A_14 : i32
    %mul3A_16 = arith.constant 624 : i32
    %mul3A_17 = arith.muli %arg1, %mul3A_16 : i32
    "tpu.region"() ({
      %run_scoped3A = tpu.sem_alloc : memref<!tpu.dma_semaphore, #tpu.memory_space<semaphore_mem>>
      %dma_start3A = arith.constant 0 : i32
      %dma_start3A_23 = tpu.memref_slice %arg6[%add3A_15, %dma_start3A] : memref<20000x128xf32, #tpu.memory_space<hbm>> -> memref<624x128xf32, #tpu.memory_space<hbm>>
      %dma_start3A_24 = arith.constant 0 : i32
      %dma_start3A_25 = tpu.memref_slice %arg7[%mul3A_17, %dma_start3A_24] : memref<10016x128xf32, #tpu.memory_space<vmem_shared>> -> memref<624x128xf32, #tpu.memory_space<vmem_shared>>
      tpu.enqueue_dma source(%dma_start3A_25 : memref<624x128xf32, #tpu.memory_space<vmem_shared>>) target(%dma_start3A_23 : memref<624x128xf32, #tpu.memory_space<hbm>>) target_semaphore(%run_scoped3A : memref<!tpu.dma_semaphore, #tpu.memory_space<semaphore_mem>>)
      %dma_wait3A = arith.constant 0 : i32
      %dma_wait3A_26 = tpu.memref_slice %arg6[%add3A_15, %dma_wait3A] : memref<20000x128xf32, #tpu.memory_space<hbm>> -> memref<624x128xf32, #tpu.memory_space<hbm>>
      %dma_wait3A_27 = arith.constant 0 : i32
      %dma_wait3A_28 = tpu.memref_slice %arg7[%mul3A_17, %dma_wait3A_27] : memref<10016x128xf32, #tpu.memory_space<vmem_shared>> -> memref<624x128xf32, #tpu.memory_space<vmem_shared>>
      tpu.wait_dma2 semaphore(%run_scoped3A : memref<!tpu.dma_semaphore, #tpu.memory_space<semaphore_mem>>) src(%dma_wait3A_28 : memref<624x128xf32, #tpu.memory_space<vmem_shared>>) dst(%dma_wait3A_26 : memref<624x128xf32, #tpu.memory_space<hbm>>)
      tpu.yield
    }) : () -> ()
    %eq3A_18 = arith.constant 15 : i32
    %eq3A_19 = arith.cmpi eq, %arg1, %eq3A_18 : i32
    %convert_element_type3A_20 = arith.extui %eq3A_19 : i1 to i32
    %cond3A_21 = arith.constant 0 : i32
    %cond3A_22 = arith.cmpi ne, %convert_element_type3A_20, %cond3A_21 : i32
    scf.if %cond3A_22 {
      %mul3A_23 = arith.constant 10000 : i32
      %mul3A_24 = arith.muli %arg0, %mul3A_23 : i32
      %add3A_25 = arith.constant 9984 : i32
      %add3A_26 = arith.addi %mul3A_24, %add3A_25 : i32
      "tpu.region"() ({
        %run_scoped3A = tpu.sem_alloc : memref<!tpu.dma_semaphore, #tpu.memory_space<semaphore_mem>>
        %dma_start3A = arith.constant 0 : i32
        %dma_start3A_27 = tpu.memref_slice %arg6[%add3A_26, %dma_start3A] : memref<20000x128xf32, #tpu.memory_space<hbm>> -> memref<16x128xf32, #tpu.memory_space<hbm>>
        %dma_start3A_28 = arith.constant 9984 : i32
        %dma_start3A_29 = arith.constant 0 : i32
        %dma_start3A_30 = tpu.memref_slice %arg7[%dma_start3A_28, %dma_start3A_29] : memref<10016x128xf32, #tpu.memory_space<vmem_shared>> -> memref<16x128xf32, #tpu.memory_space<vmem_shared>>
        tpu.enqueue_dma source(%dma_start3A_30 : memref<16x128xf32, #tpu.memory_space<vmem_shared>>) target(%dma_start3A_27 : memref<16x128xf32, #tpu.memory_space<hbm>>) target_semaphore(%run_scoped3A : memref<!tpu.dma_semaphore, #tpu.memory_space<semaphore_mem>>)
        %dma_wait3A = arith.constant 0 : i32
        %dma_wait3A_31 = tpu.memref_slice %arg6[%add3A_26, %dma_wait3A] : memref<20000x128xf32, #tpu.memory_space<hbm>> -> memref<16x128xf32, #tpu.memory_space<hbm>>
        %dma_wait3A_32 = arith.constant 9984 : i32
        %dma_wait3A_33 = arith.constant 0 : i32
        %dma_wait3A_34 = tpu.memref_slice %arg7[%dma_wait3A_32, %dma_wait3A_33] : memref<10016x128xf32, #tpu.memory_space<vmem_shared>> -> memref<16x128xf32, #tpu.memory_space<vmem_shared>>
        tpu.wait_dma2 semaphore(%run_scoped3A : memref<!tpu.dma_semaphore, #tpu.memory_space<semaphore_mem>>) src(%dma_wait3A_34 : memref<16x128xf32, #tpu.memory_space<vmem_shared>>) dst(%dma_wait3A_31 : memref<16x128xf32, #tpu.memory_space<hbm>>)
        tpu.yield
      }) : () -> ()
    } else {
    }
    return
  }
}

#map = affine_map<(d0, d1) -> (0, 0)>
#map1 = affine_map<(d0, d1) -> (0)>
module attributes {stable_mosaic.version = 14 : i64} {
  func.func @_sc_edge(%arg0: i32, %arg1: i32, %arg2: memref<10000x128xf32, #tpu.memory_space<hbm>>, %arg3: memref<323584xi32, #tpu.memory_space<hbm>>, %arg4: memref<323584xi32, #tpu.memory_space<hbm>>, %arg5: memref<624x128xf32, #tpu.memory_space<hbm>>, %arg6: memref<20000x128xf32, #tpu.memory_space<hbm>>, %arg7: memref<10016x128xf32, #tpu.memory_space<vmem_shared>>, %arg8: memref<128xi32, #tpu.memory_space<vmem>>, %arg9: memref<128xi32, #tpu.memory_space<vmem>>, %arg10: memref<128x128xf32, #tpu.memory_space<vmem>>, %arg11: memref<!tpu.dma_semaphore, #tpu.memory_space<semaphore_mem>>, %arg12: memref<!tpu.dma_semaphore, #tpu.memory_space<semaphore_mem>>) attributes {dimension_semantics = [#tpu.dimension_semantics<core_parallel>, #tpu.dimension_semantics<subcore_parallel>], iteration_bounds = array<i64: 2, 16>, scalar_prefetch = 0 : i64, scratch_operands = 6 : i64, tpu.core_type = #tpu.core_type<sc_vector_subcore>, window_params = [{transform_indices = #map}, {transform_indices = #map1}, {transform_indices = #map1}, {transform_indices = #map}, {transform_indices = #map}]} {
    %mul3A = arith.constant 16 : i32
    %mul3A_0 = arith.muli %arg0, %mul3A : i32
    %add3A = arith.addi %mul3A_0, %arg1 : i32
    %mul3A_1 = arith.constant 624 : i32
    %mul3A_2 = arith.muli %arg1, %mul3A_1 : i32
    "tpu.region"() ({
      %run_scoped3A = tpu.sem_alloc : memref<!tpu.dma_semaphore, #tpu.memory_space<semaphore_mem>>
      %dma_start3A = arith.constant 0 : i32
      %dma_start3A_23 = tpu.memref_slice %arg7[%mul3A_2, %dma_start3A] : memref<10016x128xf32, #tpu.memory_space<vmem_shared>> -> memref<624x128xf32, #tpu.memory_space<vmem_shared>>
      tpu.enqueue_dma source(%arg5 : memref<624x128xf32, #tpu.memory_space<hbm>>) target(%dma_start3A_23 : memref<624x128xf32, #tpu.memory_space<vmem_shared>>) target_semaphore(%run_scoped3A : memref<!tpu.dma_semaphore, #tpu.memory_space<semaphore_mem>>)
      %dma_wait3A = arith.constant 0 : i32
      %dma_wait3A_24 = tpu.memref_slice %arg7[%mul3A_2, %dma_wait3A] : memref<10016x128xf32, #tpu.memory_space<vmem_shared>> -> memref<624x128xf32, #tpu.memory_space<vmem_shared>>
      tpu.wait_dma2 semaphore(%run_scoped3A : memref<!tpu.dma_semaphore, #tpu.memory_space<semaphore_mem>>) src(%arg5 : memref<624x128xf32, #tpu.memory_space<hbm>>) dst(%dma_wait3A_24 : memref<624x128xf32, #tpu.memory_space<vmem_shared>>)
      tpu.yield
    }) : () -> ()
    %eq3A = arith.constant 15 : i32
    %eq3A_3 = arith.cmpi eq, %arg1, %eq3A : i32
    %convert_element_type3A = arith.extui %eq3A_3 : i1 to i32
    %cond3A = arith.constant 0 : i32
    %cond3A_4 = arith.cmpi ne, %convert_element_type3A, %cond3A : i32
    scf.if %cond3A_4 {
      "tpu.region"() ({
        %run_scoped3A = tpu.sem_alloc : memref<!tpu.dma_semaphore, #tpu.memory_space<semaphore_mem>>
        %dma_start3A = arith.constant 9984 : i32
        %dma_start3A_23 = arith.constant 0 : i32
        %dma_start3A_24 = tpu.memref_slice %arg7[%dma_start3A, %dma_start3A_23] : memref<10016x128xf32, #tpu.memory_space<vmem_shared>> -> memref<16x128xf32, #tpu.memory_space<vmem_shared>>
        %dma_start3A_25 = arith.constant 0 : i32
        %dma_start3A_26 = arith.constant 0 : i32
        %dma_start3A_27 = tpu.memref_slice %arg5[%dma_start3A_25, %dma_start3A_26] : memref<624x128xf32, #tpu.memory_space<hbm>> -> memref<16x128xf32, #tpu.memory_space<hbm>>
        tpu.enqueue_dma source(%dma_start3A_27 : memref<16x128xf32, #tpu.memory_space<hbm>>) target(%dma_start3A_24 : memref<16x128xf32, #tpu.memory_space<vmem_shared>>) target_semaphore(%run_scoped3A : memref<!tpu.dma_semaphore, #tpu.memory_space<semaphore_mem>>)
        %dma_wait3A = arith.constant 9984 : i32
        %dma_wait3A_28 = arith.constant 0 : i32
        %dma_wait3A_29 = tpu.memref_slice %arg7[%dma_wait3A, %dma_wait3A_28] : memref<10016x128xf32, #tpu.memory_space<vmem_shared>> -> memref<16x128xf32, #tpu.memory_space<vmem_shared>>
        %dma_wait3A_30 = arith.constant 0 : i32
        %dma_wait3A_31 = arith.constant 0 : i32
        %dma_wait3A_32 = tpu.memref_slice %arg5[%dma_wait3A_30, %dma_wait3A_31] : memref<624x128xf32, #tpu.memory_space<hbm>> -> memref<16x128xf32, #tpu.memory_space<hbm>>
        tpu.wait_dma2 semaphore(%run_scoped3A : memref<!tpu.dma_semaphore, #tpu.memory_space<semaphore_mem>>) src(%dma_wait3A_32 : memref<16x128xf32, #tpu.memory_space<hbm>>) dst(%dma_wait3A_29 : memref<16x128xf32, #tpu.memory_space<vmem_shared>>)
        tpu.yield
      }) : () -> ()
    } else {
    }
    %barrier3A = arith.constant 0 : index
    tpu.barrier barrier_id(%barrier3A)
    %scan3A = arith.constant 0 : i32
    %scan3A_5 = arith.constant 0 : i32
    %scan3A_6 = arith.constant 79 : i32
    %scan3A_7 = arith.addi %scan3A_5, %scan3A_6 : i32
    %scan3A_8 = arith.constant 1 : i32
    scf.for %scan3A_23 = %scan3A_5 to %scan3A_7 step %scan3A_8  : i32 {
      %mul3A_24 = arith.constant 79 : i32
      %mul3A_25 = arith.muli %add3A, %mul3A_24 : i32
      %add3A_26 = arith.addi %mul3A_25, %scan3A_23 : i32
      %mul3A_27 = arith.constant 128 : i32
      %mul3A_28 = arith.muli %add3A_26, %mul3A_27 : i32
      %multiple_of3A = tpu.assume_multiple %mul3A_28, 128 : i32
      %dma_start3A = tpu.memref_slice %arg3[%multiple_of3A] : memref<323584xi32, #tpu.memory_space<hbm>> -> memref<128xi32, #tpu.memory_space<hbm>>
      %dma_start3A_29 = tpu.memref_slice %arg3[%multiple_of3A] : memref<323584xi32, #tpu.memory_space<hbm>> -> memref<128xi32, #tpu.memory_space<hbm>>
      tpu.enqueue_dma source(%dma_start3A_29 : memref<128xi32, #tpu.memory_space<hbm>>) target(%arg8 : memref<128xi32, #tpu.memory_space<vmem>>) target_semaphore(%arg12 : memref<!tpu.dma_semaphore, #tpu.memory_space<semaphore_mem>>)
      %dma_start3A_30 = tpu.memref_slice %arg4[%multiple_of3A] : memref<323584xi32, #tpu.memory_space<hbm>> -> memref<128xi32, #tpu.memory_space<hbm>>
      %dma_start3A_31 = tpu.memref_slice %arg4[%multiple_of3A] : memref<323584xi32, #tpu.memory_space<hbm>> -> memref<128xi32, #tpu.memory_space<hbm>>
      tpu.enqueue_dma source(%dma_start3A_31 : memref<128xi32, #tpu.memory_space<hbm>>) target(%arg9 : memref<128xi32, #tpu.memory_space<vmem>>) target_semaphore(%arg12 : memref<!tpu.dma_semaphore, #tpu.memory_space<semaphore_mem>>)
      %dma_wait3A = tpu.memref_slice %arg3[%multiple_of3A] : memref<323584xi32, #tpu.memory_space<hbm>> -> memref<128xi32, #tpu.memory_space<hbm>>
      %dma_wait3A_32 = tpu.memref_slice %arg3[%multiple_of3A] : memref<323584xi32, #tpu.memory_space<hbm>> -> memref<128xi32, #tpu.memory_space<hbm>>
      tpu.wait_dma2 semaphore(%arg12 : memref<!tpu.dma_semaphore, #tpu.memory_space<semaphore_mem>>) src(%dma_wait3A_32 : memref<128xi32, #tpu.memory_space<hbm>>) dst(%arg8 : memref<128xi32, #tpu.memory_space<vmem>>)
      %dma_wait3A_33 = tpu.memref_slice %arg4[%multiple_of3A] : memref<323584xi32, #tpu.memory_space<hbm>> -> memref<128xi32, #tpu.memory_space<hbm>>
      %dma_wait3A_34 = tpu.memref_slice %arg4[%multiple_of3A] : memref<323584xi32, #tpu.memory_space<hbm>> -> memref<128xi32, #tpu.memory_space<hbm>>
      tpu.wait_dma2 semaphore(%arg12 : memref<!tpu.dma_semaphore, #tpu.memory_space<semaphore_mem>>) src(%dma_wait3A_34 : memref<128xi32, #tpu.memory_space<hbm>>) dst(%arg9 : memref<128xi32, #tpu.memory_space<vmem>>)
      %dma_start3A_35 = arith.constant 0 : i32
      %dma_start3A_36 = arith.constant 0 : i32
      %dma_start3A_37 = tpu.memref_slice %arg2[%dma_start3A_35, %dma_start3A_36] : memref<10000x128xf32, #tpu.memory_space<hbm>> -> memref<10000x128xf32, #tpu.memory_space<hbm>>
      tpu.enqueue_indirect_dma source(%dma_start3A_37 : memref<10000x128xf32, #tpu.memory_space<hbm>>) target(%arg10 : memref<128x128xf32, #tpu.memory_space<vmem>>) offsets(%arg8 : memref<128xi32, #tpu.memory_space<vmem>>) semaphore(%arg11 : memref<!tpu.dma_semaphore, #tpu.memory_space<semaphore_mem>>)
      %dma_wait3A_38 = arith.constant 0 : i32
      %dma_wait3A_39 = arith.constant 0 : i32
      %dma_wait3A_40 = tpu.memref_slice %arg2[%dma_wait3A_38, %dma_wait3A_39] : memref<10000x128xf32, #tpu.memory_space<hbm>> -> memref<10000x128xf32, #tpu.memory_space<hbm>>
      tpu.wait_indirect_dma semaphore(%arg11 : memref<!tpu.dma_semaphore, #tpu.memory_space<semaphore_mem>>) src(%dma_wait3A_40 : memref<10000x128xf32, #tpu.memory_space<hbm>>) dst(%arg10 : memref<128x128xf32, #tpu.memory_space<vmem>>)
      "tpu.region"() ({
        %run_scoped3A = tpu.sem_alloc : memref<!tpu.dma_semaphore, #tpu.memory_space<semaphore_mem>>
        %dma_start3A_41 = arith.constant 0 : i32
        %dma_start3A_42 = arith.constant 0 : i32
        %dma_start3A_43 = tpu.memref_slice %arg7[%dma_start3A_41, %dma_start3A_42] : memref<10016x128xf32, #tpu.memory_space<vmem_shared>> -> memref<10016x128xf32, #tpu.memory_space<vmem_shared>>
        tpu.enqueue_indirect_dma source(%arg10 : memref<128x128xf32, #tpu.memory_space<vmem>>) target(%dma_start3A_43 : memref<10016x128xf32, #tpu.memory_space<vmem_shared>>) offsets(%arg9 : memref<128xi32, #tpu.memory_space<vmem>>) semaphore(%run_scoped3A : memref<!tpu.dma_semaphore, #tpu.memory_space<semaphore_mem>>) {add = true}
        %dma_wait3A_44 = arith.constant 0 : i32
        %dma_wait3A_45 = arith.constant 0 : i32
        %dma_wait3A_46 = tpu.memref_slice %arg7[%dma_wait3A_44, %dma_wait3A_45] : memref<10016x128xf32, #tpu.memory_space<vmem_shared>> -> memref<10016x128xf32, #tpu.memory_space<vmem_shared>>
        tpu.wait_indirect_dma semaphore(%run_scoped3A : memref<!tpu.dma_semaphore, #tpu.memory_space<semaphore_mem>>) src(%arg10 : memref<128x128xf32, #tpu.memory_space<vmem>>) dst(%dma_wait3A_46 : memref<10016x128xf32, #tpu.memory_space<vmem_shared>>)
        tpu.yield
      }) : () -> ()
    }
    %scan3A_9 = arith.constant 79 : i32
    %barrier3A_10 = arith.constant 0 : index
    tpu.barrier barrier_id(%barrier3A_10)
    %mul3A_11 = arith.constant 10000 : i32
    %mul3A_12 = arith.muli %arg0, %mul3A_11 : i32
    %mul3A_13 = arith.constant 624 : i32
    %mul3A_14 = arith.muli %arg1, %mul3A_13 : i32
    %add3A_15 = arith.addi %mul3A_12, %mul3A_14 : i32
    %mul3A_16 = arith.constant 624 : i32
    %mul3A_17 = arith.muli %arg1, %mul3A_16 : i32
    "tpu.region"() ({
      %run_scoped3A = tpu.sem_alloc : memref<!tpu.dma_semaphore, #tpu.memory_space<semaphore_mem>>
      %dma_start3A = arith.constant 0 : i32
      %dma_start3A_23 = tpu.memref_slice %arg6[%add3A_15, %dma_start3A] : memref<20000x128xf32, #tpu.memory_space<hbm>> -> memref<624x128xf32, #tpu.memory_space<hbm>>
      %dma_start3A_24 = arith.constant 0 : i32
      %dma_start3A_25 = tpu.memref_slice %arg7[%mul3A_17, %dma_start3A_24] : memref<10016x128xf32, #tpu.memory_space<vmem_shared>> -> memref<624x128xf32, #tpu.memory_space<vmem_shared>>
      tpu.enqueue_dma source(%dma_start3A_25 : memref<624x128xf32, #tpu.memory_space<vmem_shared>>) target(%dma_start3A_23 : memref<624x128xf32, #tpu.memory_space<hbm>>) target_semaphore(%run_scoped3A : memref<!tpu.dma_semaphore, #tpu.memory_space<semaphore_mem>>)
      %dma_wait3A = arith.constant 0 : i32
      %dma_wait3A_26 = tpu.memref_slice %arg6[%add3A_15, %dma_wait3A] : memref<20000x128xf32, #tpu.memory_space<hbm>> -> memref<624x128xf32, #tpu.memory_space<hbm>>
      %dma_wait3A_27 = arith.constant 0 : i32
      %dma_wait3A_28 = tpu.memref_slice %arg7[%mul3A_17, %dma_wait3A_27] : memref<10016x128xf32, #tpu.memory_space<vmem_shared>> -> memref<624x128xf32, #tpu.memory_space<vmem_shared>>
      tpu.wait_dma2 semaphore(%run_scoped3A : memref<!tpu.dma_semaphore, #tpu.memory_space<semaphore_mem>>) src(%dma_wait3A_28 : memref<624x128xf32, #tpu.memory_space<vmem_shared>>) dst(%dma_wait3A_26 : memref<624x128xf32, #tpu.memory_space<hbm>>)
      tpu.yield
    }) : () -> ()
    %eq3A_18 = arith.constant 15 : i32
    %eq3A_19 = arith.cmpi eq, %arg1, %eq3A_18 : i32
    %convert_element_type3A_20 = arith.extui %eq3A_19 : i1 to i32
    %cond3A_21 = arith.constant 0 : i32
    %cond3A_22 = arith.cmpi ne, %convert_element_type3A_20, %cond3A_21 : i32
    scf.if %cond3A_22 {
      %mul3A_23 = arith.constant 10000 : i32
      %mul3A_24 = arith.muli %arg0, %mul3A_23 : i32
      %add3A_25 = arith.constant 9984 : i32
      %add3A_26 = arith.addi %mul3A_24, %add3A_25 : i32
      "tpu.region"() ({
        %run_scoped3A = tpu.sem_alloc : memref<!tpu.dma_semaphore, #tpu.memory_space<semaphore_mem>>
        %dma_start3A = arith.constant 0 : i32
        %dma_start3A_27 = tpu.memref_slice %arg6[%add3A_26, %dma_start3A] : memref<20000x128xf32, #tpu.memory_space<hbm>> -> memref<16x128xf32, #tpu.memory_space<hbm>>
        %dma_start3A_28 = arith.constant 9984 : i32
        %dma_start3A_29 = arith.constant 0 : i32
        %dma_start3A_30 = tpu.memref_slice %arg7[%dma_start3A_28, %dma_start3A_29] : memref<10016x128xf32, #tpu.memory_space<vmem_shared>> -> memref<16x128xf32, #tpu.memory_space<vmem_shared>>
        tpu.enqueue_dma source(%dma_start3A_30 : memref<16x128xf32, #tpu.memory_space<vmem_shared>>) target(%dma_start3A_27 : memref<16x128xf32, #tpu.memory_space<hbm>>) target_semaphore(%run_scoped3A : memref<!tpu.dma_semaphore, #tpu.memory_space<semaphore_mem>>)
        %dma_wait3A = arith.constant 0 : i32
        %dma_wait3A_31 = tpu.memref_slice %arg6[%add3A_26, %dma_wait3A] : memref<20000x128xf32, #tpu.memory_space<hbm>> -> memref<16x128xf32, #tpu.memory_space<hbm>>
        %dma_wait3A_32 = arith.constant 9984 : i32
        %dma_wait3A_33 = arith.constant 0 : i32
        %dma_wait3A_34 = tpu.memref_slice %arg7[%dma_wait3A_32, %dma_wait3A_33] : memref<10016x128xf32, #tpu.memory_space<vmem_shared>> -> memref<16x128xf32, #tpu.memory_space<vmem_shared>>
        tpu.wait_dma2 semaphore(%run_scoped3A : memref<!tpu.dma_semaphore, #tpu.memory_space<semaphore_mem>>) src(%dma_wait3A_34 : memref<16x128xf32, #tpu.memory_space<vmem_shared>>) dst(%dma_wait3A_31 : memref<16x128xf32, #tpu.memory_space<hbm>>)
        tpu.yield
      }) : () -> ()
    } else {
    }
    return
  }
}

module attributes {stable_mosaic.version = 14 : i64} {
  func.func @_mm_body(%arg0: i32, %arg1: memref<1000x128xf32, #tpu.memory_space<vmem>>, %arg2: memref<128x128xf32, #tpu.memory_space<vmem>>, %arg3: memref<1x128xf32, #tpu.memory_space<vmem>>, %arg4: memref<1000x128xf32, #tpu.memory_space<vmem>>) attributes {dimension_semantics = [#tpu.dimension_semantics<arbitrary>], iteration_bounds = array<i64: 10>, scalar_prefetch = 0 : i64, scratch_operands = 0 : i64, tpu.core_type = #tpu.core_type<tc>, window_params = [{transform_indices = @transform_0, window_bounds = array<i64: 1000, 128>}, {pipeline_mode = #tpu.pipeline_mode<synchronous>, transform_indices = @transform_1, window_bounds = array<i64: 128, 128>}, {pipeline_mode = #tpu.pipeline_mode<synchronous>, transform_indices = @transform_2, window_bounds = array<i64: 1, 128>}, {transform_indices = @transform_3, window_bounds = array<i64: 1000, 128>}]} {
    %get3A = arith.constant 0 : index
    %get3A_0 = arith.constant 0 : index
    %get3A_1 = vector.load %arg1[%get3A, %get3A_0] : memref<1000x128xf32, #tpu.memory_space<vmem>>, vector<1000x128xf32>
    %get3A_2 = arith.constant 0 : index
    %get3A_3 = arith.constant 0 : index
    %get3A_4 = vector.load %arg2[%get3A_2, %get3A_3] : memref<128x128xf32, #tpu.memory_space<vmem>>, vector<128x128xf32>
    %dot_general3A = arith.constant dense<0.000000e+00> : vector<1000x128xf32>
    %dot_general3A_5 = tpu.matmul %get3A_1, %get3A_4, %dot_general3A {dimension_numbers = #tpu.dot_dimension_numbers<[1], [0], [0], [1], [0, 0, 1, 1], [], []>, transpose_lhs_hint = false} : vector<1000x128xf32>, vector<128x128xf32>, vector<1000x128xf32> -> vector<1000x128xf32>
    %get3A_6 = arith.constant 0 : index
    %get3A_7 = arith.constant 0 : index
    %get3A_8 = vector.load %arg3[%get3A_6, %get3A_7] : memref<1x128xf32, #tpu.memory_space<vmem>>, vector<1x128xf32>
    %add3A = vector.broadcast %get3A_8 : vector<1x128xf32> to vector<1000x128xf32>
    %add3A_9 = arith.addf %dot_general3A_5, %add3A : vector<1000x128xf32>
    %swap3A = arith.constant 0 : index
    %swap3A_10 = arith.constant 0 : index
    %swap3A_11 = vector.load %arg4[%swap3A, %swap3A_10] : memref<1000x128xf32, #tpu.memory_space<vmem>>, vector<1000x128xf32>
    tpu.vector_store %arg4[%swap3A, %swap3A_10], %add3A_9 {strides = array<i32>} : memref<1000x128xf32, #tpu.memory_space<vmem>>, vector<1000x128xf32>,
    return
  }
  func.func @transform_0(%arg0: i32) -> (i32, i32) {
    %c0_i32 = arith.constant 0 : i32
    %c0_i32_0 = arith.constant 0 : i32
    return %arg0, %c0_i32 : i32, i32
  }
  func.func @transform_1(%arg0: i32) -> (i32, i32) {
    %c0_i32 = arith.constant 0 : i32
    %c0_i32_0 = arith.constant 0 : i32
    %c0_i32_1 = arith.constant 0 : i32
    return %c0_i32, %c0_i32_0 : i32, i32
  }
  func.func @transform_2(%arg0: i32) -> (i32, i32) {
    %c0_i32 = arith.constant 0 : i32
    %c0_i32_0 = arith.constant 0 : i32
    %c0_i32_1 = arith.constant 0 : i32
    return %c0_i32, %c0_i32_0 : i32, i32
  }
  func.func @transform_3(%arg0: i32) -> (i32, i32) {
    %c0_i32 = arith.constant 0 : i32
    %c0_i32_0 = arith.constant 0 : i32
    return %arg0, %c0_i32 : i32, i32
  }
}

module attributes {stable_mosaic.version = 14 : i64} {
  func.func @_gru_body(%arg0: i32, %arg1: memref<1000x128xf32, #tpu.memory_space<vmem>>, %arg2: memref<1000x128xf32, #tpu.memory_space<vmem>>, %arg3: memref<1000x128xf32, #tpu.memory_space<vmem>>, %arg4: memref<128x384xf32, #tpu.memory_space<vmem>>, %arg5: memref<128x384xf32, #tpu.memory_space<vmem>>, %arg6: memref<1x384xf32, #tpu.memory_space<vmem>>, %arg7: memref<1x384xf32, #tpu.memory_space<vmem>>, %arg8: memref<128x128xf32, #tpu.memory_space<vmem>>, %arg9: memref<1x128xf32, #tpu.memory_space<vmem>>, %arg10: memref<1000x128xf32, #tpu.memory_space<vmem>>, %arg11: memref<1000x128xf32, #tpu.memory_space<vmem>>) attributes {dimension_semantics = [#tpu.dimension_semantics<arbitrary>], iteration_bounds = array<i64: 10>, scalar_prefetch = 0 : i64, scratch_operands = 0 : i64, tpu.core_type = #tpu.core_type<tc>, window_params = [{transform_indices = @transform_0, window_bounds = array<i64: 1000, 128>}, {transform_indices = @transform_1, window_bounds = array<i64: 1000, 128>}, {transform_indices = @transform_2, window_bounds = array<i64: 1000, 128>}, {pipeline_mode = #tpu.pipeline_mode<synchronous>, transform_indices = @transform_3, window_bounds = array<i64: 128, 384>}, {pipeline_mode = #tpu.pipeline_mode<synchronous>, transform_indices = @transform_4, window_bounds = array<i64: 128, 384>}, {pipeline_mode = #tpu.pipeline_mode<synchronous>, transform_indices = @transform_5, window_bounds = array<i64: 1, 384>}, {pipeline_mode = #tpu.pipeline_mode<synchronous>, transform_indices = @transform_6, window_bounds = array<i64: 1, 384>}, {pipeline_mode = #tpu.pipeline_mode<synchronous>, transform_indices = @transform_7, window_bounds = array<i64: 128, 128>}, {pipeline_mode = #tpu.pipeline_mode<synchronous>, transform_indices = @transform_8, window_bounds = array<i64: 1, 128>}, {transform_indices = @transform_9, window_bounds = array<i64: 1000, 128>}, {transform_indices = @transform_10, window_bounds = array<i64: 1000, 128>}]} {
    %get3A = arith.constant 0 : index
    %get3A_0 = arith.constant 0 : index
    %get3A_1 = vector.load %arg1[%get3A, %get3A_0] : memref<1000x128xf32, #tpu.memory_space<vmem>>, vector<1000x128xf32>
    %get3A_2 = arith.constant 0 : index
    %get3A_3 = arith.constant 0 : index
    %get3A_4 = vector.load %arg2[%get3A_2, %get3A_3] : memref<1000x128xf32, #tpu.memory_space<vmem>>, vector<1000x128xf32>
    %add3A = arith.addf %get3A_1, %get3A_4 : vector<1000x128xf32>
    %get3A_5 = arith.constant 0 : index
    %get3A_6 = arith.constant 0 : index
    %get3A_7 = vector.load %arg3[%get3A_5, %get3A_6] : memref<1000x128xf32, #tpu.memory_space<vmem>>, vector<1000x128xf32>
    %get3A_8 = arith.constant 0 : index
    %get3A_9 = arith.constant 0 : index
    %get3A_10 = vector.load %arg4[%get3A_8, %get3A_9] : memref<128x384xf32, #tpu.memory_space<vmem>>, vector<128x384xf32>
    %dot_general3A = arith.constant dense<0.000000e+00> : vector<1000x384xf32>
    %dot_general3A_11 = tpu.matmul %add3A, %get3A_10, %dot_general3A {dimension_numbers = #tpu.dot_dimension_numbers<[1], [0], [0], [1], [0, 0, 1, 1], [], []>, transpose_lhs_hint = false} : vector<1000x128xf32>, vector<128x384xf32>, vector<1000x384xf32> -> vector<1000x384xf32>
    %get3A_12 = arith.constant 0 : index
    %get3A_13 = arith.constant 0 : index
    %get3A_14 = vector.load %arg6[%get3A_12, %get3A_13] : memref<1x384xf32, #tpu.memory_space<vmem>>, vector<1x384xf32>
    %add3A_15 = vector.broadcast %get3A_14 : vector<1x384xf32> to vector<1000x384xf32>
    %add3A_16 = arith.addf %dot_general3A_11, %add3A_15 : vector<1000x384xf32>
    %get3A_17 = arith.constant 0 : index
    %get3A_18 = arith.constant 0 : index
    %get3A_19 = vector.load %arg5[%get3A_17, %get3A_18] : memref<128x384xf32, #tpu.memory_space<vmem>>, vector<128x384xf32>
    %dot_general3A_20 = arith.constant dense<0.000000e+00> : vector<1000x384xf32>
    %dot_general3A_21 = tpu.matmul %get3A_7, %get3A_19, %dot_general3A_20 {dimension_numbers = #tpu.dot_dimension_numbers<[1], [0], [0], [1], [0, 0, 1, 1], [], []>, transpose_lhs_hint = false} : vector<1000x128xf32>, vector<128x384xf32>, vector<1000x384xf32> -> vector<1000x384xf32>
    %get3A_22 = arith.constant 0 : index
    %get3A_23 = arith.constant 0 : index
    %get3A_24 = vector.load %arg7[%get3A_22, %get3A_23] : memref<1x384xf32, #tpu.memory_space<vmem>>, vector<1x384xf32>
    %add3A_25 = vector.broadcast %get3A_24 : vector<1x384xf32> to vector<1000x384xf32>
    %add3A_26 = arith.addf %dot_general3A_21, %add3A_25 : vector<1000x384xf32>
    %slice3A = vector.extract_strided_slice %add3A_16 {offsets = [0, 0], sizes = [1000, 128], strides = [1, 1]} : vector<1000x384xf32> to vector<1000x128xf32>
    %slice3A_27 = vector.extract_strided_slice %add3A_26 {offsets = [0, 0], sizes = [1000, 128], strides = [1, 1]} : vector<1000x384xf32> to vector<1000x128xf32>
    %add3A_28 = arith.addf %slice3A, %slice3A_27 : vector<1000x128xf32>
    %logistic3A = arith.negf %add3A_28 : vector<1000x128xf32>
    %logistic3A_29 = math.exp %logistic3A : vector<1000x128xf32>
    %logistic3A_30 = arith.constant 1.000000e+00 : f32
    %logistic3A_31 = vector.broadcast %logistic3A_30 : f32 to vector<1000x128xf32>
    %logistic3A_32 = arith.addf %logistic3A_31, %logistic3A_29 : vector<1000x128xf32>
    %logistic3A_33 = arith.divf %logistic3A_31, %logistic3A_32 : vector<1000x128xf32>
    %slice3A_34 = vector.extract_strided_slice %add3A_16 {offsets = [0, 128], sizes = [1000, 128], strides = [1, 1]} : vector<1000x384xf32> to vector<1000x128xf32>
    %slice3A_35 = vector.extract_strided_slice %add3A_26 {offsets = [0, 128], sizes = [1000, 128], strides = [1, 1]} : vector<1000x384xf32> to vector<1000x128xf32>
    %add3A_36 = arith.addf %slice3A_34, %slice3A_35 : vector<1000x128xf32>
    %logistic3A_37 = arith.negf %add3A_36 : vector<1000x128xf32>
    %logistic3A_38 = math.exp %logistic3A_37 : vector<1000x128xf32>
    %logistic3A_39 = arith.constant 1.000000e+00 : f32
    %logistic3A_40 = vector.broadcast %logistic3A_39 : f32 to vector<1000x128xf32>
    %logistic3A_41 = arith.addf %logistic3A_40, %logistic3A_38 : vector<1000x128xf32>
    %logistic3A_42 = arith.divf %logistic3A_40, %logistic3A_41 : vector<1000x128xf32>
    %slice3A_43 = vector.extract_strided_slice %add3A_16 {offsets = [0, 256], sizes = [1000, 128], strides = [1, 1]} : vector<1000x384xf32> to vector<1000x128xf32>
    %slice3A_44 = vector.extract_strided_slice %add3A_26 {offsets = [0, 256], sizes = [1000, 128], strides = [1, 1]} : vector<1000x384xf32> to vector<1000x128xf32>
    %mul3A = arith.mulf %logistic3A_33, %slice3A_44 : vector<1000x128xf32>
    %add3A_45 = arith.addf %slice3A_43, %mul3A : vector<1000x128xf32>
    %tanh3A = math.tanh %add3A_45 : vector<1000x128xf32>
    %sub3A = arith.constant 1.000000e+00 : f32
    %sub3A_46 = vector.broadcast %sub3A : f32 to vector<1000x128xf32>
    %sub3A_47 = arith.subf %sub3A_46, %logistic3A_42 : vector<1000x128xf32>
    %mul3A_48 = arith.mulf %sub3A_47, %tanh3A : vector<1000x128xf32>
    %mul3A_49 = arith.mulf %logistic3A_42, %get3A_7 : vector<1000x128xf32>
    %add3A_50 = arith.addf %mul3A_48, %mul3A_49 : vector<1000x128xf32>
    %swap3A = arith.constant 0 : index
    %swap3A_51 = arith.constant 0 : index
    %swap3A_52 = vector.load %arg10[%swap3A, %swap3A_51] : memref<1000x128xf32, #tpu.memory_space<vmem>>, vector<1000x128xf32>
    tpu.vector_store %arg10[%swap3A, %swap3A_51], %add3A_50 {strides = array<i32>} : memref<1000x128xf32, #tpu.memory_space<vmem>>, vector<1000x128xf32>,
    %get3A_53 = arith.constant 0 : index
    %get3A_54 = arith.constant 0 : index
    %get3A_55 = vector.load %arg8[%get3A_53, %get3A_54] : memref<128x128xf32, #tpu.memory_space<vmem>>, vector<128x128xf32>
    %dot_general3A_56 = arith.constant dense<0.000000e+00> : vector<1000x128xf32>
    %dot_general3A_57 = tpu.matmul %add3A_50, %get3A_55, %dot_general3A_56 {dimension_numbers = #tpu.dot_dimension_numbers<[1], [0], [0], [1], [0, 0, 1, 1], [], []>, transpose_lhs_hint = false} : vector<1000x128xf32>, vector<128x128xf32>, vector<1000x128xf32> -> vector<1000x128xf32>
    %get3A_58 = arith.constant 0 : index
    %get3A_59 = arith.constant 0 : index
    %get3A_60 = vector.load %arg9[%get3A_58, %get3A_59] : memref<1x128xf32, #tpu.memory_space<vmem>>, vector<1x128xf32>
    %add3A_61 = vector.broadcast %get3A_60 : vector<1x128xf32> to vector<1000x128xf32>
    %add3A_62 = arith.addf %dot_general3A_57, %add3A_61 : vector<1000x128xf32>
    %swap3A_63 = arith.constant 0 : index
    %swap3A_64 = arith.constant 0 : index
    %swap3A_65 = vector.load %arg11[%swap3A_63, %swap3A_64] : memref<1000x128xf32, #tpu.memory_space<vmem>>, vector<1000x128xf32>
    tpu.vector_store %arg11[%swap3A_63, %swap3A_64], %add3A_62 {strides = array<i32>} : memref<1000x128xf32, #tpu.memory_space<vmem>>, vector<1000x128xf32>,
    return
  }
  func.func @transform_0(%arg0: i32) -> (i32, i32) {
    %c0_i32 = arith.constant 0 : i32
    %c0_i32_0 = arith.constant 0 : i32
    return %arg0, %c0_i32 : i32, i32
  }
  func.func @transform_1(%arg0: i32) -> (i32, i32) {
    %add3A = arith.constant 10 : i32
    %add3A_0 = arith.addi %arg0, %add3A : i32
    %c0_i32 = arith.constant 0 : i32
    %c0_i32_1 = arith.constant 0 : i32
    return %add3A_0, %c0_i32 : i32, i32
  }
  func.func @transform_2(%arg0: i32) -> (i32, i32) {
    %c0_i32 = arith.constant 0 : i32
    %c0_i32_0 = arith.constant 0 : i32
    return %arg0, %c0_i32 : i32, i32
  }
  func.func @transform_3(%arg0: i32) -> (i32, i32) {
    %c0_i32 = arith.constant 0 : i32
    %c0_i32_0 = arith.constant 0 : i32
    %c0_i32_1 = arith.constant 0 : i32
    return %c0_i32, %c0_i32_0 : i32, i32
  }
  func.func @transform_4(%arg0: i32) -> (i32, i32) {
    %c0_i32 = arith.constant 0 : i32
    %c0_i32_0 = arith.constant 0 : i32
    %c0_i32_1 = arith.constant 0 : i32
    return %c0_i32, %c0_i32_0 : i32, i32
  }
  func.func @transform_5(%arg0: i32) -> (i32, i32) {
    %c0_i32 = arith.constant 0 : i32
    %c0_i32_0 = arith.constant 0 : i32
    %c0_i32_1 = arith.constant 0 : i32
    return %c0_i32, %c0_i32_0 : i32, i32
  }
  func.func @transform_6(%arg0: i32) -> (i32, i32) {
    %c0_i32 = arith.constant 0 : i32
    %c0_i32_0 = arith.constant 0 : i32
    %c0_i32_1 = arith.constant 0 : i32
    return %c0_i32, %c0_i32_0 : i32, i32
  }
  func.func @transform_7(%arg0: i32) -> (i32, i32) {
    %c0_i32 = arith.constant 0 : i32
    %c0_i32_0 = arith.constant 0 : i32
    %c0_i32_1 = arith.constant 0 : i32
    return %c0_i32, %c0_i32_0 : i32, i32
  }
  func.func @transform_8(%arg0: i32) -> (i32, i32) {
    %c0_i32 = arith.constant 0 : i32
    %c0_i32_0 = arith.constant 0 : i32
    %c0_i32_1 = arith.constant 0 : i32
    return %c0_i32, %c0_i32_0 : i32, i32
  }
  func.func @transform_9(%arg0: i32) -> (i32, i32) {
    %c0_i32 = arith.constant 0 : i32
    %c0_i32_0 = arith.constant 0 : i32
    return %arg0, %c0_i32 : i32, i32
  }
  func.func @transform_10(%arg0: i32) -> (i32, i32) {
    %c0_i32 = arith.constant 0 : i32
    %c0_i32_0 = arith.constant 0 : i32
    return %arg0, %c0_i32 : i32, i32
  }
}

module attributes {stable_mosaic.version = 14 : i64} {
  func.func @_gru_body(%arg0: i32, %arg1: memref<1000x128xf32, #tpu.memory_space<vmem>>, %arg2: memref<1000x128xf32, #tpu.memory_space<vmem>>, %arg3: memref<1000x128xf32, #tpu.memory_space<vmem>>, %arg4: memref<128x384xf32, #tpu.memory_space<vmem>>, %arg5: memref<128x384xf32, #tpu.memory_space<vmem>>, %arg6: memref<1x384xf32, #tpu.memory_space<vmem>>, %arg7: memref<1x384xf32, #tpu.memory_space<vmem>>, %arg8: memref<128x128xf32, #tpu.memory_space<vmem>>, %arg9: memref<1x128xf32, #tpu.memory_space<vmem>>, %arg10: memref<1000x128xf32, #tpu.memory_space<vmem>>, %arg11: memref<1000x128xf32, #tpu.memory_space<vmem>>) attributes {dimension_semantics = [#tpu.dimension_semantics<arbitrary>], iteration_bounds = array<i64: 10>, scalar_prefetch = 0 : i64, scratch_operands = 0 : i64, tpu.core_type = #tpu.core_type<tc>, window_params = [{transform_indices = @transform_0, window_bounds = array<i64: 1000, 128>}, {transform_indices = @transform_1, window_bounds = array<i64: 1000, 128>}, {transform_indices = @transform_2, window_bounds = array<i64: 1000, 128>}, {pipeline_mode = #tpu.pipeline_mode<synchronous>, transform_indices = @transform_3, window_bounds = array<i64: 128, 384>}, {pipeline_mode = #tpu.pipeline_mode<synchronous>, transform_indices = @transform_4, window_bounds = array<i64: 128, 384>}, {pipeline_mode = #tpu.pipeline_mode<synchronous>, transform_indices = @transform_5, window_bounds = array<i64: 1, 384>}, {pipeline_mode = #tpu.pipeline_mode<synchronous>, transform_indices = @transform_6, window_bounds = array<i64: 1, 384>}, {pipeline_mode = #tpu.pipeline_mode<synchronous>, transform_indices = @transform_7, window_bounds = array<i64: 128, 128>}, {pipeline_mode = #tpu.pipeline_mode<synchronous>, transform_indices = @transform_8, window_bounds = array<i64: 1, 128>}, {transform_indices = @transform_9, window_bounds = array<i64: 1000, 128>}, {transform_indices = @transform_10, window_bounds = array<i64: 1000, 128>}]} {
    %get3A = arith.constant 0 : index
    %get3A_0 = arith.constant 0 : index
    %get3A_1 = vector.load %arg1[%get3A, %get3A_0] : memref<1000x128xf32, #tpu.memory_space<vmem>>, vector<1000x128xf32>
    %get3A_2 = arith.constant 0 : index
    %get3A_3 = arith.constant 0 : index
    %get3A_4 = vector.load %arg2[%get3A_2, %get3A_3] : memref<1000x128xf32, #tpu.memory_space<vmem>>, vector<1000x128xf32>
    %add3A = arith.addf %get3A_1, %get3A_4 : vector<1000x128xf32>
    %get3A_5 = arith.constant 0 : index
    %get3A_6 = arith.constant 0 : index
    %get3A_7 = vector.load %arg3[%get3A_5, %get3A_6] : memref<1000x128xf32, #tpu.memory_space<vmem>>, vector<1000x128xf32>
    %get3A_8 = arith.constant 0 : index
    %get3A_9 = arith.constant 0 : index
    %get3A_10 = vector.load %arg4[%get3A_8, %get3A_9] : memref<128x384xf32, #tpu.memory_space<vmem>>, vector<128x384xf32>
    %dot_general3A = arith.constant dense<0.000000e+00> : vector<1000x384xf32>
    %dot_general3A_11 = tpu.matmul %add3A, %get3A_10, %dot_general3A {dimension_numbers = #tpu.dot_dimension_numbers<[1], [0], [0], [1], [0, 0, 1, 1], [], []>, transpose_lhs_hint = false} : vector<1000x128xf32>, vector<128x384xf32>, vector<1000x384xf32> -> vector<1000x384xf32>
    %get3A_12 = arith.constant 0 : index
    %get3A_13 = arith.constant 0 : index
    %get3A_14 = vector.load %arg6[%get3A_12, %get3A_13] : memref<1x384xf32, #tpu.memory_space<vmem>>, vector<1x384xf32>
    %add3A_15 = vector.broadcast %get3A_14 : vector<1x384xf32> to vector<1000x384xf32>
    %add3A_16 = arith.addf %dot_general3A_11, %add3A_15 : vector<1000x384xf32>
    %get3A_17 = arith.constant 0 : index
    %get3A_18 = arith.constant 0 : index
    %get3A_19 = vector.load %arg5[%get3A_17, %get3A_18] : memref<128x384xf32, #tpu.memory_space<vmem>>, vector<128x384xf32>
    %dot_general3A_20 = arith.constant dense<0.000000e+00> : vector<1000x384xf32>
    %dot_general3A_21 = tpu.matmul %get3A_7, %get3A_19, %dot_general3A_20 {dimension_numbers = #tpu.dot_dimension_numbers<[1], [0], [0], [1], [0, 0, 1, 1], [], []>, transpose_lhs_hint = false} : vector<1000x128xf32>, vector<128x384xf32>, vector<1000x384xf32> -> vector<1000x384xf32>
    %get3A_22 = arith.constant 0 : index
    %get3A_23 = arith.constant 0 : index
    %get3A_24 = vector.load %arg7[%get3A_22, %get3A_23] : memref<1x384xf32, #tpu.memory_space<vmem>>, vector<1x384xf32>
    %add3A_25 = vector.broadcast %get3A_24 : vector<1x384xf32> to vector<1000x384xf32>
    %add3A_26 = arith.addf %dot_general3A_21, %add3A_25 : vector<1000x384xf32>
    %slice3A = vector.extract_strided_slice %add3A_16 {offsets = [0, 0], sizes = [1000, 128], strides = [1, 1]} : vector<1000x384xf32> to vector<1000x128xf32>
    %slice3A_27 = vector.extract_strided_slice %add3A_26 {offsets = [0, 0], sizes = [1000, 128], strides = [1, 1]} : vector<1000x384xf32> to vector<1000x128xf32>
    %add3A_28 = arith.addf %slice3A, %slice3A_27 : vector<1000x128xf32>
    %logistic3A = arith.negf %add3A_28 : vector<1000x128xf32>
    %logistic3A_29 = math.exp %logistic3A : vector<1000x128xf32>
    %logistic3A_30 = arith.constant 1.000000e+00 : f32
    %logistic3A_31 = vector.broadcast %logistic3A_30 : f32 to vector<1000x128xf32>
    %logistic3A_32 = arith.addf %logistic3A_31, %logistic3A_29 : vector<1000x128xf32>
    %logistic3A_33 = arith.divf %logistic3A_31, %logistic3A_32 : vector<1000x128xf32>
    %slice3A_34 = vector.extract_strided_slice %add3A_16 {offsets = [0, 128], sizes = [1000, 128], strides = [1, 1]} : vector<1000x384xf32> to vector<1000x128xf32>
    %slice3A_35 = vector.extract_strided_slice %add3A_26 {offsets = [0, 128], sizes = [1000, 128], strides = [1, 1]} : vector<1000x384xf32> to vector<1000x128xf32>
    %add3A_36 = arith.addf %slice3A_34, %slice3A_35 : vector<1000x128xf32>
    %logistic3A_37 = arith.negf %add3A_36 : vector<1000x128xf32>
    %logistic3A_38 = math.exp %logistic3A_37 : vector<1000x128xf32>
    %logistic3A_39 = arith.constant 1.000000e+00 : f32
    %logistic3A_40 = vector.broadcast %logistic3A_39 : f32 to vector<1000x128xf32>
    %logistic3A_41 = arith.addf %logistic3A_40, %logistic3A_38 : vector<1000x128xf32>
    %logistic3A_42 = arith.divf %logistic3A_40, %logistic3A_41 : vector<1000x128xf32>
    %slice3A_43 = vector.extract_strided_slice %add3A_16 {offsets = [0, 256], sizes = [1000, 128], strides = [1, 1]} : vector<1000x384xf32> to vector<1000x128xf32>
    %slice3A_44 = vector.extract_strided_slice %add3A_26 {offsets = [0, 256], sizes = [1000, 128], strides = [1, 1]} : vector<1000x384xf32> to vector<1000x128xf32>
    %mul3A = arith.mulf %logistic3A_33, %slice3A_44 : vector<1000x128xf32>
    %add3A_45 = arith.addf %slice3A_43, %mul3A : vector<1000x128xf32>
    %tanh3A = math.tanh %add3A_45 : vector<1000x128xf32>
    %sub3A = arith.constant 1.000000e+00 : f32
    %sub3A_46 = vector.broadcast %sub3A : f32 to vector<1000x128xf32>
    %sub3A_47 = arith.subf %sub3A_46, %logistic3A_42 : vector<1000x128xf32>
    %mul3A_48 = arith.mulf %sub3A_47, %tanh3A : vector<1000x128xf32>
    %mul3A_49 = arith.mulf %logistic3A_42, %get3A_7 : vector<1000x128xf32>
    %add3A_50 = arith.addf %mul3A_48, %mul3A_49 : vector<1000x128xf32>
    %swap3A = arith.constant 0 : index
    %swap3A_51 = arith.constant 0 : index
    %swap3A_52 = vector.load %arg10[%swap3A, %swap3A_51] : memref<1000x128xf32, #tpu.memory_space<vmem>>, vector<1000x128xf32>
    tpu.vector_store %arg10[%swap3A, %swap3A_51], %add3A_50 {strides = array<i32>} : memref<1000x128xf32, #tpu.memory_space<vmem>>, vector<1000x128xf32>,
    %get3A_53 = arith.constant 0 : index
    %get3A_54 = arith.constant 0 : index
    %get3A_55 = vector.load %arg8[%get3A_53, %get3A_54] : memref<128x128xf32, #tpu.memory_space<vmem>>, vector<128x128xf32>
    %dot_general3A_56 = arith.constant dense<0.000000e+00> : vector<1000x128xf32>
    %dot_general3A_57 = tpu.matmul %add3A_50, %get3A_55, %dot_general3A_56 {dimension_numbers = #tpu.dot_dimension_numbers<[1], [0], [0], [1], [0, 0, 1, 1], [], []>, transpose_lhs_hint = false} : vector<1000x128xf32>, vector<128x128xf32>, vector<1000x128xf32> -> vector<1000x128xf32>
    %get3A_58 = arith.constant 0 : index
    %get3A_59 = arith.constant 0 : index
    %get3A_60 = vector.load %arg9[%get3A_58, %get3A_59] : memref<1x128xf32, #tpu.memory_space<vmem>>, vector<1x128xf32>
    %add3A_61 = vector.broadcast %get3A_60 : vector<1x128xf32> to vector<1000x128xf32>
    %add3A_62 = arith.addf %dot_general3A_57, %add3A_61 : vector<1000x128xf32>
    %swap3A_63 = arith.constant 0 : index
    %swap3A_64 = arith.constant 0 : index
    %swap3A_65 = vector.load %arg11[%swap3A_63, %swap3A_64] : memref<1000x128xf32, #tpu.memory_space<vmem>>, vector<1000x128xf32>
    tpu.vector_store %arg11[%swap3A_63, %swap3A_64], %add3A_62 {strides = array<i32>} : memref<1000x128xf32, #tpu.memory_space<vmem>>, vector<1000x128xf32>,
    return
  }
  func.func @transform_0(%arg0: i32) -> (i32, i32) {
    %c0_i32 = arith.constant 0 : i32
    %c0_i32_0 = arith.constant 0 : i32
    return %arg0, %c0_i32 : i32, i32
  }
  func.func @transform_1(%arg0: i32) -> (i32, i32) {
    %add3A = arith.constant 10 : i32
    %add3A_0 = arith.addi %arg0, %add3A : i32
    %c0_i32 = arith.constant 0 : i32
    %c0_i32_1 = arith.constant 0 : i32
    return %add3A_0, %c0_i32 : i32, i32
  }
  func.func @transform_2(%arg0: i32) -> (i32, i32) {
    %c0_i32 = arith.constant 0 : i32
    %c0_i32_0 = arith.constant 0 : i32
    return %arg0, %c0_i32 : i32, i32
  }
  func.func @transform_3(%arg0: i32) -> (i32, i32) {
    %c0_i32 = arith.constant 0 : i32
    %c0_i32_0 = arith.constant 0 : i32
    %c0_i32_1 = arith.constant 0 : i32
    return %c0_i32, %c0_i32_0 : i32, i32
  }
  func.func @transform_4(%arg0: i32) -> (i32, i32) {
    %c0_i32 = arith.constant 0 : i32
    %c0_i32_0 = arith.constant 0 : i32
    %c0_i32_1 = arith.constant 0 : i32
    return %c0_i32, %c0_i32_0 : i32, i32
  }
  func.func @transform_5(%arg0: i32) -> (i32, i32) {
    %c0_i32 = arith.constant 0 : i32
    %c0_i32_0 = arith.constant 0 : i32
    %c0_i32_1 = arith.constant 0 : i32
    return %c0_i32, %c0_i32_0 : i32, i32
  }
  func.func @transform_6(%arg0: i32) -> (i32, i32) {
    %c0_i32 = arith.constant 0 : i32
    %c0_i32_0 = arith.constant 0 : i32
    %c0_i32_1 = arith.constant 0 : i32
    return %c0_i32, %c0_i32_0 : i32, i32
  }
  func.func @transform_7(%arg0: i32) -> (i32, i32) {
    %c0_i32 = arith.constant 0 : i32
    %c0_i32_0 = arith.constant 0 : i32
    %c0_i32_1 = arith.constant 0 : i32
    return %c0_i32, %c0_i32_0 : i32, i32
  }
  func.func @transform_8(%arg0: i32) -> (i32, i32) {
    %c0_i32 = arith.constant 0 : i32
    %c0_i32_0 = arith.constant 0 : i32
    %c0_i32_1 = arith.constant 0 : i32
    return %c0_i32, %c0_i32_0 : i32, i32
  }
  func.func @transform_9(%arg0: i32) -> (i32, i32) {
    %c0_i32 = arith.constant 0 : i32
    %c0_i32_0 = arith.constant 0 : i32
    return %arg0, %c0_i32 : i32, i32
  }
  func.func @transform_10(%arg0: i32) -> (i32, i32) {
    %c0_i32 = arith.constant 0 : i32
    %c0_i32_0 = arith.constant 0 : i32
    return %arg0, %c0_i32 : i32, i32
  }
}

module attributes {stable_mosaic.version = 14 : i64} {
  func.func @_colsum_body(%arg0: i32, %arg1: memref<1000x128xf32, #tpu.memory_space<vmem>>, %arg2: memref<1x128xf32, #tpu.memory_space<vmem>>) attributes {dimension_semantics = [#tpu.dimension_semantics<arbitrary>], iteration_bounds = array<i64: 10>, scalar_prefetch = 0 : i64, scratch_operands = 0 : i64, tpu.core_type = #tpu.core_type<tc>, window_params = [{transform_indices = @transform_0, window_bounds = array<i64: 1000, 128>}, {pipeline_mode = #tpu.pipeline_mode<synchronous>, transform_indices = @transform_1, window_bounds = array<i64: 1, 128>}]} {
    %eq3A = arith.constant 0 : i32
    %eq3A_0 = arith.cmpi eq, %arg0, %eq3A : i32
    %convert_element_type3A = arith.extui %eq3A_0 : i1 to i32
    %cond3A = arith.constant 0 : i32
    %cond3A_1 = arith.cmpi ne, %convert_element_type3A, %cond3A : i32
    scf.if %cond3A_1 {
      %broadcast_in_dim3A_10 = arith.constant 0.000000e+00 : f32
      %broadcast_in_dim3A_11 = vector.broadcast %broadcast_in_dim3A_10 : f32 to vector<1x128xf32>
      %swap3A_12 = arith.constant 0 : index
      %swap3A_13 = arith.constant 0 : index
      %swap3A_14 = vector.load %arg2[%swap3A_12, %swap3A_13] : memref<1x128xf32, #tpu.memory_space<vmem>>, vector<1x128xf32>
      tpu.vector_store %arg2[%swap3A_12, %swap3A_13], %broadcast_in_dim3A_11 {strides = array<i32>} : memref<1x128xf32, #tpu.memory_space<vmem>>, vector<1x128xf32>,
    } else {
    }
    %get3A = arith.constant 0 : index
    %get3A_2 = arith.constant 0 : index
    %get3A_3 = vector.load %arg2[%get3A, %get3A_2] : memref<1x128xf32, #tpu.memory_space<vmem>>, vector<1x128xf32>
    %get3A_4 = arith.constant 0 : index
    %get3A_5 = arith.constant 0 : index
    %get3A_6 = vector.load %arg1[%get3A_4, %get3A_5] : memref<1000x128xf32, #tpu.memory_space<vmem>>, vector<1000x128xf32>
    %reduce_sum3A = arith.constant dense<0.000000e+00> : vector<128xf32>
    %reduce_sum3A_7 = vector.multi_reduction <add>, %get3A_6, %reduce_sum3A [0] : vector<1000x128xf32> to vector<128xf32>
    %broadcast_in_dim3A = vector.shape_cast %reduce_sum3A_7 : vector<128xf32> to vector<1x128xf32>
    %add3A = arith.addf %get3A_3, %broadcast_in_dim3A : vector<1x128xf32>
    %swap3A = arith.constant 0 : index
    %swap3A_8 = arith.constant 0 : index
    %swap3A_9 = vector.load %arg2[%swap3A, %swap3A_8] : memref<1x128xf32, #tpu.memory_space<vmem>>, vector<1x128xf32>
    tpu.vector_store %arg2[%swap3A, %swap3A_8], %add3A {strides = array<i32>} : memref<1x128xf32, #tpu.memory_space<vmem>>, vector<1x128xf32>,
    return
  }
  func.func @transform_0(%arg0: i32) -> (i32, i32) {
    %c0_i32 = arith.constant 0 : i32
    %c0_i32_0 = arith.constant 0 : i32
    return %arg0, %c0_i32 : i32, i32
  }
  func.func @transform_1(%arg0: i32) -> (i32, i32) {
    %c0_i32 = arith.constant 0 : i32
    %c0_i32_0 = arith.constant 0 : i32
    %c0_i32_1 = arith.constant 0 : i32
    return %c0_i32, %c0_i32_0 : i32, i32
  }
}

module attributes {stable_mosaic.version = 14 : i64} {
  func.func @_head_body(%arg0: memref<1x128xf32, #tpu.memory_space<vmem>>, %arg1: memref<128x16xf32, #tpu.memory_space<vmem>>, %arg2: memref<1x16xf32, #tpu.memory_space<vmem>>, %arg3: memref<1x16xf32, #tpu.memory_space<vmem>>) attributes {dimension_semantics = [], scalar_prefetch = 0 : i64, scratch_operands = 0 : i64, tpu.core_type = #tpu.core_type<tc>} {
    %get3A = arith.constant 0 : index
    %get3A_0 = arith.constant 0 : index
    %get3A_1 = vector.load %arg0[%get3A, %get3A_0] : memref<1x128xf32, #tpu.memory_space<vmem>>, vector<1x128xf32>
    %mul3A = arith.constant 9.99999974E-5 : f32
    %mul3A_2 = vector.broadcast %mul3A : f32 to vector<1x128xf32>
    %mul3A_3 = arith.mulf %get3A_1, %mul3A_2 : vector<1x128xf32>
    %get3A_4 = arith.constant 0 : index
    %get3A_5 = arith.constant 0 : index
    %get3A_6 = vector.load %arg1[%get3A_4, %get3A_5] : memref<128x16xf32, #tpu.memory_space<vmem>>, vector<128x16xf32>
    %dot_general3A = arith.constant dense<0.000000e+00> : vector<1x16xf32>
    %dot_general3A_7 = tpu.matmul %mul3A_3, %get3A_6, %dot_general3A {dimension_numbers = #tpu.dot_dimension_numbers<[1], [0], [0], [1], [0, 0, 1, 1], [], []>, transpose_lhs_hint = false} : vector<1x128xf32>, vector<128x16xf32>, vector<1x16xf32> -> vector<1x16xf32>
    %get3A_8 = arith.constant 0 : index
    %get3A_9 = arith.constant 0 : index
    %get3A_10 = vector.load %arg2[%get3A_8, %get3A_9] : memref<1x16xf32, #tpu.memory_space<vmem>>, vector<1x16xf32>
    %add3A = arith.addf %dot_general3A_7, %get3A_10 : vector<1x16xf32>
    %swap3A = arith.constant 0 : index
    %swap3A_11 = arith.constant 0 : index
    %swap3A_12 = vector.load %arg3[%swap3A, %swap3A_11] : memref<1x16xf32, #tpu.memory_space<vmem>>, vector<1x16xf32>
    tpu.vector_store %arg3[%swap3A, %swap3A_11], %add3A {strides = array<i32>} : memref<1x16xf32, #tpu.memory_space<vmem>>, vector<1x16xf32>,
    return
  }
}

</mosaic_0001>

<sc_bundles>
// kernel: kernel.17.cloned.1.call-start
scs
__scs_entry_jumppad:
0x0: {  	(pc) =	sbr.rel $0x88, $3  }
0x1: {  	(tag) =	ssettag $0x0;
	lr =	simm.s32 $0x1  }
0x2: {  	[smem:$0x3F91] =	sst lr;
	_ =	strace $0xD0000000  }
0x3: {  	_ = 	snop  }
0x4: {  	_ = 	snop  }
0x5: {  	_ = 	snop  }
0x6: {  	_ = 	snop  }
0x7: {  	_ = 	snop  }
__scs_overlays_trampoline_lowered:
0x8: {  	[smem:$0x3FA0] =	sst s0  }
0x9: {  	[smem:$0x3FA1] =	sst s1  }
0xa: {  	[smem:$0x3FA2] =	sst s2  }
0xb: {  	[smem:$0x3FA3] =	sst s3  }
0xc: {  	[smem:$0x3FA4] =	sst s4  }
0xd: {  	[smem:$0x3FA5] =	sst s5  }
0xe: {  	[smem:$0x3FA6] =	sst s6  }
0xf: {  	[smem:$0x3FA7] =	sst s7  }
0x10: {  	[smem:$0x3FA8] =	sst s8  }
0x11: {  	[smem:$0x3FA9] =	sst s9;
	s0 =	simm.s32 @!p0 $0x0  }
0x12: {  	s1 =	sld [smem:$0x3F8F];
	s0 =	simm.s32 @p0 $0x1  }
0x13: {  	[smem:$0x3FAA] =	sst s0;
	s0 =	simm.s32 @!p1 $0x0  }
0x14: {  	s2 =	sld [smem:$0x3F8E];
	s0 =	simm.s32 @p1 $0x1  }
0x15: {  	[smem:$0x3FAB] =	sst s0;
	s0 =	simm.s32 @!p2 $0x0  }
0x16: {  	s3 =	sld [smem:$0x3FDB];
	s0 =	simm.s32 @p2 $0x1  }
0x17: {  	s4 =	simm.s32 $0x1BF5;
	[smem:$0x3FAD] =	sst s0  }
0x18: {  	s0 =	sld [smem:$0x3F90];
	_ =	swait.ge [sflag:s4], $0x0  }
0x19: {  	s7 =	sld [smem:$0x3F91]  }
0x1a: {  	s8 =	sadd.s32 $0xFFFFE003, lr  }
0x1b: {  	s9 =	sadd.s32 $0xFFFFFEF7, lr;
	s5 =	simm.s32 $0xFFFFFFFF;
	p2 =	slt.u32 s8, $0xFFFFF086  }
0x1c: {  	p1 =	slt.u32 s9, $0xF7A;
	s5 =	simm.s32 @!p2 $0x0  }
0x1d: {  	s5 =	simm.s32 @p1 $0x1;
	p0 =	seq.s32 s7, s2  }
0x1e: {  	s7 =	smul.u32 @!p0 $0xF7A, s2;
	p2 =	seq.s32 @!p0 s5, $0x0  }
0x1f: {  	s9 =	smul.u32 $0xF7A, s1;
	s8 =	simm.s32 @!p0 $0x1BF5;
	p2 =	por !p2, p0  }
0x20: {  	[sflag:s8] =	ssyncset.s32 @!p0 $0xFFFFF086;
	s6 =	sadd.s32 @!p0 s3, s7;
	s7 =	simm.s32 @!p0 $0x108  }
0x21: {  	s3 =	sadd.s32 s3, s9;
	s6 =	sadd.s32 @!p0 $0x88, s6;
	s7 =	simm.s32 @p2 $0x1082  }
0x22: {  	[simem:s7], [sflag:s8] =	dma.local @!p0 [hbm:s6], $0xF7A  }
0x23: {  	s9 =	sor.u32 $0xD0000000, s2;
	s6 =	simm.s32 $0x108;
	_ =	swait.ge @!p0 [sflag:s8], $0x0  }
0x24: {  	s3 =	sadd.s32 $0x88, s3;
	s6 =	simm.s32 @!p1 $0x1082;
	[sflag:s4] =	ssyncset.s32 $0xFFFFF086  }
0x25: {  	[simem:s6], [sflag:s4] =	dma.local [hbm:s3], $0xF7A  }
0x26: {  	[smem:$0x3F91] =	sst s1;
	(tag) =	ssettag s2;
	_ =	strace s9  }
0x27: {  	s1 =	sld [smem:$0x3FA1]  }
0x28: {  	s2 =	sld [smem:$0x3FA2]  }
0x29: {  	s4 =	sld [smem:$0x3FA4]  }
0x2a: {  	p0 =	seq.s32 s5, $0x0;
	s5 =	sld [smem:$0x3FA5]  }
0x2b: {  	s6 =	sld [smem:$0x3FA6]  }
0x2c: {  	s7 =	sld [smem:$0x3FA7]  }
0x2d: {  	s3 =	simm.s32 $0x108;
	s8 =	sld [smem:$0x3FA8]  }
0x2e: {  	s3 =	simm.s32 @!p0 $0x1082;
	s9 =	sld [smem:$0x3FA9]  }
0x2f: {  	lr =	sadd.s32 s0, s3;
	s0 =	sld [smem:$0x3FA0]  }
0x30: {  	s3 =	sld [smem:$0x3FA3]  }
0x31: {  	[smem:$0x3FAC] =	sst s10  }
0x32: {  	s10 =	sld [smem:$0x3FAA];
	_ =	sdelay $0x3  }
0x33: {  	p0 =	seq.s32 s10, $0x1;
	s10 =	sld [smem:$0x3FAC];
	_ =	sdelay $0x3  }
0x34: {  	[smem:$0x3FAC] =	sst s10  }
0x35: {  	s10 =	sld [smem:$0x3FAB];
	_ =	sdelay $0x3  }
0x36: {  	p1 =	seq.s32 s10, $0x1;
	s10 =	sld [smem:$0x3FAC];
	_ =	sdelay $0x3  }
0x37: {  	[smem:$0x3FAC] =	sst s10  }
0x38: {  	s10 =	sld [smem:$0x3FAD]  }
0x39: {  	_ = 	snop;
	(pc) =	sbr.ind lr, $3  }
0x3a: {  	_ = 	snop  }
0x3b: {  	_ = 	snop  }
0x3c: {  	p2 =	seq.s32 s10, $0x1;
	s10 =	sld [smem:$0x3FAC]  }
0x3d: {  	_ =	shalt  }
0x3e: {  	_ =	shalt  }
0x3f: {  	_ =	shalt  }
0x40: {  	_ =	shalt  }
0x41: {  	_ =	shalt  }
0x42: {  	_ =	shalt  }
0x43: {  	_ =	shalt  }
0x44: {  	_ =	shalt  }
0x45: {  	_ =	shalt  }
0x46: {  	_ =	shalt  }
0x47: {  	_ =	shalt  }
0x48: {  	_ =	shalt  }
0x49: {  	_ =	shalt  }
0x4a: {  	_ =	shalt  }
0x4b: {  	_ =	shalt  }
0x4c: {  	_ =	shalt  }
0x4d: {  	_ =	shalt  }
0x4e: {  	_ =	shalt  }
0x4f: {  	_ =	shalt  }
0x50: {  	_ =	shalt  }
0x51: {  	_ =	shalt  }
0x52: {  	_ =	shalt  }
0x53: {  	_ =	shalt  }
0x54: {  	_ =	shalt  }
0x55: {  	_ =	shalt  }
0x56: {  	_ =	shalt  }
0x57: {  	_ =	shalt  }
0x58: {  	_ =	shalt  }
0x59: {  	_ =	shalt  }
0x5a: {  	_ =	shalt  }
0x5b: {  	_ =	shalt  }
0x5c: {  	_ =	shalt  }
0x5d: {  	_ =	shalt  }
0x5e: {  	_ =	shalt  }
0x5f: {  	_ =	shalt  }
0x60: {  	_ =	shalt  }
0x61: {  	_ =	shalt  }
0x62: {  	_ =	shalt  }
0x63: {  	_ =	shalt  }
0x64: {  	_ =	shalt  }
0x65: {  	_ =	shalt  }
0x66: {  	_ =	shalt  }
0x67: {  	_ =	shalt  }
0x68: {  	_ =	shalt  }
0x69: {  	_ =	shalt  }
0x6a: {  	_ =	shalt  }
0x6b: {  	_ =	shalt  }
0x6c: {  	_ =	shalt  }
0x6d: {  	_ =	shalt  }
0x6e: {  	_ =	shalt  }
0x6f: {  	_ =	shalt  }
0x70: {  	_ =	shalt  }
0x71: {  	_ =	shalt  }
0x72: {  	_ =	shalt  }
0x73: {  	_ =	shalt  }
0x74: {  	_ =	shalt  }
0x75: {  	_ =	shalt  }
0x76: {  	_ =	shalt  }
0x77: {  	_ =	shalt  }
0x78: {  	_ =	shalt  }
0x79: {  	_ =	shalt  }
0x7a: {  	_ =	shalt  }
0x7b: {  	_ =	shalt  }
0x7c: {  	_ =	shalt  }
0x7d: {  	_ =	shalt  }
0x7e: {  	_ =	shalt  }
0x7f: {  	_ =	shalt  }
0x80: {  	_ =	shalt  }
0x81: {  	_ =	shalt  }
0x82: {  	_ =	shalt  }
0x83: {  	_ =	shalt  }
0x84: {  	_ =	shalt  }
0x85: {  	_ =	shalt  }
0x86: {  	_ =	shalt  }
0x87: {  	_ =	shalt  }
.Lfunc_end0:
.L_simem_size_0:
called_computation_lowered:
.L_overlay_start_0:
0x88: {  	s2 =	sld [smem:$0x3FD9]  }
0x89: {  	s3 =	sld [smem:$0x3FFE];
	_ =	sdelay $0x1  }
0x8a: {  	s1 =	srdreg.scid  }
0x8b: {  	s0 =	sand.u32 $0x1, s1  }
0x8c: {  	s16 =	sshll.u32 s0, $0xA;
	s2 =	sadd.s32 s3, s2  }
0x8d: {  	s2 =	sadd.s32 s2, s16  }
0x8e: {  	[smem:$0x3FB8] =	sst s2  }
0x8f: {  	_ = 	snop  }
0x90: {  	(tm) =	ssettm $0x1  }
0x91: {  	s17 =	sld [smem:$0x3FFB];
	_ =	sdelay $0x3  }
0x92: {  	_ =	strace s17  }
0x93: {  	s2 =	sld [smem:$0x3FFC];
	_ =	sdelay $0x3  }
0x94: {  	_ =	strace s2  }
0x95: {  	s2 =	sld [smem:$0x3FFD];
	_ =	sdelay $0x3  }
0x96: {  	_ =	strace s2  }
0x97: {  	_ =	strace $0x8FFFFFFF  }
0x98: {  	s18 =	sld [smem:$0x3FDB];
	_ =	sdelay $0x1  }
0x99: {  	s19 =	simm.s32 $_scs_section_size  }
0x9a: {  	s4 =	simm.s32 $_size__tile_overlayer_lowered;
	s5 =	simm.s32 $_tile_overlayer_lowered  }
0x9b: {  	s22 =	simm.s32 $0x1BFF;
	s21 =	sshll.u32 s5, $0x1;
	s2 =	sadd.s32 s19, s18  }
0x9c: {  	s6 =	simm.s32 $0x0;
	s20 =	sshll.u32 s4, $0x1;
	s4 =	sadd.s32 s21, s2  }
0x9d: {  	[timem:s6], [sflag:s22] =	dma.local [hbm:s4], s20  }
0x9e: {  	_ =	swait.ge [sflag:s22], s20  }
0x9f: {  	s3 =	ssub.s32 $0x0, s20;
	[sflag:s22] =	ssyncset.done $0x0  }
0xa0: {  	[sflag:s22] =	ssyncadd.s32 s3;
	_ =	sdelay $0x1  }
0xa1: {  	s23 =	simm.s32 $0x1B8B  }
0xa2: {  	_ =	swait.ge [sflag:s23], $0x1  }
0xa3: {  	[sflag:s23] =	ssyncset.done $0x0  }
0xa4: {  	s25 =	simm.s32 $0x1B8E;
	s24 =	sld [smem:$0x3FFE];
	[sflag:s23] =	ssyncadd.s32 $0xFFFFFFFF  }
0xa5: {  	s26 =	simm.s32 $execute0_lowered;
	[smem:$0x3FD2] =	sst s25  }
0xa6: {  	s4 =	sshll.u32 s26, $0x1;
	_ =	strace $0x80000046;
	[dreg:$0x1] =	wrdreg $0xFFFFFFFF  }
0xa7: {  	s28 =	simm.s32 $_size_execute0_lowered;
	s2 =	sadd.s32 s2, s4;
	[dreg:$0x0] =	wrdreg $0x0  }
0xa8: {  	s4 =	sshll.u32 s28, $0x1;
	[dreg:$0x2] =	wrdreg s2  }
0xa9: {  	[dreg:$0x3] =	wrdreg s4  }
0xaa: {  	[dreg:$0x4] =	wrdreg $0xC0  }
0xab: {  	_ =	task [dreg:s6], $0x5FFFF  }
0xac: {  	[dreg:$0x1] =	wrdreg $0xFFFFFFFF  }
0xad: {  	[dreg:$0x0] =	wrdreg $0x60  }
0xae: {  	[dreg:$0x2] =	wrdreg s24  }
0xaf: {  	[dreg:$0x3] =	wrdreg $0x0  }
0xb0: {  	[dreg:$0x4] =	wrdreg $0x9  }
0xb1: {  	_ =	task.clear_ibuf [dreg:s6], $0x5FFFF;
	_ =	strace $0x90000046  }
0xb2: {  	s29 =	simm.s32 $0x9;
	_ =	strace $0x80000048  }
0xb3: {  	_ =	swait.ge [sflag:s29], $0x1  }
0xb4: {  	[sflag:s29] =	ssyncadd.s32 $0xFFFFFFFF  }
0xb5: {  	_ =	strace $0x90000048  }
0xb6: {  	_ =	sfence  }
0xb7: {  	s30 =	sld [smem:$0x0];
	_ =	sdelay $0x2  }
0xb8: {  	s31 =	sshll.u32 s1, $0xD;
	s1 =	sshrl.u32 s1, $0x2  }
0xb9: {  	s3 =	sand.u32 $0x4000, s31;
	s1 =	sadd.s32 s1, s30  }
0xba: {  	s0 =	sor.u32 s3, s0;
	s1 =	sshll.u32 s1, $0x11  }
0xbb: {  	s0 =	sor.u32 s1, s0  }
0xbc: {  	s0 =	sadd.s32 $0x8F2B, s0  }
0xbd: {  	[sflag:s0] =	ssyncadd.remote.s32 $0x1  }
0xbe: {  	_ =	sfence.sel $0xFFFF  }
0xbf: {  	[dreg:$0x0] =	wrdreg $0xFFFFFFFF;
	(pc) =	sbr.abs _section_cstart, $3  }
0xc0: {  	[dreg:$0x1] =	wrdreg $0xFFFFFFFF  }
0xc1: {  	_ =	task.clear_ibuf [dreg:s6], $0x2FFFF;
	_ =	strace $0x9FFFFFFF  }
0xc2: {  	(tm) =	ssettm $0x7FFFFFFF  }
0xc3: {  	_ =	shalt  }
tec
execute0_lowered:
.L_overlay_start_1:
0x0: {  	(tag) =	ssettag $0x1  }
0x1: {  	s6 =	rddreg [dreg:$0x0]  }
0x2: {  	s1 =	rddreg [dreg:$0x1]  }
0x3: {  	s3 =	srdreg.scid;
	s0 =	rddreg [dreg:$0x2];
	s2 =	simm.s32 $0x0  }
0x4: {  	s16 =	simm.s32 $0x13980;
	s17 =	simm.s32 $0x2;
	s7 =	sand.u32 $0x1, s3  }
0x5: {  	s18 =	simm.s32 $0x80;
	s3 =	stileid.u32;
	s5 =	smul.u32 $0x4F00, s7  }
0x6: {  	s19 =	simm.s32 $0x13A00;
	s20 =	simm.s32 $0x1;
	s10 =	smul.u32 $0x2700, s3  }
0x7: {  	s21 =	simm.s32 $0x0;
	[smem:$0x7FF] =	sst s2;
	s12 =	smul.u32 $0x4E000, s3  }
0x8: {  	s4 =	sadd.s32 $0x18200, s6;
	s13 =	sadd.s32 $0x41C00, s6;
	s24 =	smul.u32 $0x27100, s7  }
0x9: {  	s15 =	sadd.s32 $0x138000, s1;
	s9 =	ssub.s32 $0x2, s7;
	s7 =	smul.u32 $0x138800, s7  }
0xa: {  	_ =	strace $0x80000047;
	s26 =	sshll.u32 s3, $0x6;
	s28 =	smul.u32 $0x4F0, s3  }
0xb: {  	p0 =	sne.s32 s3, $0xF;
	s11 =	sshrl.u32 s9, $0x1;
	s8 =	sadd.s32 s5, s6  }
0xc: {  	s5 =	sadd.s32 $0x3F400, s6;
	s9 =	ssub.s32 s9, s11;
	s25 =	sshrl.u32 s12, $0x2  }
0xd: {  	s6 =	sor.u32 $0x1C03, s26;
	s10 =	sadd.s32 s10, s24;
	s29 =	sshrl.u32 s7, $0x3  }
0xe: {  	s14 =	sadd.s32 s25, s1;
	s7 =	sadd.s32 s13, s10;
	s30 =	sadd.s32 s13, s29  }
0xf: {  	s31 =	sadd.s32 s28, s8;
	s9 =	smax.u32 s9, $0x1;
	s13 =	simm.s32 $0x3  }
0x10: {  	s8 =	sadd.s32 $0x27000, s30;
	s10 =	sadd.s32 $0xE400, s31;
	s11 =	sadd.s32 $0x4600, s31  }
0x11: {  	s12 =	sshrl.u32 s14, $0x3;
	s14 =	sshrl.u32 @!p0 s15, $0x3;
	s15 =	simm.s32 $0x13900  }
.LBB2_1:
0x12: {  	[spmem:s12], [sflag:s6] =	dma.local [hbm:s5], $0x2700  }
0x13: {  	_ =	swait.ge [sflag:s13], $0x2700  }
0x14: {  	[sflag:s13] =	ssyncset.done $0x0  }
0x15: {  	s22 =	simm.s32 @!p0 $0x3;
	[sflag:s13] =	ssyncadd.s32 $0xFFFFD900  }
0x16: {  	[spmem:s14], [sflag:s6] =	dma.local @!p0 [hbm:s5], $0x100  }
0x17: {  	_ =	swait.ge @!p0 [sflag:s22], $0x100  }
0x18: {  	[sflag:s22] =	ssyncset.done @!p0 $0x0  }
0x19: {  	[sflag:s22] =	ssyncadd.s32 @!p0 $0xFFFFFF00  }
0x1a: {  	s30 =	sadd.s32 $0x0, s11;
	[bflag:$0x0] =	sbarrier.arrive $0xFFFF  }
0x1b: {  	[tilespmem:s15], [sflag:$0x2] =	stream.linear.gather [hbm4b:s30+s2], $0x80, $0x38;
	[tilespmem:$0x17A00] =	vst v63  }
0x1c: {  	s31 =	sadd.s32 $0x0, s10  }
0x1d: {  	[tilespmem:s16], [sflag:$0x2] =	stream.linear.gather [hbm4b:s31+s2], $0x80, $0x38;
	[tilespmem:$0x17A00] =	vst v63  }
0x1e: {  	_ =	swait.ge [sflag:s17], $0x80  }
0x1f: {  	[sflag:s17] =	ssyncset.done $0x0  }
0x20: {  	[sflag:s17] =	ssyncadd.s32 $0xFFFFFF80  }
0x21: {  	_ =	swait.ge [sflag:s17], $0x80  }
0x22: {  	[sflag:s17] =	ssyncset.done $0x0  }
0x23: {  	[sflag:s17] =	ssyncadd.s32 $0xFFFFFF80  }
0x24: {  	[tilespmem:s19], [sflag:$0x1] =	stream.indirect.gather [hbm4b:s4+s18], $0x80, s15, s18, $0xb8;
	[tilespmem:$0x17A00] =	vst v63  }
0x25: {  	_ =	swait.ge [sflag:s20], $0x4000  }
0x26: {  	[sflag:s20] =	ssyncset.done $0x0  }
0x27: {  	[sflag:s20] =	ssyncadd.s32 $0xFFFFC000  }
0x28: {  	[spmem:s1] =	stream.indirect.scatter.add.f32 [tilespmem:s19], [sflag:$0x3], $0x80, s16, s18, $0xb8;
	[tilespmem:$0x17A00] =	vst v63  }
0x29: {  	_ =	swait.ge [sflag:s13], $0x4000  }
0x2a: {  	s23 =	simm.s32 $0x20;
	s22 =	simm.s32 $0x10;
	[sflag:s13] =	ssyncset.done $0x0  }
.LBB2_2:
0x2b: {  	s24 =	sadd.s32 s22, s11  }
0x2c: {  	[sflag:s13] =	ssyncadd.s32 $0xFFFFC000;
	s25 =	smov.u32 s23;
	s26 =	sadd.s32 $0x10, s23  }
0x2d: {  	[tilespmem:s15], [sflag:$0x2] =	stream.linear.gather [hbm4b:s24+s2], $0x80, $0x38;
	[tilespmem:$0x17A00] =	vst v63  }
0x2e: {  	p1 =	sne.s32 s23, $0x4E0;
	s23 =	sadd.s32 s22, s10;
	s22 =	smov.u32 s25  }
0x2f: {  	[tilespmem:s16], [sflag:$0x2] =	stream.linear.gather [hbm4b:s23+s2], $0x80, $0x38;
	[tilespmem:$0x17A00] =	vst v63  }
0x30: {  	_ =	swait.ge [sflag:s17], $0x80  }
0x31: {  	[sflag:s17] =	ssyncset.done $0x0  }
0x32: {  	[sflag:s17] =	ssyncadd.s32 $0xFFFFFF80  }
0x33: {  	_ =	swait.ge [sflag:s17], $0x80  }
0x34: {  	[sflag:s17] =	ssyncset.done $0x0  }
0x35: {  	[sflag:s17] =	ssyncadd.s32 $0xFFFFFF80  }
0x36: {  	[tilespmem:s19], [sflag:$0x1] =	stream.indirect.gather [hbm4b:s4+s18], $0x80, s15, s18, $0xb8;
	[tilespmem:$0x17A00] =	vst v63  }
0x37: {  	_ =	swait.ge [sflag:s20], $0x4000  }
.Ltmp0:
0x38: {  	[sflag:s20] =	ssyncset.done $0x0;
	(pc) =	sbr.rel @p1 .LBB2_2-.Ltmp0, $4  }
0x39: {  	[sflag:s20] =	ssyncadd.s32 $0xFFFFC000  }
0x3a: {  	[spmem:s1] =	stream.indirect.scatter.add.f32 [tilespmem:s19], [sflag:$0x3], $0x80, s16, s18, $0xb8;
	[tilespmem:$0x17A00] =	vst v63  }
0x3b: {  	_ =	swait.ge [sflag:s13], $0x4000  }
0x3c: {  	s23 =	smov.u32 s26;
	[sflag:s13] =	ssyncset.done $0x0  }
0x3d: {  	s23 =	sadd.s32 s22, s11;
	[sflag:s13] =	ssyncadd.s32 $0xFFFFC000  }
0x3e: {  	[tilespmem:s15], [sflag:$0x2] =	stream.linear.gather [hbm4b:s23+s2], $0x80, $0x38;
	[tilespmem:$0x17A00] =	vst v63  }
0x3f: {  	s31 =	sadd.s32 s22, s10  }
0x40: {  	[tilespmem:s16], [sflag:$0x2] =	stream.linear.gather [hbm4b:s31+s2], $0x80, $0x38;
	[tilespmem:$0x17A00] =	vst v63  }
0x41: {  	_ =	swait.ge [sflag:s17], $0x80  }
0x42: {  	[sflag:s17] =	ssyncset.done $0x0  }
0x43: {  	[sflag:s17] =	ssyncadd.s32 $0xFFFFFF80  }
0x44: {  	_ =	swait.ge [sflag:s17], $0x80  }
0x45: {  	[sflag:s17] =	ssyncset.done $0x0  }
0x46: {  	[sflag:s17] =	ssyncadd.s32 $0xFFFFFF80  }
0x47: {  	[tilespmem:s19], [sflag:$0x1] =	stream.indirect.gather [hbm4b:s4+s18], $0x80, s15, s18, $0xb8;
	[tilespmem:$0x17A00] =	vst v63  }
0x48: {  	_ =	swait.ge [sflag:s20], $0x4000  }
0x49: {  	[sflag:s20] =	ssyncset.done $0x0  }
0x4a: {  	[sflag:s20] =	ssyncadd.s32 $0xFFFFC000  }
0x4b: {  	[spmem:s1] =	stream.indirect.scatter.add.f32 [tilespmem:s19], [sflag:$0x3], $0x80, s16, s18, $0xb8;
	[tilespmem:$0x17A00] =	vst v63  }
0x4c: {  	_ =	swait.ge [sflag:s13], $0x4000  }
0x4d: {  	[sflag:s13] =	ssyncset.done $0x0  }
0x4e: {  	[sflag:s13] =	ssyncadd.s32 $0xFFFFC000  }
0x4f: {  	[bflag:$0x0] =	sbarrier.arrive $0xFFFF  }
0x50: {  	[hbm:s7], [sflag:s6] =	dma.local [spmem:s12], $0x2700  }
0x51: {  	s21 =	sadd.s32 $0x1, s21;
	_ =	swait.ge [sflag:s13], $0x2700  }
0x52: {  	p1 =	sne.s32 s21, s9;
	[sflag:s13] =	ssyncset.done $0x0  }
.Ltmp1:
0x53: {  	s22 =	simm.s32 @!p0 $0x3;
	[sflag:s13] =	ssyncadd.s32 $0xFFFFD900;
	(pc) =	sbr.rel @p1 .LBB2_1-.Ltmp1, $4  }
0x54: {  	[hbm:s8], [sflag:s6] =	dma.local @!p0 [spmem:s14], $0x100  }
0x55: {  	_ =	swait.ge @!p0 [sflag:s22], $0x100  }
0x56: {  	[sflag:s22] =	ssyncset.done @!p0 $0x0  }
0x57: {  	[sflag:s22] =	ssyncadd.s32 @!p0 $0xFFFFFF00  }
0x58: {  	_ =	sfence.sel $0x180000  }
0x59: {  	[bflag:$0x0] =	sbarrier.arrive $0xFFFF  }
0x5a: {  	p0 =	sne.s32 s3, $0x0;
	_ =	strace $0x90000047  }
0x5b: {  	s0 =	sadd.s32 @!p0 $0x100000, s0;
	[bflag:$0x2] =	sbarrier.arrive $0xFFFF  }
0x5c: {  	[sflag:s0] =	ssyncadd.tile.s32 @!p0 $0x1;
	_ =	shalt  }
.Lfunc_end2:
_tile_overlayer_lowered:
.L_overlay_start_2:
0x5d: {  	(tag) =	ssettag $0x2  }
0x5e: {  	s0 =	rddreg [dreg:$0x0];
	s2 =	stileid.u32  }
0x5f: {  	s1 =	rddreg [dreg:$0x1];
	p0 =	sne.s32 s2, $0x0  }
0x60: {  	s3 =	rddreg [dreg:$0x2];
	[bflag:$0x3] =	sbarrier.arrive $0xFFFF;
	s2 =	simm.s32 @!p0 $0x1C03  }
0x61: {  	[timem:s3], [sflag:s2] =	dma.local @!p0 [hbm:s0], s1  }
0x62: {  	s0 =	simm.s32 @!p0 $0x3  }
0x63: {  	_ =	swait.ge @!p0 [sflag:s0], s1  }
0x64: {  	s1 =	ssub.s32 @!p0 $0x0, s1;
	[sflag:s0] =	ssyncset.done @!p0 $0x0  }
0x65: {  	[sflag:s0] =	ssyncadd.s32 @!p0 s1  }
0x66: {  	[bflag:$0x3] =	sbarrier.arrive $0xFFFF  }
0x67: {  	_ =	shalt  }

// kernel: kernel.20.cloned.1.call-start
scs
__scs_entry_jumppad:
0x0: {  	(pc) =	sbr.rel $0x88, $3  }
0x1: {  	(tag) =	ssettag $0x0;
	lr =	simm.s32 $0x1  }
0x2: {  	[smem:$0x3F91] =	sst lr;
	_ =	strace $0xD0000000  }
0x3: {  	_ = 	snop  }
0x4: {  	_ = 	snop  }
0x5: {  	_ = 	snop  }
0x6: {  	_ = 	snop  }
0x7: {  	_ = 	snop  }
__scs_overlays_trampoline_lowered:
0x8: {  	[smem:$0x3FA0] =	sst s0  }
0x9: {  	[smem:$0x3FA1] =	sst s1  }
0xa: {  	[smem:$0x3FA2] =	sst s2  }
0xb: {  	[smem:$0x3FA3] =	sst s3  }
0xc: {  	[smem:$0x3FA4] =	sst s4  }
0xd: {  	[smem:$0x3FA5] =	sst s5  }
0xe: {  	[smem:$0x3FA6] =	sst s6  }
0xf: {  	[smem:$0x3FA7] =	sst s7  }
0x10: {  	[smem:$0x3FA8] =	sst s8  }
0x11: {  	[smem:$0x3FA9] =	sst s9;
	s0 =	simm.s32 @!p0 $0x0  }
0x12: {  	s1 =	sld [smem:$0x3F8F];
	s0 =	simm.s32 @p0 $0x1  }
0x13: {  	[smem:$0x3FAA] =	sst s0;
	s0 =	simm.s32 @!p1 $0x0  }
0x14: {  	s2 =	sld [smem:$0x3F8E];
	s0 =	simm.s32 @p1 $0x1  }
0x15: {  	[smem:$0x3FAB] =	sst s0;
	s0 =	simm.s32 @!p2 $0x0  }
0x16: {  	s3 =	sld [smem:$0x3FDB];
	s0 =	simm.s32 @p2 $0x1  }
0x17: {  	s4 =	simm.s32 $0x1BF5;
	[smem:$0x3FAD] =	sst s0  }
0x18: {  	s0 =	sld [smem:$0x3F90];
	_ =	swait.ge [sflag:s4], $0x0  }
0x19: {  	s7 =	sld [smem:$0x3F91]  }
0x1a: {  	s8 =	sadd.s32 $0xFFFFE003, lr  }
0x1b: {  	s9 =	sadd.s32 $0xFFFFFEF7, lr;
	s5 =	simm.s32 $0xFFFFFFFF;
	p2 =	slt.u32 s8, $0xFFFFF086  }
0x1c: {  	p1 =	slt.u32 s9, $0xF7A;
	s5 =	simm.s32 @!p2 $0x0  }
0x1d: {  	s5 =	simm.s32 @p1 $0x1;
	p0 =	seq.s32 s7, s2  }
0x1e: {  	s7 =	smul.u32 @!p0 $0xF7A, s2;
	p2 =	seq.s32 @!p0 s5, $0x0  }
0x1f: {  	s9 =	smul.u32 $0xF7A, s1;
	s8 =	simm.s32 @!p0 $0x1BF5;
	p2 =	por !p2, p0  }
0x20: {  	[sflag:s8] =	ssyncset.s32 @!p0 $0xFFFFF086;
	s6 =	sadd.s32 @!p0 s3, s7;
	s7 =	simm.s32 @!p0 $0x108  }
0x21: {  	s3 =	sadd.s32 s3, s9;
	s6 =	sadd.s32 @!p0 $0x88, s6;
	s7 =	simm.s32 @p2 $0x1082  }
0x22: {  	[simem:s7], [sflag:s8] =	dma.local @!p0 [hbm:s6], $0xF7A  }
0x23: {  	s9 =	sor.u32 $0xD0000000, s2;
	s6 =	simm.s32 $0x108;
	_ =	swait.ge @!p0 [sflag:s8], $0x0  }
0x24: {  	s3 =	sadd.s32 $0x88, s3;
	s6 =	simm.s32 @!p1 $0x1082;
	[sflag:s4] =	ssyncset.s32 $0xFFFFF086  }
0x25: {  	[simem:s6], [sflag:s4] =	dma.local [hbm:s3], $0xF7A  }
0x26: {  	[smem:$0x3F91] =	sst s1;
	(tag) =	ssettag s2;
	_ =	strace s9  }
0x27: {  	s1 =	sld [smem:$0x3FA1]  }
0x28: {  	s2 =	sld [smem:$0x3FA2]  }
0x29: {  	s4 =	sld [smem:$0x3FA4]  }
0x2a: {  	p0 =	seq.s32 s5, $0x0;
	s5 =	sld [smem:$0x3FA5]  }
0x2b: {  	s6 =	sld [smem:$0x3FA6]  }
0x2c: {  	s7 =	sld [smem:$0x3FA7]  }
0x2d: {  	s3 =	simm.s32 $0x108;
	s8 =	sld [smem:$0x3FA8]  }
0x2e: {  	s3 =	simm.s32 @!p0 $0x1082;
	s9 =	sld [smem:$0x3FA9]  }
0x2f: {  	lr =	sadd.s32 s0, s3;
	s0 =	sld [smem:$0x3FA0]  }
0x30: {  	s3 =	sld [smem:$0x3FA3]  }
0x31: {  	[smem:$0x3FAC] =	sst s10  }
0x32: {  	s10 =	sld [smem:$0x3FAA];
	_ =	sdelay $0x3  }
0x33: {  	p0 =	seq.s32 s10, $0x1;
	s10 =	sld [smem:$0x3FAC];
	_ =	sdelay $0x3  }
0x34: {  	[smem:$0x3FAC] =	sst s10  }
0x35: {  	s10 =	sld [smem:$0x3FAB];
	_ =	sdelay $0x3  }
0x36: {  	p1 =	seq.s32 s10, $0x1;
	s10 =	sld [smem:$0x3FAC];
	_ =	sdelay $0x3  }
0x37: {  	[smem:$0x3FAC] =	sst s10  }
0x38: {  	s10 =	sld [smem:$0x3FAD]  }
0x39: {  	_ = 	snop;
	(pc) =	sbr.ind lr, $3  }
0x3a: {  	_ = 	snop  }
0x3b: {  	_ = 	snop  }
0x3c: {  	p2 =	seq.s32 s10, $0x1;
	s10 =	sld [smem:$0x3FAC]  }
0x3d: {  	_ =	shalt  }
0x3e: {  	_ =	shalt  }
0x3f: {  	_ =	shalt  }
0x40: {  	_ =	shalt  }
0x41: {  	_ =	shalt  }
0x42: {  	_ =	shalt  }
0x43: {  	_ =	shalt  }
0x44: {  	_ =	shalt  }
0x45: {  	_ =	shalt  }
0x46: {  	_ =	shalt  }
0x47: {  	_ =	shalt  }
0x48: {  	_ =	shalt  }
0x49: {  	_ =	shalt  }
0x4a: {  	_ =	shalt  }
0x4b: {  	_ =	shalt  }
0x4c: {  	_ =	shalt  }
0x4d: {  	_ =	shalt  }
0x4e: {  	_ =	shalt  }
0x4f: {  	_ =	shalt  }
0x50: {  	_ =	shalt  }
0x51: {  	_ =	shalt  }
0x52: {  	_ =	shalt  }
0x53: {  	_ =	shalt  }
0x54: {  	_ =	shalt  }
0x55: {  	_ =	shalt  }
0x56: {  	_ =	shalt  }
0x57: {  	_ =	shalt  }
0x58: {  	_ =	shalt  }
0x59: {  	_ =	shalt  }
0x5a: {  	_ =	shalt  }
0x5b: {  	_ =	shalt  }
0x5c: {  	_ =	shalt  }
0x5d: {  	_ =	shalt  }
0x5e: {  	_ =	shalt  }
0x5f: {  	_ =	shalt  }
0x60: {  	_ =	shalt  }
0x61: {  	_ =	shalt  }
0x62: {  	_ =	shalt  }
0x63: {  	_ =	shalt  }
0x64: {  	_ =	shalt  }
0x65: {  	_ =	shalt  }
0x66: {  	_ =	shalt  }
0x67: {  	_ =	shalt  }
0x68: {  	_ =	shalt  }
0x69: {  	_ =	shalt  }
0x6a: {  	_ =	shalt  }
0x6b: {  	_ =	shalt  }
0x6c: {  	_ =	shalt  }
0x6d: {  	_ =	shalt  }
0x6e: {  	_ =	shalt  }
0x6f: {  	_ =	shalt  }
0x70: {  	_ =	shalt  }
0x71: {  	_ =	shalt  }
0x72: {  	_ =	shalt  }
0x73: {  	_ =	shalt  }
0x74: {  	_ =	shalt  }
0x75: {  	_ =	shalt  }
0x76: {  	_ =	shalt  }
0x77: {  	_ =	shalt  }
0x78: {  	_ =	shalt  }
0x79: {  	_ =	shalt  }
0x7a: {  	_ =	shalt  }
0x7b: {  	_ =	shalt  }
0x7c: {  	_ =	shalt  }
0x7d: {  	_ =	shalt  }
0x7e: {  	_ =	shalt  }
0x7f: {  	_ =	shalt  }
0x80: {  	_ =	shalt  }
0x81: {  	_ =	shalt  }
0x82: {  	_ =	shalt  }
0x83: {  	_ =	shalt  }
0x84: {  	_ =	shalt  }
0x85: {  	_ =	shalt  }
0x86: {  	_ =	shalt  }
0x87: {  	_ =	shalt  }
.Lfunc_end0:
.L_simem_size_0:
called_computation.1_lowered:
.L_overlay_start_0:
0x88: {  	s2 =	sld [smem:$0x3FD9]  }
0x89: {  	s3 =	sld [smem:$0x3FFE];
	_ =	sdelay $0x1  }
0x8a: {  	s1 =	srdreg.scid  }
0x8b: {  	s0 =	sand.u32 $0x1, s1  }
0x8c: {  	s16 =	sshll.u32 s0, $0xA;
	s2 =	sadd.s32 s3, s2  }
0x8d: {  	s2 =	sadd.s32 s2, s16  }
0x8e: {  	[smem:$0x3FB8] =	sst s2  }
0x8f: {  	_ = 	snop  }
0x90: {  	(tm) =	ssettm $0x1  }
0x91: {  	s17 =	sld [smem:$0x3FFB];
	_ =	sdelay $0x3  }
0x92: {  	_ =	strace s17  }
0x93: {  	s2 =	sld [smem:$0x3FFC];
	_ =	sdelay $0x3  }
0x94: {  	_ =	strace s2  }
0x95: {  	s2 =	sld [smem:$0x3FFD];
	_ =	sdelay $0x3  }
0x96: {  	_ =	strace s2  }
0x97: {  	_ =	strace $0x8FFFFFFF  }
0x98: {  	s18 =	sld [smem:$0x3FDB];
	_ =	sdelay $0x1  }
0x99: {  	s19 =	simm.s32 $_scs_section_size  }
0x9a: {  	s4 =	simm.s32 $_size__tile_overlayer_lowered;
	s5 =	simm.s32 $_tile_overlayer_lowered  }
0x9b: {  	s22 =	simm.s32 $0x1BFF;
	s21 =	sshll.u32 s5, $0x1;
	s2 =	sadd.s32 s19, s18  }
0x9c: {  	s6 =	simm.s32 $0x0;
	s20 =	sshll.u32 s4, $0x1;
	s4 =	sadd.s32 s21, s2  }
0x9d: {  	[timem:s6], [sflag:s22] =	dma.local [hbm:s4], s20  }
0x9e: {  	_ =	swait.ge [sflag:s22], s20  }
0x9f: {  	s3 =	ssub.s32 $0x0, s20;
	[sflag:s22] =	ssyncset.done $0x0  }
0xa0: {  	[sflag:s22] =	ssyncadd.s32 s3;
	_ =	sdelay $0x1  }
0xa1: {  	s23 =	simm.s32 $0x1B8B  }
0xa2: {  	_ =	swait.ge [sflag:s23], $0x1  }
0xa3: {  	[sflag:s23] =	ssyncset.done $0x0  }
0xa4: {  	s25 =	simm.s32 $0x1B8E;
	s24 =	sld [smem:$0x3FFE];
	[sflag:s23] =	ssyncadd.s32 $0xFFFFFFFF  }
0xa5: {  	s26 =	simm.s32 $execute0_lowered;
	[smem:$0x3FD2] =	sst s25  }
0xa6: {  	s4 =	sshll.u32 s26, $0x1;
	_ =	strace $0x80000049;
	[dreg:$0x1] =	wrdreg $0xFFFFFFFF  }
0xa7: {  	s28 =	simm.s32 $_size_execute0_lowered;
	s2 =	sadd.s32 s2, s4;
	[dreg:$0x0] =	wrdreg $0x0  }
0xa8: {  	s4 =	sshll.u32 s28, $0x1;
	[dreg:$0x2] =	wrdreg s2  }
0xa9: {  	[dreg:$0x3] =	wrdreg s4  }
0xaa: {  	[dreg:$0x4] =	wrdreg $0xC0  }
0xab: {  	_ =	task [dreg:s6], $0x5FFFF  }
0xac: {  	[dreg:$0x1] =	wrdreg $0xFFFFFFFF  }
0xad: {  	[dreg:$0x0] =	wrdreg $0x60  }
0xae: {  	[dreg:$0x2] =	wrdreg s24  }
0xaf: {  	[dreg:$0x3] =	wrdreg $0x0  }
0xb0: {  	[dreg:$0x4] =	wrdreg $0x9  }
0xb1: {  	_ =	task.clear_ibuf [dreg:s6], $0x5FFFF;
	_ =	strace $0x90000049  }
0xb2: {  	s29 =	simm.s32 $0x9;
	_ =	strace $0x8000004B  }
0xb3: {  	_ =	swait.ge [sflag:s29], $0x1  }
0xb4: {  	[sflag:s29] =	ssyncadd.s32 $0xFFFFFFFF  }
0xb5: {  	_ =	strace $0x9000004B  }
0xb6: {  	_ =	sfence  }
0xb7: {  	s30 =	sld [smem:$0x0];
	_ =	sdelay $0x2  }
0xb8: {  	s31 =	sshll.u32 s1, $0xD;
	s1 =	sshrl.u32 s1, $0x2  }
0xb9: {  	s3 =	sand.u32 $0x4000, s31;
	s1 =	sadd.s32 s1, s30  }
0xba: {  	s0 =	sor.u32 s3, s0;
	s1 =	sshll.u32 s1, $0x11  }
0xbb: {  	s0 =	sor.u32 s1, s0  }
0xbc: {  	s0 =	sadd.s32 $0x8F2B, s0  }
0xbd: {  	[sflag:s0] =	ssyncadd.remote.s32 $0x1  }
0xbe: {  	_ =	sfence.sel $0xFFFF  }
0xbf: {  	[dreg:$0x0] =	wrdreg $0xFFFFFFFF;
	(pc) =	sbr.abs _section_cstart, $3  }
0xc0: {  	[dreg:$0x1] =	wrdreg $0xFFFFFFFF  }
0xc1: {  	_ =	task.clear_ibuf [dreg:s6], $0x2FFFF;
	_ =	strace $0x9FFFFFFF  }
0xc2: {  	(tm) =	ssettm $0x7FFFFFFF  }
0xc3: {  	_ =	shalt  }
tec
execute0_lowered:
.L_overlay_start_1:
0x0: {  	(tag) =	ssettag $0x1  }
0x1: {  	s6 =	rddreg [dreg:$0x0]  }
0x2: {  	s1 =	rddreg [dreg:$0x1]  }
0x3: {  	s3 =	srdreg.scid;
	s0 =	rddreg [dreg:$0x2];
	s2 =	simm.s32 $0x0  }
0x4: {  	s16 =	simm.s32 $0x13980;
	s17 =	simm.s32 $0x2;
	s7 =	sand.u32 $0x1, s3  }
0x5: {  	s18 =	simm.s32 $0x80;
	s3 =	stileid.u32;
	s5 =	smul.u32 $0x4F00, s7  }
0x6: {  	s19 =	simm.s32 $0x13A00;
	s20 =	simm.s32 $0x1;
	s10 =	smul.u32 $0x2700, s3  }
0x7: {  	s21 =	simm.s32 $0x0;
	[smem:$0x7FF] =	sst s2;
	s12 =	smul.u32 $0x4E000, s3  }
0x8: {  	s4 =	sadd.s32 $0x18200, s6;
	s13 =	sadd.s32 $0x41C00, s6;
	s24 =	smul.u32 $0x27100, s7  }
0x9: {  	s15 =	sadd.s32 $0x138000, s1;
	s9 =	ssub.s32 $0x2, s7;
	s7 =	smul.u32 $0x138800, s7  }
0xa: {  	_ =	strace $0x8000004A;
	s26 =	sshll.u32 s3, $0x6;
	s28 =	smul.u32 $0x4F0, s3  }
0xb: {  	p0 =	sne.s32 s3, $0xF;
	s11 =	sshrl.u32 s9, $0x1;
	s8 =	sadd.s32 s5, s6  }
0xc: {  	s5 =	sadd.s32 $0x3F400, s6;
	s9 =	ssub.s32 s9, s11;
	s25 =	sshrl.u32 s12, $0x2  }
0xd: {  	s6 =	sor.u32 $0x1C03, s26;
	s10 =	sadd.s32 s10, s24;
	s29 =	sshrl.u32 s7, $0x3  }
0xe: {  	s14 =	sadd.s32 s25, s1;
	s7 =	sadd.s32 s13, s10;
	s30 =	sadd.s32 s13, s29  }
0xf: {  	s31 =	sadd.s32 s28, s8;
	s9 =	smax.u32 s9, $0x1;
	s13 =	simm.s32 $0x3  }
0x10: {  	s8 =	sadd.s32 $0x27000, s30;
	s10 =	sadd.s32 $0xE400, s31;
	s11 =	sadd.s32 $0x4600, s31  }
0x11: {  	s12 =	sshrl.u32 s14, $0x3;
	s14 =	sshrl.u32 @!p0 s15, $0x3;
	s15 =	simm.s32 $0x13900  }
.LBB2_1:
0x12: {  	[spmem:s12], [sflag:s6] =	dma.local [hbm:s5], $0x2700  }
0x13: {  	_ =	swait.ge [sflag:s13], $0x2700  }
0x14: {  	[sflag:s13] =	ssyncset.done $0x0  }
0x15: {  	s22 =	simm.s32 @!p0 $0x3;
	[sflag:s13] =	ssyncadd.s32 $0xFFFFD900  }
0x16: {  	[spmem:s14], [sflag:s6] =	dma.local @!p0 [hbm:s5], $0x100  }
0x17: {  	_ =	swait.ge @!p0 [sflag:s22], $0x100  }
0x18: {  	[sflag:s22] =	ssyncset.done @!p0 $0x0  }
0x19: {  	[sflag:s22] =	ssyncadd.s32 @!p0 $0xFFFFFF00  }
0x1a: {  	s30 =	sadd.s32 $0x0, s11;
	[bflag:$0x0] =	sbarrier.arrive $0xFFFF  }
0x1b: {  	[tilespmem:s15], [sflag:$0x2] =	stream.linear.gather [hbm4b:s30+s2], $0x80, $0x38;
	[tilespmem:$0x17A00] =	vst v63  }
0x1c: {  	s31 =	sadd.s32 $0x0, s10  }
0x1d: {  	[tilespmem:s16], [sflag:$0x2] =	stream.linear.gather [hbm4b:s31+s2], $0x80, $0x38;
	[tilespmem:$0x17A00] =	vst v63  }
0x1e: {  	_ =	swait.ge [sflag:s17], $0x80  }
0x1f: {  	[sflag:s17] =	ssyncset.done $0x0  }
0x20: {  	[sflag:s17] =	ssyncadd.s32 $0xFFFFFF80  }
0x21: {  	_ =	swait.ge [sflag:s17], $0x80  }
0x22: {  	[sflag:s17] =	ssyncset.done $0x0  }
0x23: {  	[sflag:s17] =	ssyncadd.s32 $0xFFFFFF80  }
0x24: {  	[tilespmem:s19], [sflag:$0x1] =	stream.indirect.gather [hbm4b:s4+s18], $0x80, s15, s18, $0xb8;
	[tilespmem:$0x17A00] =	vst v63  }
0x25: {  	_ =	swait.ge [sflag:s20], $0x4000  }
0x26: {  	[sflag:s20] =	ssyncset.done $0x0  }
0x27: {  	[sflag:s20] =	ssyncadd.s32 $0xFFFFC000  }
0x28: {  	[spmem:s1] =	stream.indirect.scatter.add.f32 [tilespmem:s19], [sflag:$0x3], $0x80, s16, s18, $0xb8;
	[tilespmem:$0x17A00] =	vst v63  }
0x29: {  	_ =	swait.ge [sflag:s13], $0x4000  }
0x2a: {  	s23 =	simm.s32 $0x20;
	s22 =	simm.s32 $0x10;
	[sflag:s13] =	ssyncset.done $0x0  }
.LBB2_2:
0x2b: {  	s24 =	sadd.s32 s22, s11  }
0x2c: {  	[sflag:s13] =	ssyncadd.s32 $0xFFFFC000;
	s25 =	smov.u32 s23;
	s26 =	sadd.s32 $0x10, s23  }
0x2d: {  	[tilespmem:s15], [sflag:$0x2] =	stream.linear.gather [hbm4b:s24+s2], $0x80, $0x38;
	[tilespmem:$0x17A00] =	vst v63  }
0x2e: {  	p1 =	sne.s32 s23, $0x4E0;
	s23 =	sadd.s32 s22, s10;
	s22 =	smov.u32 s25  }
0x2f: {  	[tilespmem:s16], [sflag:$0x2] =	stream.linear.gather [hbm4b:s23+s2], $0x80, $0x38;
	[tilespmem:$0x17A00] =	vst v63  }
0x30: {  	_ =	swait.ge [sflag:s17], $0x80  }
0x31: {  	[sflag:s17] =	ssyncset.done $0x0  }
0x32: {  	[sflag:s17] =	ssyncadd.s32 $0xFFFFFF80  }
0x33: {  	_ =	swait.ge [sflag:s17], $0x80  }
0x34: {  	[sflag:s17] =	ssyncset.done $0x0  }
0x35: {  	[sflag:s17] =	ssyncadd.s32 $0xFFFFFF80  }
0x36: {  	[tilespmem:s19], [sflag:$0x1] =	stream.indirect.gather [hbm4b:s4+s18], $0x80, s15, s18, $0xb8;
	[tilespmem:$0x17A00] =	vst v63  }
0x37: {  	_ =	swait.ge [sflag:s20], $0x4000  }
.Ltmp0:
0x38: {  	[sflag:s20] =	ssyncset.done $0x0;
	(pc) =	sbr.rel @p1 .LBB2_2-.Ltmp0, $4  }
0x39: {  	[sflag:s20] =	ssyncadd.s32 $0xFFFFC000  }
0x3a: {  	[spmem:s1] =	stream.indirect.scatter.add.f32 [tilespmem:s19], [sflag:$0x3], $0x80, s16, s18, $0xb8;
	[tilespmem:$0x17A00] =	vst v63  }
0x3b: {  	_ =	swait.ge [sflag:s13], $0x4000  }
0x3c: {  	s23 =	smov.u32 s26;
	[sflag:s13] =	ssyncset.done $0x0  }
0x3d: {  	s23 =	sadd.s32 s22, s11;
	[sflag:s13] =	ssyncadd.s32 $0xFFFFC000  }
0x3e: {  	[tilespmem:s15], [sflag:$0x2] =	stream.linear.gather [hbm4b:s23+s2], $0x80, $0x38;
	[tilespmem:$0x17A00] =	vst v63  }
0x3f: {  	s31 =	sadd.s32 s22, s10  }
0x40: {  	[tilespmem:s16], [sflag:$0x2] =	stream.linear.gather [hbm4b:s31+s2], $0x80, $0x38;
	[tilespmem:$0x17A00] =	vst v63  }
0x41: {  	_ =	swait.ge [sflag:s17], $0x80  }
0x42: {  	[sflag:s17] =	ssyncset.done $0x0  }
0x43: {  	[sflag:s17] =	ssyncadd.s32 $0xFFFFFF80  }
0x44: {  	_ =	swait.ge [sflag:s17], $0x80  }
0x45: {  	[sflag:s17] =	ssyncset.done $0x0  }
0x46: {  	[sflag:s17] =	ssyncadd.s32 $0xFFFFFF80  }
0x47: {  	[tilespmem:s19], [sflag:$0x1] =	stream.indirect.gather [hbm4b:s4+s18], $0x80, s15, s18, $0xb8;
	[tilespmem:$0x17A00] =	vst v63  }
0x48: {  	_ =	swait.ge [sflag:s20], $0x4000  }
0x49: {  	[sflag:s20] =	ssyncset.done $0x0  }
0x4a: {  	[sflag:s20] =	ssyncadd.s32 $0xFFFFC000  }
0x4b: {  	[spmem:s1] =	stream.indirect.scatter.add.f32 [tilespmem:s19], [sflag:$0x3], $0x80, s16, s18, $0xb8;
	[tilespmem:$0x17A00] =	vst v63  }
0x4c: {  	_ =	swait.ge [sflag:s13], $0x4000  }
0x4d: {  	[sflag:s13] =	ssyncset.done $0x0  }
0x4e: {  	[sflag:s13] =	ssyncadd.s32 $0xFFFFC000  }
0x4f: {  	[bflag:$0x0] =	sbarrier.arrive $0xFFFF  }
0x50: {  	[hbm:s7], [sflag:s6] =	dma.local [spmem:s12], $0x2700  }
0x51: {  	s21 =	sadd.s32 $0x1, s21;
	_ =	swait.ge [sflag:s13], $0x2700  }
0x52: {  	p1 =	sne.s32 s21, s9;
	[sflag:s13] =	ssyncset.done $0x0  }
.Ltmp1:
0x53: {  	s22 =	simm.s32 @!p0 $0x3;
	[sflag:s13] =	ssyncadd.s32 $0xFFFFD900;
	(pc) =	sbr.rel @p1 .LBB2_1-.Ltmp1, $4  }
0x54: {  	[hbm:s8], [sflag:s6] =	dma.local @!p0 [spmem:s14], $0x100  }
0x55: {  	_ =	swait.ge @!p0 [sflag:s22], $0x100  }
0x56: {  	[sflag:s22] =	ssyncset.done @!p0 $0x0  }
0x57: {  	[sflag:s22] =	ssyncadd.s32 @!p0 $0xFFFFFF00  }
0x58: {  	_ =	sfence.sel $0x180000  }
0x59: {  	[bflag:$0x0] =	sbarrier.arrive $0xFFFF  }
0x5a: {  	p0 =	sne.s32 s3, $0x0;
	_ =	strace $0x9000004A  }
0x5b: {  	s0 =	sadd.s32 @!p0 $0x100000, s0;
	[bflag:$0x2] =	sbarrier.arrive $0xFFFF  }
0x5c: {  	[sflag:s0] =	ssyncadd.tile.s32 @!p0 $0x1;
	_ =	shalt  }
.Lfunc_end2:
_tile_overlayer_lowered:
.L_overlay_start_2:
0x5d: {  	(tag) =	ssettag $0x2  }
0x5e: {  	s0 =	rddreg [dreg:$0x0];
	s2 =	stileid.u32  }
0x5f: {  	s1 =	rddreg [dreg:$0x1];
	p0 =	sne.s32 s2, $0x0  }
0x60: {  	s3 =	rddreg [dreg:$0x2];
	[bflag:$0x3] =	sbarrier.arrive $0xFFFF;
	s2 =	simm.s32 @!p0 $0x1C03  }
0x61: {  	[timem:s3], [sflag:s2] =	dma.local @!p0 [hbm:s0], s1  }
0x62: {  	s0 =	simm.s32 @!p0 $0x3  }
0x63: {  	_ =	swait.ge @!p0 [sflag:s0], s1  }
0x64: {  	s1 =	ssub.s32 @!p0 $0x0, s1;
	[sflag:s0] =	ssyncset.done @!p0 $0x0  }
0x65: {  	[sflag:s0] =	ssyncadd.s32 @!p0 s1  }
0x66: {  	[bflag:$0x3] =	sbarrier.arrive $0xFFFF  }
0x67: {  	_ =	shalt  }

// kernel: kernel.23.cloned.1.call-start
scs
__scs_entry_jumppad:
0x0: {  	(pc) =	sbr.rel $0x88, $3  }
0x1: {  	(tag) =	ssettag $0x0;
	lr =	simm.s32 $0x1  }
0x2: {  	[smem:$0x3F91] =	sst lr;
	_ =	strace $0xD0000000  }
0x3: {  	_ = 	snop  }
0x4: {  	_ = 	snop  }
0x5: {  	_ = 	snop  }
0x6: {  	_ = 	snop  }
0x7: {  	_ = 	snop  }
__scs_overlays_trampoline_lowered:
0x8: {  	[smem:$0x3FA0] =	sst s0  }
0x9: {  	[smem:$0x3FA1] =	sst s1  }
0xa: {  	[smem:$0x3FA2] =	sst s2  }
0xb: {  	[smem:$0x3FA3] =	sst s3  }
0xc: {  	[smem:$0x3FA4] =	sst s4  }
0xd: {  	[smem:$0x3FA5] =	sst s5  }
0xe: {  	[smem:$0x3FA6] =	sst s6  }
0xf: {  	[smem:$0x3FA7] =	sst s7  }
0x10: {  	[smem:$0x3FA8] =	sst s8  }
0x11: {  	[smem:$0x3FA9] =	sst s9;
	s0 =	simm.s32 @!p0 $0x0  }
0x12: {  	s1 =	sld [smem:$0x3F8F];
	s0 =	simm.s32 @p0 $0x1  }
0x13: {  	[smem:$0x3FAA] =	sst s0;
	s0 =	simm.s32 @!p1 $0x0  }
0x14: {  	s2 =	sld [smem:$0x3F8E];
	s0 =	simm.s32 @p1 $0x1  }
0x15: {  	[smem:$0x3FAB] =	sst s0;
	s0 =	simm.s32 @!p2 $0x0  }
0x16: {  	s3 =	sld [smem:$0x3FDB];
	s0 =	simm.s32 @p2 $0x1  }
0x17: {  	s4 =	simm.s32 $0x1BF5;
	[smem:$0x3FAD] =	sst s0  }
0x18: {  	s0 =	sld [smem:$0x3F90];
	_ =	swait.ge [sflag:s4], $0x0  }
0x19: {  	s7 =	sld [smem:$0x3F91]  }
0x1a: {  	s8 =	sadd.s32 $0xFFFFE003, lr  }
0x1b: {  	s9 =	sadd.s32 $0xFFFFFEF7, lr;
	s5 =	simm.s32 $0xFFFFFFFF;
	p2 =	slt.u32 s8, $0xFFFFF086  }
0x1c: {  	p1 =	slt.u32 s9, $0xF7A;
	s5 =	simm.s32 @!p2 $0x0  }
0x1d: {  	s5 =	simm.s32 @p1 $0x1;
	p0 =	seq.s32 s7, s2  }
0x1e: {  	s7 =	smul.u32 @!p0 $0xF7A, s2;
	p2 =	seq.s32 @!p0 s5, $0x0  }
0x1f: {  	s9 =	smul.u32 $0xF7A, s1;
	s8 =	simm.s32 @!p0 $0x1BF5;
	p2 =	por !p2, p0  }
0x20: {  	[sflag:s8] =	ssyncset.s32 @!p0 $0xFFFFF086;
	s6 =	sadd.s32 @!p0 s3, s7;
	s7 =	simm.s32 @!p0 $0x108  }
0x21: {  	s3 =	sadd.s32 s3, s9;
	s6 =	sadd.s32 @!p0 $0x88, s6;
	s7 =	simm.s32 @p2 $0x1082  }
0x22: {  	[simem:s7], [sflag:s8] =	dma.local @!p0 [hbm:s6], $0xF7A  }
0x23: {  	s9 =	sor.u32 $0xD0000000, s2;
	s6 =	simm.s32 $0x108;
	_ =	swait.ge @!p0 [sflag:s8], $0x0  }
0x24: {  	s3 =	sadd.s32 $0x88, s3;
	s6 =	simm.s32 @!p1 $0x1082;
	[sflag:s4] =	ssyncset.s32 $0xFFFFF086  }
0x25: {  	[simem:s6], [sflag:s4] =	dma.local [hbm:s3], $0xF7A  }
0x26: {  	[smem:$0x3F91] =	sst s1;
	(tag) =	ssettag s2;
	_ =	strace s9  }
0x27: {  	s1 =	sld [smem:$0x3FA1]  }
0x28: {  	s2 =	sld [smem:$0x3FA2]  }
0x29: {  	s4 =	sld [smem:$0x3FA4]  }
0x2a: {  	p0 =	seq.s32 s5, $0x0;
	s5 =	sld [smem:$0x3FA5]  }
0x2b: {  	s6 =	sld [smem:$0x3FA6]  }
0x2c: {  	s7 =	sld [smem:$0x3FA7]  }
0x2d: {  	s3 =	simm.s32 $0x108;
	s8 =	sld [smem:$0x3FA8]  }
0x2e: {  	s3 =	simm.s32 @!p0 $0x1082;
	s9 =	sld [smem:$0x3FA9]  }
0x2f: {  	lr =	sadd.s32 s0, s3;
	s0 =	sld [smem:$0x3FA0]  }
0x30: {  	s3 =	sld [smem:$0x3FA3]  }
0x31: {  	[smem:$0x3FAC] =	sst s10  }
0x32: {  	s10 =	sld [smem:$0x3FAA];
	_ =	sdelay $0x3  }
0x33: {  	p0 =	seq.s32 s10, $0x1;
	s10 =	sld [smem:$0x3FAC];
	_ =	sdelay $0x3  }
0x34: {  	[smem:$0x3FAC] =	sst s10  }
0x35: {  	s10 =	sld [smem:$0x3FAB];
	_ =	sdelay $0x3  }
0x36: {  	p1 =	seq.s32 s10, $0x1;
	s10 =	sld [smem:$0x3FAC];
	_ =	sdelay $0x3  }
0x37: {  	[smem:$0x3FAC] =	sst s10  }
0x38: {  	s10 =	sld [smem:$0x3FAD]  }
0x39: {  	_ = 	snop;
	(pc) =	sbr.ind lr, $3  }
0x3a: {  	_ = 	snop  }
0x3b: {  	_ = 	snop  }
0x3c: {  	p2 =	seq.s32 s10, $0x1;
	s10 =	sld [smem:$0x3FAC]  }
0x3d: {  	_ =	shalt  }
0x3e: {  	_ =	shalt  }
0x3f: {  	_ =	shalt  }
0x40: {  	_ =	shalt  }
0x41: {  	_ =	shalt  }
0x42: {  	_ =	shalt  }
0x43: {  	_ =	shalt  }
0x44: {  	_ =	shalt  }
0x45: {  	_ =	shalt  }
0x46: {  	_ =	shalt  }
0x47: {  	_ =	shalt  }
0x48: {  	_ =	shalt  }
0x49: {  	_ =	shalt  }
0x4a: {  	_ =	shalt  }
0x4b: {  	_ =	shalt  }
0x4c: {  	_ =	shalt  }
0x4d: {  	_ =	shalt  }
0x4e: {  	_ =	shalt  }
0x4f: {  	_ =	shalt  }
0x50: {  	_ =	shalt  }
0x51: {  	_ =	shalt  }
0x52: {  	_ =	shalt  }
0x53: {  	_ =	shalt  }
0x54: {  	_ =	shalt  }
0x55: {  	_ =	shalt  }
0x56: {  	_ =	shalt  }
0x57: {  	_ =	shalt  }
0x58: {  	_ =	shalt  }
0x59: {  	_ =	shalt  }
0x5a: {  	_ =	shalt  }
0x5b: {  	_ =	shalt  }
0x5c: {  	_ =	shalt  }
0x5d: {  	_ =	shalt  }
0x5e: {  	_ =	shalt  }
0x5f: {  	_ =	shalt  }
0x60: {  	_ =	shalt  }
0x61: {  	_ =	shalt  }
0x62: {  	_ =	shalt  }
0x63: {  	_ =	shalt  }
0x64: {  	_ =	shalt  }
0x65: {  	_ =	shalt  }
0x66: {  	_ =	shalt  }
0x67: {  	_ =	shalt  }
0x68: {  	_ =	shalt  }
0x69: {  	_ =	shalt  }
0x6a: {  	_ =	shalt  }
0x6b: {  	_ =	shalt  }
0x6c: {  	_ =	shalt  }
0x6d: {  	_ =	shalt  }
0x6e: {  	_ =	shalt  }
0x6f: {  	_ =	shalt  }
0x70: {  	_ =	shalt  }
0x71: {  	_ =	shalt  }
0x72: {  	_ =	shalt  }
0x73: {  	_ =	shalt  }
0x74: {  	_ =	shalt  }
0x75: {  	_ =	shalt  }
0x76: {  	_ =	shalt  }
0x77: {  	_ =	shalt  }
0x78: {  	_ =	shalt  }
0x79: {  	_ =	shalt  }
0x7a: {  	_ =	shalt  }
0x7b: {  	_ =	shalt  }
0x7c: {  	_ =	shalt  }
0x7d: {  	_ =	shalt  }
0x7e: {  	_ =	shalt  }
0x7f: {  	_ =	shalt  }
0x80: {  	_ =	shalt  }
0x81: {  	_ =	shalt  }
0x82: {  	_ =	shalt  }
0x83: {  	_ =	shalt  }
0x84: {  	_ =	shalt  }
0x85: {  	_ =	shalt  }
0x86: {  	_ =	shalt  }
0x87: {  	_ =	shalt  }
.Lfunc_end0:
.L_simem_size_0:
called_computation.2_lowered:
.L_overlay_start_0:
0x88: {  	s2 =	sld [smem:$0x3FD9]  }
0x89: {  	s3 =	sld [smem:$0x3FFE];
	_ =	sdelay $0x1  }
0x8a: {  	s1 =	srdreg.scid  }
0x8b: {  	s0 =	sand.u32 $0x1, s1  }
0x8c: {  	s16 =	sshll.u32 s0, $0xA;
	s2 =	sadd.s32 s3, s2  }
0x8d: {  	s2 =	sadd.s32 s2, s16  }
0x8e: {  	[smem:$0x3FB8] =	sst s2  }
0x8f: {  	_ = 	snop  }
0x90: {  	(tm) =	ssettm $0x1  }
0x91: {  	s17 =	sld [smem:$0x3FFB];
	_ =	sdelay $0x3  }
0x92: {  	_ =	strace s17  }
0x93: {  	s2 =	sld [smem:$0x3FFC];
	_ =	sdelay $0x3  }
0x94: {  	_ =	strace s2  }
0x95: {  	s2 =	sld [smem:$0x3FFD];
	_ =	sdelay $0x3  }
0x96: {  	_ =	strace s2  }
0x97: {  	_ =	strace $0x8FFFFFFF  }
0x98: {  	s18 =	sld [smem:$0x3FDB];
	_ =	sdelay $0x1  }
0x99: {  	s19 =	simm.s32 $_scs_section_size  }
0x9a: {  	s4 =	simm.s32 $_size__tile_overlayer_lowered;
	s5 =	simm.s32 $_tile_overlayer_lowered  }
0x9b: {  	s22 =	simm.s32 $0x1BFF;
	s21 =	sshll.u32 s5, $0x1;
	s2 =	sadd.s32 s19, s18  }
0x9c: {  	s6 =	simm.s32 $0x0;
	s20 =	sshll.u32 s4, $0x1;
	s4 =	sadd.s32 s21, s2  }
0x9d: {  	[timem:s6], [sflag:s22] =	dma.local [hbm:s4], s20  }
0x9e: {  	_ =	swait.ge [sflag:s22], s20  }
0x9f: {  	s3 =	ssub.s32 $0x0, s20;
	[sflag:s22] =	ssyncset.done $0x0  }
0xa0: {  	[sflag:s22] =	ssyncadd.s32 s3;
	_ =	sdelay $0x1  }
0xa1: {  	s23 =	simm.s32 $0x1B8B  }
0xa2: {  	_ =	swait.ge [sflag:s23], $0x1  }
0xa3: {  	[sflag:s23] =	ssyncset.done $0x0  }
0xa4: {  	s25 =	simm.s32 $0x1B8E;
	s24 =	sld [smem:$0x3FFE];
	[sflag:s23] =	ssyncadd.s32 $0xFFFFFFFF  }
0xa5: {  	s26 =	simm.s32 $execute0_lowered;
	[smem:$0x3FD2] =	sst s25  }
0xa6: {  	s4 =	sshll.u32 s26, $0x1;
	_ =	strace $0x8000004C;
	[dreg:$0x1] =	wrdreg $0xFFFFFFFF  }
0xa7: {  	s28 =	simm.s32 $_size_execute0_lowered;
	s2 =	sadd.s32 s2, s4;
	[dreg:$0x0] =	wrdreg $0x0  }
0xa8: {  	s4 =	sshll.u32 s28, $0x1;
	[dreg:$0x2] =	wrdreg s2  }
0xa9: {  	[dreg:$0x3] =	wrdreg s4  }
0xaa: {  	[dreg:$0x4] =	wrdreg $0xC0  }
0xab: {  	_ =	task [dreg:s6], $0x5FFFF  }
0xac: {  	[dreg:$0x1] =	wrdreg $0xFFFFFFFF  }
0xad: {  	[dreg:$0x0] =	wrdreg $0x60  }
0xae: {  	[dreg:$0x2] =	wrdreg s24  }
0xaf: {  	[dreg:$0x3] =	wrdreg $0x0  }
0xb0: {  	[dreg:$0x4] =	wrdreg $0x9  }
0xb1: {  	_ =	task.clear_ibuf [dreg:s6], $0x5FFFF;
	_ =	strace $0x9000004C  }
0xb2: {  	s29 =	simm.s32 $0x9;
	_ =	strace $0x8000004E  }
0xb3: {  	_ =	swait.ge [sflag:s29], $0x1  }
0xb4: {  	[sflag:s29] =	ssyncadd.s32 $0xFFFFFFFF  }
0xb5: {  	_ =	strace $0x9000004E  }
0xb6: {  	_ =	sfence  }
0xb7: {  	s30 =	sld [smem:$0x0];
	_ =	sdelay $0x2  }
0xb8: {  	s31 =	sshll.u32 s1, $0xD;
	s1 =	sshrl.u32 s1, $0x2  }
0xb9: {  	s3 =	sand.u32 $0x4000, s31;
	s1 =	sadd.s32 s1, s30  }
0xba: {  	s0 =	sor.u32 s3, s0;
	s1 =	sshll.u32 s1, $0x11  }
0xbb: {  	s0 =	sor.u32 s1, s0  }
0xbc: {  	s0 =	sadd.s32 $0x8F2B, s0  }
0xbd: {  	[sflag:s0] =	ssyncadd.remote.s32 $0x1  }
0xbe: {  	_ =	sfence.sel $0xFFFF  }
0xbf: {  	[dreg:$0x0] =	wrdreg $0xFFFFFFFF;
	(pc) =	sbr.abs _section_cstart, $3  }
0xc0: {  	[dreg:$0x1] =	wrdreg $0xFFFFFFFF  }
0xc1: {  	_ =	task.clear_ibuf [dreg:s6], $0x2FFFF;
	_ =	strace $0x9FFFFFFF  }
0xc2: {  	(tm) =	ssettm $0x7FFFFFFF  }
0xc3: {  	_ =	shalt  }
tec
execute0_lowered:
.L_overlay_start_1:
0x0: {  	(tag) =	ssettag $0x1  }
0x1: {  	s6 =	rddreg [dreg:$0x0]  }
0x2: {  	s1 =	rddreg [dreg:$0x1]  }
0x3: {  	s3 =	srdreg.scid;
	s0 =	rddreg [dreg:$0x2];
	s2 =	simm.s32 $0x0  }
0x4: {  	s16 =	simm.s32 $0x13980;
	s17 =	simm.s32 $0x2;
	s7 =	sand.u32 $0x1, s3  }
0x5: {  	s18 =	simm.s32 $0x80;
	s3 =	stileid.u32;
	s5 =	smul.u32 $0x4F00, s7  }
0x6: {  	s19 =	simm.s32 $0x13A00;
	s20 =	simm.s32 $0x1;
	s10 =	smul.u32 $0x2700, s3  }
0x7: {  	s21 =	simm.s32 $0x0;
	[smem:$0x7FF] =	sst s2;
	s12 =	smul.u32 $0x4E000, s3  }
0x8: {  	s4 =	sadd.s32 $0x18200, s6;
	s13 =	sadd.s32 $0x41C00, s6;
	s24 =	smul.u32 $0x27100, s7  }
0x9: {  	s15 =	sadd.s32 $0x138000, s1;
	s9 =	ssub.s32 $0x2, s7;
	s7 =	smul.u32 $0x138800, s7  }
0xa: {  	_ =	strace $0x8000004D;
	s26 =	sshll.u32 s3, $0x6;
	s28 =	smul.u32 $0x4F0, s3  }
0xb: {  	p0 =	sne.s32 s3, $0xF;
	s11 =	sshrl.u32 s9, $0x1;
	s8 =	sadd.s32 s5, s6  }
0xc: {  	s5 =	sadd.s32 $0x3F400, s6;
	s9 =	ssub.s32 s9, s11;
	s25 =	sshrl.u32 s12, $0x2  }
0xd: {  	s6 =	sor.u32 $0x1C03, s26;
	s10 =	sadd.s32 s10, s24;
	s29 =	sshrl.u32 s7, $0x3  }
0xe: {  	s14 =	sadd.s32 s25, s1;
	s7 =	sadd.s32 s13, s10;
	s30 =	sadd.s32 s13, s29  }
0xf: {  	s31 =	sadd.s32 s28, s8;
	s9 =	smax.u32 s9, $0x1;
	s13 =	simm.s32 $0x3  }
0x10: {  	s8 =	sadd.s32 $0x27000, s30;
	s10 =	sadd.s32 $0xE400, s31;
	s11 =	sadd.s32 $0x4600, s31  }
0x11: {  	s12 =	sshrl.u32 s14, $0x3;
	s14 =	sshrl.u32 @!p0 s15, $0x3;
	s15 =	simm.s32 $0x13900  }
.LBB2_1:
0x12: {  	[spmem:s12], [sflag:s6] =	dma.local [hbm:s5], $0x2700  }
0x13: {  	_ =	swait.ge [sflag:s13], $0x2700  }
0x14: {  	[sflag:s13] =	ssyncset.done $0x0  }
0x15: {  	s22 =	simm.s32 @!p0 $0x3;
	[sflag:s13] =	ssyncadd.s32 $0xFFFFD900  }
0x16: {  	[spmem:s14], [sflag:s6] =	dma.local @!p0 [hbm:s5], $0x100  }
0x17: {  	_ =	swait.ge @!p0 [sflag:s22], $0x100  }
0x18: {  	[sflag:s22] =	ssyncset.done @!p0 $0x0  }
0x19: {  	[sflag:s22] =	ssyncadd.s32 @!p0 $0xFFFFFF00  }
0x1a: {  	s30 =	sadd.s32 $0x0, s11;
	[bflag:$0x0] =	sbarrier.arrive $0xFFFF  }
0x1b: {  	[tilespmem:s15], [sflag:$0x2] =	stream.linear.gather [hbm4b:s30+s2], $0x80, $0x38;
	[tilespmem:$0x17A00] =	vst v63  }
0x1c: {  	s31 =	sadd.s32 $0x0, s10  }
0x1d: {  	[tilespmem:s16], [sflag:$0x2] =	stream.linear.gather [hbm4b:s31+s2], $0x80, $0x38;
	[tilespmem:$0x17A00] =	vst v63  }
0x1e: {  	_ =	swait.ge [sflag:s17], $0x80  }
0x1f: {  	[sflag:s17] =	ssyncset.done $0x0  }
0x20: {  	[sflag:s17] =	ssyncadd.s32 $0xFFFFFF80  }
0x21: {  	_ =	swait.ge [sflag:s17], $0x80  }
0x22: {  	[sflag:s17] =	ssyncset.done $0x0  }
0x23: {  	[sflag:s17] =	ssyncadd.s32 $0xFFFFFF80  }
0x24: {  	[tilespmem:s19], [sflag:$0x1] =	stream.indirect.gather [hbm4b:s4+s18], $0x80, s15, s18, $0xb8;
	[tilespmem:$0x17A00] =	vst v63  }
0x25: {  	_ =	swait.ge [sflag:s20], $0x4000  }
0x26: {  	[sflag:s20] =	ssyncset.done $0x0  }
0x27: {  	[sflag:s20] =	ssyncadd.s32 $0xFFFFC000  }
0x28: {  	[spmem:s1] =	stream.indirect.scatter.add.f32 [tilespmem:s19], [sflag:$0x3], $0x80, s16, s18, $0xb8;
	[tilespmem:$0x17A00] =	vst v63  }
0x29: {  	_ =	swait.ge [sflag:s13], $0x4000  }
0x2a: {  	s23 =	simm.s32 $0x20;
	s22 =	simm.s32 $0x10;
	[sflag:s13] =	ssyncset.done $0x0  }
.LBB2_2:
0x2b: {  	s24 =	sadd.s32 s22, s11  }
0x2c: {  	[sflag:s13] =	ssyncadd.s32 $0xFFFFC000;
	s25 =	smov.u32 s23;
	s26 =	sadd.s32 $0x10, s23  }
0x2d: {  	[tilespmem:s15], [sflag:$0x2] =	stream.linear.gather [hbm4b:s24+s2], $0x80, $0x38;
	[tilespmem:$0x17A00] =	vst v63  }
0x2e: {  	p1 =	sne.s32 s23, $0x4E0;
	s23 =	sadd.s32 s22, s10;
	s22 =	smov.u32 s25  }
0x2f: {  	[tilespmem:s16], [sflag:$0x2] =	stream.linear.gather [hbm4b:s23+s2], $0x80, $0x38;
	[tilespmem:$0x17A00] =	vst v63  }
0x30: {  	_ =	swait.ge [sflag:s17], $0x80  }
0x31: {  	[sflag:s17] =	ssyncset.done $0x0  }
0x32: {  	[sflag:s17] =	ssyncadd.s32 $0xFFFFFF80  }
0x33: {  	_ =	swait.ge [sflag:s17], $0x80  }
0x34: {  	[sflag:s17] =	ssyncset.done $0x0  }
0x35: {  	[sflag:s17] =	ssyncadd.s32 $0xFFFFFF80  }
0x36: {  	[tilespmem:s19], [sflag:$0x1] =	stream.indirect.gather [hbm4b:s4+s18], $0x80, s15, s18, $0xb8;
	[tilespmem:$0x17A00] =	vst v63  }
0x37: {  	_ =	swait.ge [sflag:s20], $0x4000  }
.Ltmp0:
0x38: {  	[sflag:s20] =	ssyncset.done $0x0;
	(pc) =	sbr.rel @p1 .LBB2_2-.Ltmp0, $4  }
0x39: {  	[sflag:s20] =	ssyncadd.s32 $0xFFFFC000  }
0x3a: {  	[spmem:s1] =	stream.indirect.scatter.add.f32 [tilespmem:s19], [sflag:$0x3], $0x80, s16, s18, $0xb8;
	[tilespmem:$0x17A00] =	vst v63  }
0x3b: {  	_ =	swait.ge [sflag:s13], $0x4000  }
0x3c: {  	s23 =	smov.u32 s26;
	[sflag:s13] =	ssyncset.done $0x0  }
0x3d: {  	s23 =	sadd.s32 s22, s11;
	[sflag:s13] =	ssyncadd.s32 $0xFFFFC000  }
0x3e: {  	[tilespmem:s15], [sflag:$0x2] =	stream.linear.gather [hbm4b:s23+s2], $0x80, $0x38;
	[tilespmem:$0x17A00] =	vst v63  }
0x3f: {  	s31 =	sadd.s32 s22, s10  }
0x40: {  	[tilespmem:s16], [sflag:$0x2] =	stream.linear.gather [hbm4b:s31+s2], $0x80, $0x38;
	[tilespmem:$0x17A00] =	vst v63  }
0x41: {  	_ =	swait.ge [sflag:s17], $0x80  }
0x42: {  	[sflag:s17] =	ssyncset.done $0x0  }
0x43: {  	[sflag:s17] =	ssyncadd.s32 $0xFFFFFF80  }
0x44: {  	_ =	swait.ge [sflag:s17], $0x80  }
0x45: {  	[sflag:s17] =	ssyncset.done $0x0  }
0x46: {  	[sflag:s17] =	ssyncadd.s32 $0xFFFFFF80  }
0x47: {  	[tilespmem:s19], [sflag:$0x1] =	stream.indirect.gather [hbm4b:s4+s18], $0x80, s15, s18, $0xb8;
	[tilespmem:$0x17A00] =	vst v63  }
0x48: {  	_ =	swait.ge [sflag:s20], $0x4000  }
0x49: {  	[sflag:s20] =	ssyncset.done $0x0  }
0x4a: {  	[sflag:s20] =	ssyncadd.s32 $0xFFFFC000  }
0x4b: {  	[spmem:s1] =	stream.indirect.scatter.add.f32 [tilespmem:s19], [sflag:$0x3], $0x80, s16, s18, $0xb8;
	[tilespmem:$0x17A00] =	vst v63  }
0x4c: {  	_ =	swait.ge [sflag:s13], $0x4000  }
0x4d: {  	[sflag:s13] =	ssyncset.done $0x0  }
0x4e: {  	[sflag:s13] =	ssyncadd.s32 $0xFFFFC000  }
0x4f: {  	[bflag:$0x0] =	sbarrier.arrive $0xFFFF  }
0x50: {  	[hbm:s7], [sflag:s6] =	dma.local [spmem:s12], $0x2700  }
0x51: {  	s21 =	sadd.s32 $0x1, s21;
	_ =	swait.ge [sflag:s13], $0x2700  }
0x52: {  	p1 =	sne.s32 s21, s9;
	[sflag:s13] =	ssyncset.done $0x0  }
.Ltmp1:
0x53: {  	s22 =	simm.s32 @!p0 $0x3;
	[sflag:s13] =	ssyncadd.s32 $0xFFFFD900;
	(pc) =	sbr.rel @p1 .LBB2_1-.Ltmp1, $4  }
0x54: {  	[hbm:s8], [sflag:s6] =	dma.local @!p0 [spmem:s14], $0x100  }
0x55: {  	_ =	swait.ge @!p0 [sflag:s22], $0x100  }
0x56: {  	[sflag:s22] =	ssyncset.done @!p0 $0x0  }
0x57: {  	[sflag:s22] =	ssyncadd.s32 @!p0 $0xFFFFFF00  }
0x58: {  	_ =	sfence.sel $0x180000  }
0x59: {  	[bflag:$0x0] =	sbarrier.arrive $0xFFFF  }
0x5a: {  	p0 =	sne.s32 s3, $0x0;
	_ =	strace $0x9000004D  }
0x5b: {  	s0 =	sadd.s32 @!p0 $0x100000, s0;
	[bflag:$0x2] =	sbarrier.arrive $0xFFFF  }
0x5c: {  	[sflag:s0] =	ssyncadd.tile.s32 @!p0 $0x1;
	_ =	shalt  }
.Lfunc_end2:
_tile_overlayer_lowered:
.L_overlay_start_2:
0x5d: {  	(tag) =	ssettag $0x2  }
0x5e: {  	s0 =	rddreg [dreg:$0x0];
	s2 =	stileid.u32  }
0x5f: {  	s1 =	rddreg [dreg:$0x1];
	p0 =	sne.s32 s2, $0x0  }
0x60: {  	s3 =	rddreg [dreg:$0x2];
	[bflag:$0x3] =	sbarrier.arrive $0xFFFF;
	s2 =	simm.s32 @!p0 $0x1C03  }
0x61: {  	[timem:s3], [sflag:s2] =	dma.local @!p0 [hbm:s0], s1  }
0x62: {  	s0 =	simm.s32 @!p0 $0x3  }
0x63: {  	_ =	swait.ge @!p0 [sflag:s0], s1  }
0x64: {  	s1 =	ssub.s32 @!p0 $0x0, s1;
	[sflag:s0] =	ssyncset.done @!p0 $0x0  }
0x65: {  	[sflag:s0] =	ssyncadd.s32 @!p0 s1  }
0x66: {  	[bflag:$0x3] =	sbarrier.arrive $0xFFFF  }
0x67: {  	_ =	shalt  }

// kernel: kernel.26.cloned.1.call-start
scs
__scs_entry_jumppad:
0x0: {  	(pc) =	sbr.rel $0x88, $3  }
0x1: {  	(tag) =	ssettag $0x0;
	lr =	simm.s32 $0x1  }
0x2: {  	[smem:$0x3F91] =	sst lr;
	_ =	strace $0xD0000000  }
0x3: {  	_ = 	snop  }
0x4: {  	_ = 	snop  }
0x5: {  	_ = 	snop  }
0x6: {  	_ = 	snop  }
0x7: {  	_ = 	snop  }
__scs_overlays_trampoline_lowered:
0x8: {  	[smem:$0x3FA0] =	sst s0  }
0x9: {  	[smem:$0x3FA1] =	sst s1  }
0xa: {  	[smem:$0x3FA2] =	sst s2  }
0xb: {  	[smem:$0x3FA3] =	sst s3  }
0xc: {  	[smem:$0x3FA4] =	sst s4  }
0xd: {  	[smem:$0x3FA5] =	sst s5  }
0xe: {  	[smem:$0x3FA6] =	sst s6  }
0xf: {  	[smem:$0x3FA7] =	sst s7  }
0x10: {  	[smem:$0x3FA8] =	sst s8  }
0x11: {  	[smem:$0x3FA9] =	sst s9;
	s0 =	simm.s32 @!p0 $0x0  }
0x12: {  	s1 =	sld [smem:$0x3F8F];
	s0 =	simm.s32 @p0 $0x1  }
0x13: {  	[smem:$0x3FAA] =	sst s0;
	s0 =	simm.s32 @!p1 $0x0  }
0x14: {  	s2 =	sld [smem:$0x3F8E];
	s0 =	simm.s32 @p1 $0x1  }
0x15: {  	[smem:$0x3FAB] =	sst s0;
	s0 =	simm.s32 @!p2 $0x0  }
0x16: {  	s3 =	sld [smem:$0x3FDB];
	s0 =	simm.s32 @p2 $0x1  }
0x17: {  	s4 =	simm.s32 $0x1BF5;
	[smem:$0x3FAD] =	sst s0  }
0x18: {  	s0 =	sld [smem:$0x3F90];
	_ =	swait.ge [sflag:s4], $0x0  }
0x19: {  	s7 =	sld [smem:$0x3F91]  }
0x1a: {  	s8 =	sadd.s32 $0xFFFFE003, lr  }
0x1b: {  	s9 =	sadd.s32 $0xFFFFFEF7, lr;
	s5 =	simm.s32 $0xFFFFFFFF;
	p2 =	slt.u32 s8, $0xFFFFF086  }
0x1c: {  	p1 =	slt.u32 s9, $0xF7A;
	s5 =	simm.s32 @!p2 $0x0  }
0x1d: {  	s5 =	simm.s32 @p1 $0x1;
	p0 =	seq.s32 s7, s2  }
0x1e: {  	s7 =	smul.u32 @!p0 $0xF7A, s2;
	p2 =	seq.s32 @!p0 s5, $0x0  }
0x1f: {  	s9 =	smul.u32 $0xF7A, s1;
	s8 =	simm.s32 @!p0 $0x1BF5;
	p2 =	por !p2, p0  }
0x20: {  	[sflag:s8] =	ssyncset.s32 @!p0 $0xFFFFF086;
	s6 =	sadd.s32 @!p0 s3, s7;
	s7 =	simm.s32 @!p0 $0x108  }
0x21: {  	s3 =	sadd.s32 s3, s9;
	s6 =	sadd.s32 @!p0 $0x88, s6;
	s7 =	simm.s32 @p2 $0x1082  }
0x22: {  	[simem:s7], [sflag:s8] =	dma.local @!p0 [hbm:s6], $0xF7A  }
0x23: {  	s9 =	sor.u32 $0xD0000000, s2;
	s6 =	simm.s32 $0x108;
	_ =	swait.ge @!p0 [sflag:s8], $0x0  }
0x24: {  	s3 =	sadd.s32 $0x88, s3;
	s6 =	simm.s32 @!p1 $0x1082;
	[sflag:s4] =	ssyncset.s32 $0xFFFFF086  }
0x25: {  	[simem:s6], [sflag:s4] =	dma.local [hbm:s3], $0xF7A  }
0x26: {  	[smem:$0x3F91] =	sst s1;
	(tag) =	ssettag s2;
	_ =	strace s9  }
0x27: {  	s1 =	sld [smem:$0x3FA1]  }
0x28: {  	s2 =	sld [smem:$0x3FA2]  }
0x29: {  	s4 =	sld [smem:$0x3FA4]  }
0x2a: {  	p0 =	seq.s32 s5, $0x0;
	s5 =	sld [smem:$0x3FA5]  }
0x2b: {  	s6 =	sld [smem:$0x3FA6]  }
0x2c: {  	s7 =	sld [smem:$0x3FA7]  }
0x2d: {  	s3 =	simm.s32 $0x108;
	s8 =	sld [smem:$0x3FA8]  }
0x2e: {  	s3 =	simm.s32 @!p0 $0x1082;
	s9 =	sld [smem:$0x3FA9]  }
0x2f: {  	lr =	sadd.s32 s0, s3;
	s0 =	sld [smem:$0x3FA0]  }
0x30: {  	s3 =	sld [smem:$0x3FA3]  }
0x31: {  	[smem:$0x3FAC] =	sst s10  }
0x32: {  	s10 =	sld [smem:$0x3FAA];
	_ =	sdelay $0x3  }
0x33: {  	p0 =	seq.s32 s10, $0x1;
	s10 =	sld [smem:$0x3FAC];
	_ =	sdelay $0x3  }
0x34: {  	[smem:$0x3FAC] =	sst s10  }
0x35: {  	s10 =	sld [smem:$0x3FAB];
	_ =	sdelay $0x3  }
0x36: {  	p1 =	seq.s32 s10, $0x1;
	s10 =	sld [smem:$0x3FAC];
	_ =	sdelay $0x3  }
0x37: {  	[smem:$0x3FAC] =	sst s10  }
0x38: {  	s10 =	sld [smem:$0x3FAD]  }
0x39: {  	_ = 	snop;
	(pc) =	sbr.ind lr, $3  }
0x3a: {  	_ = 	snop  }
0x3b: {  	_ = 	snop  }
0x3c: {  	p2 =	seq.s32 s10, $0x1;
	s10 =	sld [smem:$0x3FAC]  }
0x3d: {  	_ =	shalt  }
0x3e: {  	_ =	shalt  }
0x3f: {  	_ =	shalt  }
0x40: {  	_ =	shalt  }
0x41: {  	_ =	shalt  }
0x42: {  	_ =	shalt  }
0x43: {  	_ =	shalt  }
0x44: {  	_ =	shalt  }
0x45: {  	_ =	shalt  }
0x46: {  	_ =	shalt  }
0x47: {  	_ =	shalt  }
0x48: {  	_ =	shalt  }
0x49: {  	_ =	shalt  }
0x4a: {  	_ =	shalt  }
0x4b: {  	_ =	shalt  }
0x4c: {  	_ =	shalt  }
0x4d: {  	_ =	shalt  }
0x4e: {  	_ =	shalt  }
0x4f: {  	_ =	shalt  }
0x50: {  	_ =	shalt  }
0x51: {  	_ =	shalt  }
0x52: {  	_ =	shalt  }
0x53: {  	_ =	shalt  }
0x54: {  	_ =	shalt  }
0x55: {  	_ =	shalt  }
0x56: {  	_ =	shalt  }
0x57: {  	_ =	shalt  }
0x58: {  	_ =	shalt  }
0x59: {  	_ =	shalt  }
0x5a: {  	_ =	shalt  }
0x5b: {  	_ =	shalt  }
0x5c: {  	_ =	shalt  }
0x5d: {  	_ =	shalt  }
0x5e: {  	_ =	shalt  }
0x5f: {  	_ =	shalt  }
0x60: {  	_ =	shalt  }
0x61: {  	_ =	shalt  }
0x62: {  	_ =	shalt  }
0x63: {  	_ =	shalt  }
0x64: {  	_ =	shalt  }
0x65: {  	_ =	shalt  }
0x66: {  	_ =	shalt  }
0x67: {  	_ =	shalt  }
0x68: {  	_ =	shalt  }
0x69: {  	_ =	shalt  }
0x6a: {  	_ =	shalt  }
0x6b: {  	_ =	shalt  }
0x6c: {  	_ =	shalt  }
0x6d: {  	_ =	shalt  }
0x6e: {  	_ =	shalt  }
0x6f: {  	_ =	shalt  }
0x70: {  	_ =	shalt  }
0x71: {  	_ =	shalt  }
0x72: {  	_ =	shalt  }
0x73: {  	_ =	shalt  }
0x74: {  	_ =	shalt  }
0x75: {  	_ =	shalt  }
0x76: {  	_ =	shalt  }
0x77: {  	_ =	shalt  }
0x78: {  	_ =	shalt  }
0x79: {  	_ =	shalt  }
0x7a: {  	_ =	shalt  }
0x7b: {  	_ =	shalt  }
0x7c: {  	_ =	shalt  }
0x7d: {  	_ =	shalt  }
0x7e: {  	_ =	shalt  }
0x7f: {  	_ =	shalt  }
0x80: {  	_ =	shalt  }
0x81: {  	_ =	shalt  }
0x82: {  	_ =	shalt  }
0x83: {  	_ =	shalt  }
0x84: {  	_ =	shalt  }
0x85: {  	_ =	shalt  }
0x86: {  	_ =	shalt  }
0x87: {  	_ =	shalt  }
.Lfunc_end0:
.L_simem_size_0:
called_computation.3_lowered:
.L_overlay_start_0:
0x88: {  	s2 =	sld [smem:$0x3FD9]  }
0x89: {  	s3 =	sld [smem:$0x3FFE];
	_ =	sdelay $0x1  }
0x8a: {  	s1 =	srdreg.scid  }
0x8b: {  	s0 =	sand.u32 $0x1, s1  }
0x8c: {  	s16 =	sshll.u32 s0, $0xA;
	s2 =	sadd.s32 s3, s2  }
0x8d: {  	s2 =	sadd.s32 s2, s16  }
0x8e: {  	[smem:$0x3FB8] =	sst s2  }
0x8f: {  	_ = 	snop  }
0x90: {  	(tm) =	ssettm $0x1  }
0x91: {  	s17 =	sld [smem:$0x3FFB];
	_ =	sdelay $0x3  }
0x92: {  	_ =	strace s17  }
0x93: {  	s2 =	sld [smem:$0x3FFC];
	_ =	sdelay $0x3  }
0x94: {  	_ =	strace s2  }
0x95: {  	s2 =	sld [smem:$0x3FFD];
	_ =	sdelay $0x3  }
0x96: {  	_ =	strace s2  }
0x97: {  	_ =	strace $0x8FFFFFFF  }
0x98: {  	s18 =	sld [smem:$0x3FDB];
	_ =	sdelay $0x1  }
0x99: {  	s19 =	simm.s32 $_scs_section_size  }
0x9a: {  	s4 =	simm.s32 $_size__tile_overlayer_lowered;
	s5 =	simm.s32 $_tile_overlayer_lowered  }
0x9b: {  	s22 =	simm.s32 $0x1BFF;
	s21 =	sshll.u32 s5, $0x1;
	s2 =	sadd.s32 s19, s18  }
0x9c: {  	s6 =	simm.s32 $0x0;
	s20 =	sshll.u32 s4, $0x1;
	s4 =	sadd.s32 s21, s2  }
0x9d: {  	[timem:s6], [sflag:s22] =	dma.local [hbm:s4], s20  }
0x9e: {  	_ =	swait.ge [sflag:s22], s20  }
0x9f: {  	s3 =	ssub.s32 $0x0, s20;
	[sflag:s22] =	ssyncset.done $0x0  }
0xa0: {  	[sflag:s22] =	ssyncadd.s32 s3;
	_ =	sdelay $0x1  }
0xa1: {  	s23 =	simm.s32 $0x1B8B  }
0xa2: {  	_ =	swait.ge [sflag:s23], $0x1  }
0xa3: {  	[sflag:s23] =	ssyncset.done $0x0  }
0xa4: {  	s25 =	simm.s32 $0x1B8E;
	s24 =	sld [smem:$0x3FFE];
	[sflag:s23] =	ssyncadd.s32 $0xFFFFFFFF  }
0xa5: {  	s26 =	simm.s32 $execute0_lowered;
	[smem:$0x3FD2] =	sst s25  }
0xa6: {  	s4 =	sshll.u32 s26, $0x1;
	_ =	strace $0x8000004F;
	[dreg:$0x1] =	wrdreg $0xFFFFFFFF  }
0xa7: {  	s28 =	simm.s32 $_size_execute0_lowered;
	s2 =	sadd.s32 s2, s4;
	[dreg:$0x0] =	wrdreg $0x0  }
0xa8: {  	s4 =	sshll.u32 s28, $0x1;
	[dreg:$0x2] =	wrdreg s2  }
0xa9: {  	[dreg:$0x3] =	wrdreg s4  }
0xaa: {  	[dreg:$0x4] =	wrdreg $0xC0  }
0xab: {  	_ =	task [dreg:s6], $0x5FFFF  }
0xac: {  	[dreg:$0x1] =	wrdreg $0xFFFFFFFF  }
0xad: {  	[dreg:$0x0] =	wrdreg $0x60  }
0xae: {  	[dreg:$0x2] =	wrdreg s24  }
0xaf: {  	[dreg:$0x3] =	wrdreg $0x0  }
0xb0: {  	[dreg:$0x4] =	wrdreg $0x9  }
0xb1: {  	_ =	task.clear_ibuf [dreg:s6], $0x5FFFF;
	_ =	strace $0x9000004F  }
0xb2: {  	s29 =	simm.s32 $0x9;
	_ =	strace $0x80000051  }
0xb3: {  	_ =	swait.ge [sflag:s29], $0x1  }
0xb4: {  	[sflag:s29] =	ssyncadd.s32 $0xFFFFFFFF  }
0xb5: {  	_ =	strace $0x90000051  }
0xb6: {  	_ =	sfence  }
0xb7: {  	s30 =	sld [smem:$0x0];
	_ =	sdelay $0x2  }
0xb8: {  	s31 =	sshll.u32 s1, $0xD;
	s1 =	sshrl.u32 s1, $0x2  }
0xb9: {  	s3 =	sand.u32 $0x4000, s31;
	s1 =	sadd.s32 s1, s30  }
0xba: {  	s0 =	sor.u32 s3, s0;
	s1 =	sshll.u32 s1, $0x11  }
0xbb: {  	s0 =	sor.u32 s1, s0  }
0xbc: {  	s0 =	sadd.s32 $0x8F2B, s0  }
0xbd: {  	[sflag:s0] =	ssyncadd.remote.s32 $0x1  }
0xbe: {  	_ =	sfence.sel $0xFFFF  }
0xbf: {  	[dreg:$0x0] =	wrdreg $0xFFFFFFFF;
	(pc) =	sbr.abs _section_cstart, $3  }
0xc0: {  	[dreg:$0x1] =	wrdreg $0xFFFFFFFF  }
0xc1: {  	_ =	task.clear_ibuf [dreg:s6], $0x2FFFF;
	_ =	strace $0x9FFFFFFF  }
0xc2: {  	(tm) =	ssettm $0x7FFFFFFF  }
0xc3: {  	_ =	shalt  }
tec
execute0_lowered:
.L_overlay_start_1:
0x0: {  	(tag) =	ssettag $0x1  }
0x1: {  	s6 =	rddreg [dreg:$0x0]  }
0x2: {  	s1 =	rddreg [dreg:$0x1]  }
0x3: {  	s3 =	srdreg.scid;
	s0 =	rddreg [dreg:$0x2];
	s2 =	simm.s32 $0x0  }
0x4: {  	s16 =	simm.s32 $0x13980;
	s17 =	simm.s32 $0x2;
	s7 =	sand.u32 $0x1, s3  }
0x5: {  	s18 =	simm.s32 $0x80;
	s3 =	stileid.u32;
	s5 =	smul.u32 $0x4F00, s7  }
0x6: {  	s19 =	simm.s32 $0x13A00;
	s20 =	simm.s32 $0x1;
	s10 =	smul.u32 $0x2700, s3  }
0x7: {  	s21 =	simm.s32 $0x0;
	[smem:$0x7FF] =	sst s2;
	s12 =	smul.u32 $0x4E000, s3  }
0x8: {  	s4 =	sadd.s32 $0x18200, s6;
	s13 =	sadd.s32 $0x41C00, s6;
	s24 =	smul.u32 $0x27100, s7  }
0x9: {  	s15 =	sadd.s32 $0x138000, s1;
	s9 =	ssub.s32 $0x2, s7;
	s7 =	smul.u32 $0x138800, s7  }
0xa: {  	_ =	strace $0x80000050;
	s26 =	sshll.u32 s3, $0x6;
	s28 =	smul.u32 $0x4F0, s3  }
0xb: {  	p0 =	sne.s32 s3, $0xF;
	s11 =	sshrl.u32 s9, $0x1;
	s8 =	sadd.s32 s5, s6  }
0xc: {  	s5 =	sadd.s32 $0x3F400, s6;
	s9 =	ssub.s32 s9, s11;
	s25 =	sshrl.u32 s12, $0x2  }
0xd: {  	s6 =	sor.u32 $0x1C03, s26;
	s10 =	sadd.s32 s10, s24;
	s29 =	sshrl.u32 s7, $0x3  }
0xe: {  	s14 =	sadd.s32 s25, s1;
	s7 =	sadd.s32 s13, s10;
	s30 =	sadd.s32 s13, s29  }
0xf: {  	s31 =	sadd.s32 s28, s8;
	s9 =	smax.u32 s9, $0x1;
	s13 =	simm.s32 $0x3  }
0x10: {  	s8 =	sadd.s32 $0x27000, s30;
	s10 =	sadd.s32 $0xE400, s31;
	s11 =	sadd.s32 $0x4600, s31  }
0x11: {  	s12 =	sshrl.u32 s14, $0x3;
	s14 =	sshrl.u32 @!p0 s15, $0x3;
	s15 =	simm.s32 $0x13900  }
.LBB2_1:
0x12: {  	[spmem:s12], [sflag:s6] =	dma.local [hbm:s5], $0x2700  }
0x13: {  	_ =	swait.ge [sflag:s13], $0x2700  }
0x14: {  	[sflag:s13] =	ssyncset.done $0x0  }
0x15: {  	s22 =	simm.s32 @!p0 $0x3;
	[sflag:s13] =	ssyncadd.s32 $0xFFFFD900  }
0x16: {  	[spmem:s14], [sflag:s6] =	dma.local @!p0 [hbm:s5], $0x100  }
0x17: {  	_ =	swait.ge @!p0 [sflag:s22], $0x100  }
0x18: {  	[sflag:s22] =	ssyncset.done @!p0 $0x0  }
0x19: {  	[sflag:s22] =	ssyncadd.s32 @!p0 $0xFFFFFF00  }
0x1a: {  	s30 =	sadd.s32 $0x0, s11;
	[bflag:$0x0] =	sbarrier.arrive $0xFFFF  }
0x1b: {  	[tilespmem:s15], [sflag:$0x2] =	stream.linear.gather [hbm4b:s30+s2], $0x80, $0x38;
	[tilespmem:$0x17A00] =	vst v63  }
0x1c: {  	s31 =	sadd.s32 $0x0, s10  }
0x1d: {  	[tilespmem:s16], [sflag:$0x2] =	stream.linear.gather [hbm4b:s31+s2], $0x80, $0x38;
	[tilespmem:$0x17A00] =	vst v63  }
0x1e: {  	_ =	swait.ge [sflag:s17], $0x80  }
0x1f: {  	[sflag:s17] =	ssyncset.done $0x0  }
0x20: {  	[sflag:s17] =	ssyncadd.s32 $0xFFFFFF80  }
0x21: {  	_ =	swait.ge [sflag:s17], $0x80  }
0x22: {  	[sflag:s17] =	ssyncset.done $0x0  }
0x23: {  	[sflag:s17] =	ssyncadd.s32 $0xFFFFFF80  }
0x24: {  	[tilespmem:s19], [sflag:$0x1] =	stream.indirect.gather [hbm4b:s4+s18], $0x80, s15, s18, $0xb8;
	[tilespmem:$0x17A00] =	vst v63  }
0x25: {  	_ =	swait.ge [sflag:s20], $0x4000  }
0x26: {  	[sflag:s20] =	ssyncset.done $0x0  }
0x27: {  	[sflag:s20] =	ssyncadd.s32 $0xFFFFC000  }
0x28: {  	[spmem:s1] =	stream.indirect.scatter.add.f32 [tilespmem:s19], [sflag:$0x3], $0x80, s16, s18, $0xb8;
	[tilespmem:$0x17A00] =	vst v63  }
0x29: {  	_ =	swait.ge [sflag:s13], $0x4000  }
0x2a: {  	s23 =	simm.s32 $0x20;
	s22 =	simm.s32 $0x10;
	[sflag:s13] =	ssyncset.done $0x0  }
.LBB2_2:
0x2b: {  	s24 =	sadd.s32 s22, s11  }
0x2c: {  	[sflag:s13] =	ssyncadd.s32 $0xFFFFC000;
	s25 =	smov.u32 s23;
	s26 =	sadd.s32 $0x10, s23  }
0x2d: {  	[tilespmem:s15], [sflag:$0x2] =	stream.linear.gather [hbm4b:s24+s2], $0x80, $0x38;
	[tilespmem:$0x17A00] =	vst v63  }
0x2e: {  	p1 =	sne.s32 s23, $0x4E0;
	s23 =	sadd.s32 s22, s10;
	s22 =	smov.u32 s25  }
0x2f: {  	[tilespmem:s16], [sflag:$0x2] =	stream.linear.gather [hbm4b:s23+s2], $0x80, $0x38;
	[tilespmem:$0x17A00] =	vst v63  }
0x30: {  	_ =	swait.ge [sflag:s17], $0x80  }
0x31: {  	[sflag:s17] =	ssyncset.done $0x0  }
0x32: {  	[sflag:s17] =	ssyncadd.s32 $0xFFFFFF80  }
0x33: {  	_ =	swait.ge [sflag:s17], $0x80  }
0x34: {  	[sflag:s17] =	ssyncset.done $0x0  }
0x35: {  	[sflag:s17] =	ssyncadd.s32 $0xFFFFFF80  }
0x36: {  	[tilespmem:s19], [sflag:$0x1] =	stream.indirect.gather [hbm4b:s4+s18], $0x80, s15, s18, $0xb8;
	[tilespmem:$0x17A00] =	vst v63  }
0x37: {  	_ =	swait.ge [sflag:s20], $0x4000  }
.Ltmp0:
0x38: {  	[sflag:s20] =	ssyncset.done $0x0;
	(pc) =	sbr.rel @p1 .LBB2_2-.Ltmp0, $4  }
0x39: {  	[sflag:s20] =	ssyncadd.s32 $0xFFFFC000  }
0x3a: {  	[spmem:s1] =	stream.indirect.scatter.add.f32 [tilespmem:s19], [sflag:$0x3], $0x80, s16, s18, $0xb8;
	[tilespmem:$0x17A00] =	vst v63  }
0x3b: {  	_ =	swait.ge [sflag:s13], $0x4000  }
0x3c: {  	s23 =	smov.u32 s26;
	[sflag:s13] =	ssyncset.done $0x0  }
0x3d: {  	s23 =	sadd.s32 s22, s11;
	[sflag:s13] =	ssyncadd.s32 $0xFFFFC000  }
0x3e: {  	[tilespmem:s15], [sflag:$0x2] =	stream.linear.gather [hbm4b:s23+s2], $0x80, $0x38;
	[tilespmem:$0x17A00] =	vst v63  }
0x3f: {  	s31 =	sadd.s32 s22, s10  }
0x40: {  	[tilespmem:s16], [sflag:$0x2] =	stream.linear.gather [hbm4b:s31+s2], $0x80, $0x38;
	[tilespmem:$0x17A00] =	vst v63  }
0x41: {  	_ =	swait.ge [sflag:s17], $0x80  }
0x42: {  	[sflag:s17] =	ssyncset.done $0x0  }
0x43: {  	[sflag:s17] =	ssyncadd.s32 $0xFFFFFF80  }
0x44: {  	_ =	swait.ge [sflag:s17], $0x80  }
0x45: {  	[sflag:s17] =	ssyncset.done $0x0  }
0x46: {  	[sflag:s17] =	ssyncadd.s32 $0xFFFFFF80  }
0x47: {  	[tilespmem:s19], [sflag:$0x1] =	stream.indirect.gather [hbm4b:s4+s18], $0x80, s15, s18, $0xb8;
	[tilespmem:$0x17A00] =	vst v63  }
0x48: {  	_ =	swait.ge [sflag:s20], $0x4000  }
0x49: {  	[sflag:s20] =	ssyncset.done $0x0  }
0x4a: {  	[sflag:s20] =	ssyncadd.s32 $0xFFFFC000  }
0x4b: {  	[spmem:s1] =	stream.indirect.scatter.add.f32 [tilespmem:s19], [sflag:$0x3], $0x80, s16, s18, $0xb8;
	[tilespmem:$0x17A00] =	vst v63  }
0x4c: {  	_ =	swait.ge [sflag:s13], $0x4000  }
0x4d: {  	[sflag:s13] =	ssyncset.done $0x0  }
0x4e: {  	[sflag:s13] =	ssyncadd.s32 $0xFFFFC000  }
0x4f: {  	[bflag:$0x0] =	sbarrier.arrive $0xFFFF  }
0x50: {  	[hbm:s7], [sflag:s6] =	dma.local [spmem:s12], $0x2700  }
0x51: {  	s21 =	sadd.s32 $0x1, s21;
	_ =	swait.ge [sflag:s13], $0x2700  }
0x52: {  	p1 =	sne.s32 s21, s9;
	[sflag:s13] =	ssyncset.done $0x0  }
.Ltmp1:
0x53: {  	s22 =	simm.s32 @!p0 $0x3;
	[sflag:s13] =	ssyncadd.s32 $0xFFFFD900;
	(pc) =	sbr.rel @p1 .LBB2_1-.Ltmp1, $4  }
0x54: {  	[hbm:s8], [sflag:s6] =	dma.local @!p0 [spmem:s14], $0x100  }
0x55: {  	_ =	swait.ge @!p0 [sflag:s22], $0x100  }
0x56: {  	[sflag:s22] =	ssyncset.done @!p0 $0x0  }
0x57: {  	[sflag:s22] =	ssyncadd.s32 @!p0 $0xFFFFFF00  }
0x58: {  	_ =	sfence.sel $0x180000  }
0x59: {  	[bflag:$0x0] =	sbarrier.arrive $0xFFFF  }
0x5a: {  	p0 =	sne.s32 s3, $0x0;
	_ =	strace $0x90000050  }
0x5b: {  	s0 =	sadd.s32 @!p0 $0x100000, s0;
	[bflag:$0x2] =	sbarrier.arrive $0xFFFF  }
0x5c: {  	[sflag:s0] =	ssyncadd.tile.s32 @!p0 $0x1;
	_ =	shalt  }
.Lfunc_end2:
_tile_overlayer_lowered:
.L_overlay_start_2:
0x5d: {  	(tag) =	ssettag $0x2  }
0x5e: {  	s0 =	rddreg [dreg:$0x0];
	s2 =	stileid.u32  }
0x5f: {  	s1 =	rddreg [dreg:$0x1];
	p0 =	sne.s32 s2, $0x0  }
0x60: {  	s3 =	rddreg [dreg:$0x2];
	[bflag:$0x3] =	sbarrier.arrive $0xFFFF;
	s2 =	simm.s32 @!p0 $0x1C03  }
0x61: {  	[timem:s3], [sflag:s2] =	dma.local @!p0 [hbm:s0], s1  }
0x62: {  	s0 =	simm.s32 @!p0 $0x3  }
0x63: {  	_ =	swait.ge @!p0 [sflag:s0], s1  }
0x64: {  	s1 =	ssub.s32 @!p0 $0x0, s1;
	[sflag:s0] =	ssyncset.done @!p0 $0x0  }
0x65: {  	[sflag:s0] =	ssyncadd.s32 @!p0 s1  }
0x66: {  	[bflag:$0x3] =	sbarrier.arrive $0xFFFF  }
0x67: {  	_ =	shalt  }

// kernel: kernel.29.cloned.1.call-start
scs
__scs_entry_jumppad:
0x0: {  	(pc) =	sbr.rel $0x88, $3  }
0x1: {  	(tag) =	ssettag $0x0;
	lr =	simm.s32 $0x1  }
0x2: {  	[smem:$0x3F91] =	sst lr;
	_ =	strace $0xD0000000  }
0x3: {  	_ = 	snop  }
0x4: {  	_ = 	snop  }
0x5: {  	_ = 	snop  }
0x6: {  	_ = 	snop  }
0x7: {  	_ = 	snop  }
__scs_overlays_trampoline_lowered:
0x8: {  	[smem:$0x3FA0] =	sst s0  }
0x9: {  	[smem:$0x3FA1] =	sst s1  }
0xa: {  	[smem:$0x3FA2] =	sst s2  }
0xb: {  	[smem:$0x3FA3] =	sst s3  }
0xc: {  	[smem:$0x3FA4] =	sst s4  }
0xd: {  	[smem:$0x3FA5] =	sst s5  }
0xe: {  	[smem:$0x3FA6] =	sst s6  }
0xf: {  	[smem:$0x3FA7] =	sst s7  }
0x10: {  	[smem:$0x3FA8] =	sst s8  }
0x11: {  	[smem:$0x3FA9] =	sst s9;
	s0 =	simm.s32 @!p0 $0x0  }
0x12: {  	s1 =	sld [smem:$0x3F8F];
	s0 =	simm.s32 @p0 $0x1  }
0x13: {  	[smem:$0x3FAA] =	sst s0;
	s0 =	simm.s32 @!p1 $0x0  }
0x14: {  	s2 =	sld [smem:$0x3F8E];
	s0 =	simm.s32 @p1 $0x1  }
0x15: {  	[smem:$0x3FAB] =	sst s0;
	s0 =	simm.s32 @!p2 $0x0  }
0x16: {  	s3 =	sld [smem:$0x3FDB];
	s0 =	simm.s32 @p2 $0x1  }
0x17: {  	s4 =	simm.s32 $0x1BF5;
	[smem:$0x3FAD] =	sst s0  }
0x18: {  	s0 =	sld [smem:$0x3F90];
	_ =	swait.ge [sflag:s4], $0x0  }
0x19: {  	s7 =	sld [smem:$0x3F91]  }
0x1a: {  	s8 =	sadd.s32 $0xFFFFE003, lr  }
0x1b: {  	s9 =	sadd.s32 $0xFFFFFEF7, lr;
	s5 =	simm.s32 $0xFFFFFFFF;
	p2 =	slt.u32 s8, $0xFFFFF086  }
0x1c: {  	p1 =	slt.u32 s9, $0xF7A;
	s5 =	simm.s32 @!p2 $0x0  }
0x1d: {  	s5 =	simm.s32 @p1 $0x1;
	p0 =	seq.s32 s7, s2  }
0x1e: {  	s7 =	smul.u32 @!p0 $0xF7A, s2;
	p2 =	seq.s32 @!p0 s5, $0x0  }
0x1f: {  	s9 =	smul.u32 $0xF7A, s1;
	s8 =	simm.s32 @!p0 $0x1BF5;
	p2 =	por !p2, p0  }
0x20: {  	[sflag:s8] =	ssyncset.s32 @!p0 $0xFFFFF086;
	s6 =	sadd.s32 @!p0 s3, s7;
	s7 =	simm.s32 @!p0 $0x108  }
0x21: {  	s3 =	sadd.s32 s3, s9;
	s6 =	sadd.s32 @!p0 $0x88, s6;
	s7 =	simm.s32 @p2 $0x1082  }
0x22: {  	[simem:s7], [sflag:s8] =	dma.local @!p0 [hbm:s6], $0xF7A  }
0x23: {  	s9 =	sor.u32 $0xD0000000, s2;
	s6 =	simm.s32 $0x108;
	_ =	swait.ge @!p0 [sflag:s8], $0x0  }
0x24: {  	s3 =	sadd.s32 $0x88, s3;
	s6 =	simm.s32 @!p1 $0x1082;
	[sflag:s4] =	ssyncset.s32 $0xFFFFF086  }
0x25: {  	[simem:s6], [sflag:s4] =	dma.local [hbm:s3], $0xF7A  }
0x26: {  	[smem:$0x3F91] =	sst s1;
	(tag) =	ssettag s2;
	_ =	strace s9  }
0x27: {  	s1 =	sld [smem:$0x3FA1]  }
0x28: {  	s2 =	sld [smem:$0x3FA2]  }
0x29: {  	s4 =	sld [smem:$0x3FA4]  }
0x2a: {  	p0 =	seq.s32 s5, $0x0;
	s5 =	sld [smem:$0x3FA5]  }
0x2b: {  	s6 =	sld [smem:$0x3FA6]  }
0x2c: {  	s7 =	sld [smem:$0x3FA7]  }
0x2d: {  	s3 =	simm.s32 $0x108;
	s8 =	sld [smem:$0x3FA8]  }
0x2e: {  	s3 =	simm.s32 @!p0 $0x1082;
	s9 =	sld [smem:$0x3FA9]  }
0x2f: {  	lr =	sadd.s32 s0, s3;
	s0 =	sld [smem:$0x3FA0]  }
0x30: {  	s3 =	sld [smem:$0x3FA3]  }
0x31: {  	[smem:$0x3FAC] =	sst s10  }
0x32: {  	s10 =	sld [smem:$0x3FAA];
	_ =	sdelay $0x3  }
0x33: {  	p0 =	seq.s32 s10, $0x1;
	s10 =	sld [smem:$0x3FAC];
	_ =	sdelay $0x3  }
0x34: {  	[smem:$0x3FAC] =	sst s10  }
0x35: {  	s10 =	sld [smem:$0x3FAB];
	_ =	sdelay $0x3  }
0x36: {  	p1 =	seq.s32 s10, $0x1;
	s10 =	sld [smem:$0x3FAC];
	_ =	sdelay $0x3  }
0x37: {  	[smem:$0x3FAC] =	sst s10  }
0x38: {  	s10 =	sld [smem:$0x3FAD]  }
0x39: {  	_ = 	snop;
	(pc) =	sbr.ind lr, $3  }
0x3a: {  	_ = 	snop  }
0x3b: {  	_ = 	snop  }
0x3c: {  	p2 =	seq.s32 s10, $0x1;
	s10 =	sld [smem:$0x3FAC]  }
0x3d: {  	_ =	shalt  }
0x3e: {  	_ =	shalt  }
0x3f: {  	_ =	shalt  }
0x40: {  	_ =	shalt  }
0x41: {  	_ =	shalt  }
0x42: {  	_ =	shalt  }
0x43: {  	_ =	shalt  }
0x44: {  	_ =	shalt  }
0x45: {  	_ =	shalt  }
0x46: {  	_ =	shalt  }
0x47: {  	_ =	shalt  }
0x48: {  	_ =	shalt  }
0x49: {  	_ =	shalt  }
0x4a: {  	_ =	shalt  }
0x4b: {  	_ =	shalt  }
0x4c: {  	_ =	shalt  }
0x4d: {  	_ =	shalt  }
0x4e: {  	_ =	shalt  }
0x4f: {  	_ =	shalt  }
0x50: {  	_ =	shalt  }
0x51: {  	_ =	shalt  }
0x52: {  	_ =	shalt  }
0x53: {  	_ =	shalt  }
0x54: {  	_ =	shalt  }
0x55: {  	_ =	shalt  }
0x56: {  	_ =	shalt  }
0x57: {  	_ =	shalt  }
0x58: {  	_ =	shalt  }
0x59: {  	_ =	shalt  }
0x5a: {  	_ =	shalt  }
0x5b: {  	_ =	shalt  }
0x5c: {  	_ =	shalt  }
0x5d: {  	_ =	shalt  }
0x5e: {  	_ =	shalt  }
0x5f: {  	_ =	shalt  }
0x60: {  	_ =	shalt  }
0x61: {  	_ =	shalt  }
0x62: {  	_ =	shalt  }
0x63: {  	_ =	shalt  }
0x64: {  	_ =	shalt  }
0x65: {  	_ =	shalt  }
0x66: {  	_ =	shalt  }
0x67: {  	_ =	shalt  }
0x68: {  	_ =	shalt  }
0x69: {  	_ =	shalt  }
0x6a: {  	_ =	shalt  }
0x6b: {  	_ =	shalt  }
0x6c: {  	_ =	shalt  }
0x6d: {  	_ =	shalt  }
0x6e: {  	_ =	shalt  }
0x6f: {  	_ =	shalt  }
0x70: {  	_ =	shalt  }
0x71: {  	_ =	shalt  }
0x72: {  	_ =	shalt  }
0x73: {  	_ =	shalt  }
0x74: {  	_ =	shalt  }
0x75: {  	_ =	shalt  }
0x76: {  	_ =	shalt  }
0x77: {  	_ =	shalt  }
0x78: {  	_ =	shalt  }
0x79: {  	_ =	shalt  }
0x7a: {  	_ =	shalt  }
0x7b: {  	_ =	shalt  }
0x7c: {  	_ =	shalt  }
0x7d: {  	_ =	shalt  }
0x7e: {  	_ =	shalt  }
0x7f: {  	_ =	shalt  }
0x80: {  	_ =	shalt  }
0x81: {  	_ =	shalt  }
0x82: {  	_ =	shalt  }
0x83: {  	_ =	shalt  }
0x84: {  	_ =	shalt  }
0x85: {  	_ =	shalt  }
0x86: {  	_ =	shalt  }
0x87: {  	_ =	shalt  }
.Lfunc_end0:
.L_simem_size_0:
called_computation.4_lowered:
.L_overlay_start_0:
0x88: {  	s2 =	sld [smem:$0x3FD9]  }
0x89: {  	s3 =	sld [smem:$0x3FFE];
	_ =	sdelay $0x1  }
0x8a: {  	s1 =	srdreg.scid  }
0x8b: {  	s0 =	sand.u32 $0x1, s1  }
0x8c: {  	s16 =	sshll.u32 s0, $0xA;
	s2 =	sadd.s32 s3, s2  }
0x8d: {  	s2 =	sadd.s32 s2, s16  }
0x8e: {  	[smem:$0x3FB8] =	sst s2  }
0x8f: {  	_ = 	snop  }
0x90: {  	(tm) =	ssettm $0x1  }
0x91: {  	s17 =	sld [smem:$0x3FFB];
	_ =	sdelay $0x3  }
0x92: {  	_ =	strace s17  }
0x93: {  	s2 =	sld [smem:$0x3FFC];
	_ =	sdelay $0x3  }
0x94: {  	_ =	strace s2  }
0x95: {  	s2 =	sld [smem:$0x3FFD];
	_ =	sdelay $0x3  }
0x96: {  	_ =	strace s2  }
0x97: {  	_ =	strace $0x8FFFFFFF  }
0x98: {  	s18 =	sld [smem:$0x3FDB];
	_ =	sdelay $0x1  }
0x99: {  	s19 =	simm.s32 $_scs_section_size  }
0x9a: {  	s4 =	simm.s32 $_size__tile_overlayer_lowered;
	s5 =	simm.s32 $_tile_overlayer_lowered  }
0x9b: {  	s22 =	simm.s32 $0x1BFF;
	s21 =	sshll.u32 s5, $0x1;
	s2 =	sadd.s32 s19, s18  }
0x9c: {  	s6 =	simm.s32 $0x0;
	s20 =	sshll.u32 s4, $0x1;
	s4 =	sadd.s32 s21, s2  }
0x9d: {  	[timem:s6], [sflag:s22] =	dma.local [hbm:s4], s20  }
0x9e: {  	_ =	swait.ge [sflag:s22], s20  }
0x9f: {  	s3 =	ssub.s32 $0x0, s20;
	[sflag:s22] =	ssyncset.done $0x0  }
0xa0: {  	[sflag:s22] =	ssyncadd.s32 s3;
	_ =	sdelay $0x1  }
0xa1: {  	s23 =	simm.s32 $0x1B8B  }
0xa2: {  	_ =	swait.ge [sflag:s23], $0x1  }
0xa3: {  	[sflag:s23] =	ssyncset.done $0x0  }
0xa4: {  	s25 =	simm.s32 $0x1B8E;
	s24 =	sld [smem:$0x3FFE];
	[sflag:s23] =	ssyncadd.s32 $0xFFFFFFFF  }
0xa5: {  	s26 =	simm.s32 $execute0_lowered;
	[smem:$0x3FD2] =	sst s25  }
0xa6: {  	s4 =	sshll.u32 s26, $0x1;
	_ =	strace $0x80000052;
	[dreg:$0x1] =	wrdreg $0xFFFFFFFF  }
0xa7: {  	s28 =	simm.s32 $_size_execute0_lowered;
	s2 =	sadd.s32 s2, s4;
	[dreg:$0x0] =	wrdreg $0x0  }
0xa8: {  	s4 =	sshll.u32 s28, $0x1;
	[dreg:$0x2] =	wrdreg s2  }
0xa9: {  	[dreg:$0x3] =	wrdreg s4  }
0xaa: {  	[dreg:$0x4] =	wrdreg $0xC0  }
0xab: {  	_ =	task [dreg:s6], $0x5FFFF  }
0xac: {  	[dreg:$0x1] =	wrdreg $0xFFFFFFFF  }
0xad: {  	[dreg:$0x0] =	wrdreg $0x60  }
0xae: {  	[dreg:$0x2] =	wrdreg s24  }
0xaf: {  	[dreg:$0x3] =	wrdreg $0x0  }
0xb0: {  	[dreg:$0x4] =	wrdreg $0x9  }
0xb1: {  	_ =	task.clear_ibuf [dreg:s6], $0x5FFFF;
	_ =	strace $0x90000052  }
0xb2: {  	s29 =	simm.s32 $0x9;
	_ =	strace $0x80000054  }
0xb3: {  	_ =	swait.ge [sflag:s29], $0x1  }
0xb4: {  	[sflag:s29] =	ssyncadd.s32 $0xFFFFFFFF  }
0xb5: {  	_ =	strace $0x90000054  }
0xb6: {  	_ =	sfence  }
0xb7: {  	s30 =	sld [smem:$0x0];
	_ =	sdelay $0x2  }
0xb8: {  	s31 =	sshll.u32 s1, $0xD;
	s1 =	sshrl.u32 s1, $0x2  }
0xb9: {  	s3 =	sand.u32 $0x4000, s31;
	s1 =	sadd.s32 s1, s30  }
0xba: {  	s0 =	sor.u32 s3, s0;
	s1 =	sshll.u32 s1, $0x11  }
0xbb: {  	s0 =	sor.u32 s1, s0  }
0xbc: {  	s0 =	sadd.s32 $0x8F2B, s0  }
0xbd: {  	[sflag:s0] =	ssyncadd.remote.s32 $0x1  }
0xbe: {  	_ =	sfence.sel $0xFFFF  }
0xbf: {  	[dreg:$0x0] =	wrdreg $0xFFFFFFFF;
	(pc) =	sbr.abs _section_cstart, $3  }
0xc0: {  	[dreg:$0x1] =	wrdreg $0xFFFFFFFF  }
0xc1: {  	_ =	task.clear_ibuf [dreg:s6], $0x2FFFF;
	_ =	strace $0x9FFFFFFF  }
0xc2: {  	(tm) =	ssettm $0x7FFFFFFF  }
0xc3: {  	_ =	shalt  }
tec
execute0_lowered:
.L_overlay_start_1:
0x0: {  	(tag) =	ssettag $0x1  }
0x1: {  	s6 =	rddreg [dreg:$0x0]  }
0x2: {  	s1 =	rddreg [dreg:$0x1]  }
0x3: {  	s3 =	srdreg.scid;
	s0 =	rddreg [dreg:$0x2];
	s2 =	simm.s32 $0x0  }
0x4: {  	s16 =	simm.s32 $0x13980;
	s17 =	simm.s32 $0x2;
	s7 =	sand.u32 $0x1, s3  }
0x5: {  	s18 =	simm.s32 $0x80;
	s3 =	stileid.u32;
	s5 =	smul.u32 $0x4F00, s7  }
0x6: {  	s19 =	simm.s32 $0x13A00;
	s20 =	simm.s32 $0x1;
	s10 =	smul.u32 $0x2700, s3  }
0x7: {  	s21 =	simm.s32 $0x0;
	[smem:$0x7FF] =	sst s2;
	s12 =	smul.u32 $0x4E000, s3  }
0x8: {  	s4 =	sadd.s32 $0x18200, s6;
	s13 =	sadd.s32 $0x41C00, s6;
	s24 =	smul.u32 $0x27100, s7  }
0x9: {  	s15 =	sadd.s32 $0x138000, s1;
	s9 =	ssub.s32 $0x2, s7;
	s7 =	smul.u32 $0x138800, s7  }
0xa: {  	_ =	strace $0x80000053;
	s26 =	sshll.u32 s3, $0x6;
	s28 =	smul.u32 $0x4F0, s3  }
0xb: {  	p0 =	sne.s32 s3, $0xF;
	s11 =	sshrl.u32 s9, $0x1;
	s8 =	sadd.s32 s5, s6  }
0xc: {  	s5 =	sadd.s32 $0x3F400, s6;
	s9 =	ssub.s32 s9, s11;
	s25 =	sshrl.u32 s12, $0x2  }
0xd: {  	s6 =	sor.u32 $0x1C03, s26;
	s10 =	sadd.s32 s10, s24;
	s29 =	sshrl.u32 s7, $0x3  }
0xe: {  	s14 =	sadd.s32 s25, s1;
	s7 =	sadd.s32 s13, s10;
	s30 =	sadd.s32 s13, s29  }
0xf: {  	s31 =	sadd.s32 s28, s8;
	s9 =	smax.u32 s9, $0x1;
	s13 =	simm.s32 $0x3  }
0x10: {  	s8 =	sadd.s32 $0x27000, s30;
	s10 =	sadd.s32 $0xE400, s31;
	s11 =	sadd.s32 $0x4600, s31  }
0x11: {  	s12 =	sshrl.u32 s14, $0x3;
	s14 =	sshrl.u32 @!p0 s15, $0x3;
	s15 =	simm.s32 $0x13900  }
.LBB2_1:
0x12: {  	[spmem:s12], [sflag:s6] =	dma.local [hbm:s5], $0x2700  }
0x13: {  	_ =	swait.ge [sflag:s13], $0x2700  }
0x14: {  	[sflag:s13] =	ssyncset.done $0x0  }
0x15: {  	s22 =	simm.s32 @!p0 $0x3;
	[sflag:s13] =	ssyncadd.s32 $0xFFFFD900  }
0x16: {  	[spmem:s14], [sflag:s6] =	dma.local @!p0 [hbm:s5], $0x100  }
0x17: {  	_ =	swait.ge @!p0 [sflag:s22], $0x100  }
0x18: {  	[sflag:s22] =	ssyncset.done @!p0 $0x0  }
0x19: {  	[sflag:s22] =	ssyncadd.s32 @!p0 $0xFFFFFF00  }
0x1a: {  	s30 =	sadd.s32 $0x0, s11;
	[bflag:$0x0] =	sbarrier.arrive $0xFFFF  }
0x1b: {  	[tilespmem:s15], [sflag:$0x2] =	stream.linear.gather [hbm4b:s30+s2], $0x80, $0x38;
	[tilespmem:$0x17A00] =	vst v63  }
0x1c: {  	s31 =	sadd.s32 $0x0, s10  }
0x1d: {  	[tilespmem:s16], [sflag:$0x2] =	stream.linear.gather [hbm4b:s31+s2], $0x80, $0x38;
	[tilespmem:$0x17A00] =	vst v63  }
0x1e: {  	_ =	swait.ge [sflag:s17], $0x80  }
0x1f: {  	[sflag:s17] =	ssyncset.done $0x0  }
0x20: {  	[sflag:s17] =	ssyncadd.s32 $0xFFFFFF80  }
0x21: {  	_ =	swait.ge [sflag:s17], $0x80  }
0x22: {  	[sflag:s17] =	ssyncset.done $0x0  }
0x23: {  	[sflag:s17] =	ssyncadd.s32 $0xFFFFFF80  }
0x24: {  	[tilespmem:s19], [sflag:$0x1] =	stream.indirect.gather [hbm4b:s4+s18], $0x80, s15, s18, $0xb8;
	[tilespmem:$0x17A00] =	vst v63  }
0x25: {  	_ =	swait.ge [sflag:s20], $0x4000  }
0x26: {  	[sflag:s20] =	ssyncset.done $0x0  }
0x27: {  	[sflag:s20] =	ssyncadd.s32 $0xFFFFC000  }
0x28: {  	[spmem:s1] =	stream.indirect.scatter.add.f32 [tilespmem:s19], [sflag:$0x3], $0x80, s16, s18, $0xb8;
	[tilespmem:$0x17A00] =	vst v63  }
0x29: {  	_ =	swait.ge [sflag:s13], $0x4000  }
0x2a: {  	s23 =	simm.s32 $0x20;
	s22 =	simm.s32 $0x10;
	[sflag:s13] =	ssyncset.done $0x0  }
.LBB2_2:
0x2b: {  	s24 =	sadd.s32 s22, s11  }
0x2c: {  	[sflag:s13] =	ssyncadd.s32 $0xFFFFC000;
	s25 =	smov.u32 s23;
	s26 =	sadd.s32 $0x10, s23  }
0x2d: {  	[tilespmem:s15], [sflag:$0x2] =	stream.linear.gather [hbm4b:s24+s2], $0x80, $0x38;
	[tilespmem:$0x17A00] =	vst v63  }
0x2e: {  	p1 =	sne.s32 s23, $0x4E0;
	s23 =	sadd.s32 s22, s10;
	s22 =	smov.u32 s25  }
0x2f: {  	[tilespmem:s16], [sflag:$0x2] =	stream.linear.gather [hbm4b:s23+s2], $0x80, $0x38;
	[tilespmem:$0x17A00] =	vst v63  }
0x30: {  	_ =	swait.ge [sflag:s17], $0x80  }
0x31: {  	[sflag:s17] =	ssyncset.done $0x0  }
0x32: {  	[sflag:s17] =	ssyncadd.s32 $0xFFFFFF80  }
0x33: {  	_ =	swait.ge [sflag:s17], $0x80  }
0x34: {  	[sflag:s17] =	ssyncset.done $0x0  }
0x35: {  	[sflag:s17] =	ssyncadd.s32 $0xFFFFFF80  }
0x36: {  	[tilespmem:s19], [sflag:$0x1] =	stream.indirect.gather [hbm4b:s4+s18], $0x80, s15, s18, $0xb8;
	[tilespmem:$0x17A00] =	vst v63  }
0x37: {  	_ =	swait.ge [sflag:s20], $0x4000  }
.Ltmp0:
0x38: {  	[sflag:s20] =	ssyncset.done $0x0;
	(pc) =	sbr.rel @p1 .LBB2_2-.Ltmp0, $4  }
0x39: {  	[sflag:s20] =	ssyncadd.s32 $0xFFFFC000  }
0x3a: {  	[spmem:s1] =	stream.indirect.scatter.add.f32 [tilespmem:s19], [sflag:$0x3], $0x80, s16, s18, $0xb8;
	[tilespmem:$0x17A00] =	vst v63  }
0x3b: {  	_ =	swait.ge [sflag:s13], $0x4000  }
0x3c: {  	s23 =	smov.u32 s26;
	[sflag:s13] =	ssyncset.done $0x0  }
0x3d: {  	s23 =	sadd.s32 s22, s11;
	[sflag:s13] =	ssyncadd.s32 $0xFFFFC000  }
0x3e: {  	[tilespmem:s15], [sflag:$0x2] =	stream.linear.gather [hbm4b:s23+s2], $0x80, $0x38;
	[tilespmem:$0x17A00] =	vst v63  }
0x3f: {  	s31 =	sadd.s32 s22, s10  }
0x40: {  	[tilespmem:s16], [sflag:$0x2] =	stream.linear.gather [hbm4b:s31+s2], $0x80, $0x38;
	[tilespmem:$0x17A00] =	vst v63  }
0x41: {  	_ =	swait.ge [sflag:s17], $0x80  }
0x42: {  	[sflag:s17] =	ssyncset.done $0x0  }
0x43: {  	[sflag:s17] =	ssyncadd.s32 $0xFFFFFF80  }
0x44: {  	_ =	swait.ge [sflag:s17], $0x80  }
0x45: {  	[sflag:s17] =	ssyncset.done $0x0  }
0x46: {  	[sflag:s17] =	ssyncadd.s32 $0xFFFFFF80  }
0x47: {  	[tilespmem:s19], [sflag:$0x1] =	stream.indirect.gather [hbm4b:s4+s18], $0x80, s15, s18, $0xb8;
	[tilespmem:$0x17A00] =	vst v63  }
0x48: {  	_ =	swait.ge [sflag:s20], $0x4000  }
0x49: {  	[sflag:s20] =	ssyncset.done $0x0  }
0x4a: {  	[sflag:s20] =	ssyncadd.s32 $0xFFFFC000  }
0x4b: {  	[spmem:s1] =	stream.indirect.scatter.add.f32 [tilespmem:s19], [sflag:$0x3], $0x80, s16, s18, $0xb8;
	[tilespmem:$0x17A00] =	vst v63  }
0x4c: {  	_ =	swait.ge [sflag:s13], $0x4000  }
0x4d: {  	[sflag:s13] =	ssyncset.done $0x0  }
0x4e: {  	[sflag:s13] =	ssyncadd.s32 $0xFFFFC000  }
0x4f: {  	[bflag:$0x0] =	sbarrier.arrive $0xFFFF  }
0x50: {  	[hbm:s7], [sflag:s6] =	dma.local [spmem:s12], $0x2700  }
0x51: {  	s21 =	sadd.s32 $0x1, s21;
	_ =	swait.ge [sflag:s13], $0x2700  }
0x52: {  	p1 =	sne.s32 s21, s9;
	[sflag:s13] =	ssyncset.done $0x0  }
.Ltmp1:
0x53: {  	s22 =	simm.s32 @!p0 $0x3;
	[sflag:s13] =	ssyncadd.s32 $0xFFFFD900;
	(pc) =	sbr.rel @p1 .LBB2_1-.Ltmp1, $4  }
0x54: {  	[hbm:s8], [sflag:s6] =	dma.local @!p0 [spmem:s14], $0x100  }
0x55: {  	_ =	swait.ge @!p0 [sflag:s22], $0x100  }
0x56: {  	[sflag:s22] =	ssyncset.done @!p0 $0x0  }
0x57: {  	[sflag:s22] =	ssyncadd.s32 @!p0 $0xFFFFFF00  }
0x58: {  	_ =	sfence.sel $0x180000  }
0x59: {  	[bflag:$0x0] =	sbarrier.arrive $0xFFFF  }
0x5a: {  	p0 =	sne.s32 s3, $0x0;
	_ =	strace $0x90000053  }
0x5b: {  	s0 =	sadd.s32 @!p0 $0x100000, s0;
	[bflag:$0x2] =	sbarrier.arrive $0xFFFF  }
0x5c: {  	[sflag:s0] =	ssyncadd.tile.s32 @!p0 $0x1;
	_ =	shalt  }
.Lfunc_end2:
_tile_overlayer_lowered:
.L_overlay_start_2:
0x5d: {  	(tag) =	ssettag $0x2  }
0x5e: {  	s0 =	rddreg [dreg:$0x0];
	s2 =	stileid.u32  }
0x5f: {  	s1 =	rddreg [dreg:$0x1];
	p0 =	sne.s32 s2, $0x0  }
0x60: {  	s3 =	rddreg [dreg:$0x2];
	[bflag:$0x3] =	sbarrier.arrive $0xFFFF;
	s2 =	simm.s32 @!p0 $0x1C03  }
0x61: {  	[timem:s3], [sflag:s2] =	dma.local @!p0 [hbm:s0], s1  }
0x62: {  	s0 =	simm.s32 @!p0 $0x3  }
0x63: {  	_ =	swait.ge @!p0 [sflag:s0], s1  }
0x64: {  	s1 =	ssub.s32 @!p0 $0x0, s1;
	[sflag:s0] =	ssyncset.done @!p0 $0x0  }
0x65: {  	[sflag:s0] =	ssyncadd.s32 @!p0 s1  }
0x66: {  	[bflag:$0x3] =	sbarrier.arrive $0xFFFF  }
0x67: {  	_ =	shalt  }

// kernel: kernel.32.cloned.1.call-start
scs
__scs_entry_jumppad:
0x0: {  	(pc) =	sbr.rel $0x88, $3  }
0x1: {  	(tag) =	ssettag $0x0;
	lr =	simm.s32 $0x1  }
0x2: {  	[smem:$0x3F91] =	sst lr;
	_ =	strace $0xD0000000  }
0x3: {  	_ = 	snop  }
0x4: {  	_ = 	snop  }
0x5: {  	_ = 	snop  }
0x6: {  	_ = 	snop  }
0x7: {  	_ = 	snop  }
__scs_overlays_trampoline_lowered:
0x8: {  	[smem:$0x3FA0] =	sst s0  }
0x9: {  	[smem:$0x3FA1] =	sst s1  }
0xa: {  	[smem:$0x3FA2] =	sst s2  }
0xb: {  	[smem:$0x3FA3] =	sst s3  }
0xc: {  	[smem:$0x3FA4] =	sst s4  }
0xd: {  	[smem:$0x3FA5] =	sst s5  }
0xe: {  	[smem:$0x3FA6] =	sst s6  }
0xf: {  	[smem:$0x3FA7] =	sst s7  }
0x10: {  	[smem:$0x3FA8] =	sst s8  }
0x11: {  	[smem:$0x3FA9] =	sst s9;
	s0 =	simm.s32 @!p0 $0x0  }
0x12: {  	s1 =	sld [smem:$0x3F8F];
	s0 =	simm.s32 @p0 $0x1  }
0x13: {  	[smem:$0x3FAA] =	sst s0;
	s0 =	simm.s32 @!p1 $0x0  }
0x14: {  	s2 =	sld [smem:$0x3F8E];
	s0 =	simm.s32 @p1 $0x1  }
0x15: {  	[smem:$0x3FAB] =	sst s0;
	s0 =	simm.s32 @!p2 $0x0  }
0x16: {  	s3 =	sld [smem:$0x3FDB];
	s0 =	simm.s32 @p2 $0x1  }
0x17: {  	s4 =	simm.s32 $0x1BF5;
	[smem:$0x3FAD] =	sst s0  }
0x18: {  	s0 =	sld [smem:$0x3F90];
	_ =	swait.ge [sflag:s4], $0x0  }
0x19: {  	s7 =	sld [smem:$0x3F91]  }
0x1a: {  	s8 =	sadd.s32 $0xFFFFE003, lr  }
0x1b: {  	s9 =	sadd.s32 $0xFFFFFEF7, lr;
	s5 =	simm.s32 $0xFFFFFFFF;
	p2 =	slt.u32 s8, $0xFFFFF086  }
0x1c: {  	p1 =	slt.u32 s9, $0xF7A;
	s5 =	simm.s32 @!p2 $0x0  }
0x1d: {  	s5 =	simm.s32 @p1 $0x1;
	p0 =	seq.s32 s7, s2  }
0x1e: {  	s7 =	smul.u32 @!p0 $0xF7A, s2;
	p2 =	seq.s32 @!p0 s5, $0x0  }
0x1f: {  	s9 =	smul.u32 $0xF7A, s1;
	s8 =	simm.s32 @!p0 $0x1BF5;
	p2 =	por !p2, p0  }
0x20: {  	[sflag:s8] =	ssyncset.s32 @!p0 $0xFFFFF086;
	s6 =	sadd.s32 @!p0 s3, s7;
	s7 =	simm.s32 @!p0 $0x108  }
0x21: {  	s3 =	sadd.s32 s3, s9;
	s6 =	sadd.s32 @!p0 $0x88, s6;
	s7 =	simm.s32 @p2 $0x1082  }
0x22: {  	[simem:s7], [sflag:s8] =	dma.local @!p0 [hbm:s6], $0xF7A  }
0x23: {  	s9 =	sor.u32 $0xD0000000, s2;
	s6 =	simm.s32 $0x108;
	_ =	swait.ge @!p0 [sflag:s8], $0x0  }
0x24: {  	s3 =	sadd.s32 $0x88, s3;
	s6 =	simm.s32 @!p1 $0x1082;
	[sflag:s4] =	ssyncset.s32 $0xFFFFF086  }
0x25: {  	[simem:s6], [sflag:s4] =	dma.local [hbm:s3], $0xF7A  }
0x26: {  	[smem:$0x3F91] =	sst s1;
	(tag) =	ssettag s2;
	_ =	strace s9  }
0x27: {  	s1 =	sld [smem:$0x3FA1]  }
0x28: {  	s2 =	sld [smem:$0x3FA2]  }
0x29: {  	s4 =	sld [smem:$0x3FA4]  }
0x2a: {  	p0 =	seq.s32 s5, $0x0;
	s5 =	sld [smem:$0x3FA5]  }
0x2b: {  	s6 =	sld [smem:$0x3FA6]  }
0x2c: {  	s7 =	sld [smem:$0x3FA7]  }
0x2d: {  	s3 =	simm.s32 $0x108;
	s8 =	sld [smem:$0x3FA8]  }
0x2e: {  	s3 =	simm.s32 @!p0 $0x1082;
	s9 =	sld [smem:$0x3FA9]  }
0x2f: {  	lr =	sadd.s32 s0, s3;
	s0 =	sld [smem:$0x3FA0]  }
0x30: {  	s3 =	sld [smem:$0x3FA3]  }
0x31: {  	[smem:$0x3FAC] =	sst s10  }
0x32: {  	s10 =	sld [smem:$0x3FAA];
	_ =	sdelay $0x3  }
0x33: {  	p0 =	seq.s32 s10, $0x1;
	s10 =	sld [smem:$0x3FAC];
	_ =	sdelay $0x3  }
0x34: {  	[smem:$0x3FAC] =	sst s10  }
0x35: {  	s10 =	sld [smem:$0x3FAB];
	_ =	sdelay $0x3  }
0x36: {  	p1 =	seq.s32 s10, $0x1;
	s10 =	sld [smem:$0x3FAC];
	_ =	sdelay $0x3  }
0x37: {  	[smem:$0x3FAC] =	sst s10  }
0x38: {  	s10 =	sld [smem:$0x3FAD]  }
0x39: {  	_ = 	snop;
	(pc) =	sbr.ind lr, $3  }
0x3a: {  	_ = 	snop  }
0x3b: {  	_ = 	snop  }
0x3c: {  	p2 =	seq.s32 s10, $0x1;
	s10 =	sld [smem:$0x3FAC]  }
0x3d: {  	_ =	shalt  }
0x3e: {  	_ =	shalt  }
0x3f: {  	_ =	shalt  }
0x40: {  	_ =	shalt  }
0x41: {  	_ =	shalt  }
0x42: {  	_ =	shalt  }
0x43: {  	_ =	shalt  }
0x44: {  	_ =	shalt  }
0x45: {  	_ =	shalt  }
0x46: {  	_ =	shalt  }
0x47: {  	_ =	shalt  }
0x48: {  	_ =	shalt  }
0x49: {  	_ =	shalt  }
0x4a: {  	_ =	shalt  }
0x4b: {  	_ =	shalt  }
0x4c: {  	_ =	shalt  }
0x4d: {  	_ =	shalt  }
0x4e: {  	_ =	shalt  }
0x4f: {  	_ =	shalt  }
0x50: {  	_ =	shalt  }
0x51: {  	_ =	shalt  }
0x52: {  	_ =	shalt  }
0x53: {  	_ =	shalt  }
0x54: {  	_ =	shalt  }
0x55: {  	_ =	shalt  }
0x56: {  	_ =	shalt  }
0x57: {  	_ =	shalt  }
0x58: {  	_ =	shalt  }
0x59: {  	_ =	shalt  }
0x5a: {  	_ =	shalt  }
0x5b: {  	_ =	shalt  }
0x5c: {  	_ =	shalt  }
0x5d: {  	_ =	shalt  }
0x5e: {  	_ =	shalt  }
0x5f: {  	_ =	shalt  }
0x60: {  	_ =	shalt  }
0x61: {  	_ =	shalt  }
0x62: {  	_ =	shalt  }
0x63: {  	_ =	shalt  }
0x64: {  	_ =	shalt  }
0x65: {  	_ =	shalt  }
0x66: {  	_ =	shalt  }
0x67: {  	_ =	shalt  }
0x68: {  	_ =	shalt  }
0x69: {  	_ =	shalt  }
0x6a: {  	_ =	shalt  }
0x6b: {  	_ =	shalt  }
0x6c: {  	_ =	shalt  }
0x6d: {  	_ =	shalt  }
0x6e: {  	_ =	shalt  }
0x6f: {  	_ =	shalt  }
0x70: {  	_ =	shalt  }
0x71: {  	_ =	shalt  }
0x72: {  	_ =	shalt  }
0x73: {  	_ =	shalt  }
0x74: {  	_ =	shalt  }
0x75: {  	_ =	shalt  }
0x76: {  	_ =	shalt  }
0x77: {  	_ =	shalt  }
0x78: {  	_ =	shalt  }
0x79: {  	_ =	shalt  }
0x7a: {  	_ =	shalt  }
0x7b: {  	_ =	shalt  }
0x7c: {  	_ =	shalt  }
0x7d: {  	_ =	shalt  }
0x7e: {  	_ =	shalt  }
0x7f: {  	_ =	shalt  }
0x80: {  	_ =	shalt  }
0x81: {  	_ =	shalt  }
0x82: {  	_ =	shalt  }
0x83: {  	_ =	shalt  }
0x84: {  	_ =	shalt  }
0x85: {  	_ =	shalt  }
0x86: {  	_ =	shalt  }
0x87: {  	_ =	shalt  }
.Lfunc_end0:
.L_simem_size_0:
called_computation.5_lowered:
.L_overlay_start_0:
0x88: {  	s2 =	sld [smem:$0x3FD9]  }
0x89: {  	s3 =	sld [smem:$0x3FFE];
	_ =	sdelay $0x1  }
0x8a: {  	s1 =	srdreg.scid  }
0x8b: {  	s0 =	sand.u32 $0x1, s1  }
0x8c: {  	s16 =	sshll.u32 s0, $0xA;
	s2 =	sadd.s32 s3, s2  }
0x8d: {  	s2 =	sadd.s32 s2, s16  }
0x8e: {  	[smem:$0x3FB8] =	sst s2  }
0x8f: {  	_ = 	snop  }
0x90: {  	(tm) =	ssettm $0x1  }
0x91: {  	s17 =	sld [smem:$0x3FFB];
	_ =	sdelay $0x3  }
0x92: {  	_ =	strace s17  }
0x93: {  	s2 =	sld [smem:$0x3FFC];
	_ =	sdelay $0x3  }
0x94: {  	_ =	strace s2  }
0x95: {  	s2 =	sld [smem:$0x3FFD];
	_ =	sdelay $0x3  }
0x96: {  	_ =	strace s2  }
0x97: {  	_ =	strace $0x8FFFFFFF  }
0x98: {  	s18 =	sld [smem:$0x3FDB];
	_ =	sdelay $0x1  }
0x99: {  	s19 =	simm.s32 $_scs_section_size  }
0x9a: {  	s4 =	simm.s32 $_size__tile_overlayer_lowered;
	s5 =	simm.s32 $_tile_overlayer_lowered  }
0x9b: {  	s22 =	simm.s32 $0x1BFF;
	s21 =	sshll.u32 s5, $0x1;
	s2 =	sadd.s32 s19, s18  }
0x9c: {  	s6 =	simm.s32 $0x0;
	s20 =	sshll.u32 s4, $0x1;
	s4 =	sadd.s32 s21, s2  }
0x9d: {  	[timem:s6], [sflag:s22] =	dma.local [hbm:s4], s20  }
0x9e: {  	_ =	swait.ge [sflag:s22], s20  }
0x9f: {  	s3 =	ssub.s32 $0x0, s20;
	[sflag:s22] =	ssyncset.done $0x0  }
0xa0: {  	[sflag:s22] =	ssyncadd.s32 s3;
	_ =	sdelay $0x1  }
0xa1: {  	s23 =	simm.s32 $0x1B8B  }
0xa2: {  	_ =	swait.ge [sflag:s23], $0x1  }
0xa3: {  	[sflag:s23] =	ssyncset.done $0x0  }
0xa4: {  	s25 =	simm.s32 $0x1B8E;
	s24 =	sld [smem:$0x3FFE];
	[sflag:s23] =	ssyncadd.s32 $0xFFFFFFFF  }
0xa5: {  	s26 =	simm.s32 $execute0_lowered;
	[smem:$0x3FD2] =	sst s25  }
0xa6: {  	s4 =	sshll.u32 s26, $0x1;
	_ =	strace $0x80000055;
	[dreg:$0x1] =	wrdreg $0xFFFFFFFF  }
0xa7: {  	s28 =	simm.s32 $_size_execute0_lowered;
	s2 =	sadd.s32 s2, s4;
	[dreg:$0x0] =	wrdreg $0x0  }
0xa8: {  	s4 =	sshll.u32 s28, $0x1;
	[dreg:$0x2] =	wrdreg s2  }
0xa9: {  	[dreg:$0x3] =	wrdreg s4  }
0xaa: {  	[dreg:$0x4] =	wrdreg $0xC0  }
0xab: {  	_ =	task [dreg:s6], $0x5FFFF  }
0xac: {  	[dreg:$0x1] =	wrdreg $0xFFFFFFFF  }
0xad: {  	[dreg:$0x0] =	wrdreg $0x60  }
0xae: {  	[dreg:$0x2] =	wrdreg s24  }
0xaf: {  	[dreg:$0x3] =	wrdreg $0x0  }
0xb0: {  	[dreg:$0x4] =	wrdreg $0x9  }
0xb1: {  	_ =	task.clear_ibuf [dreg:s6], $0x5FFFF;
	_ =	strace $0x90000055  }
0xb2: {  	s29 =	simm.s32 $0x9;
	_ =	strace $0x80000057  }
0xb3: {  	_ =	swait.ge [sflag:s29], $0x1  }
0xb4: {  	[sflag:s29] =	ssyncadd.s32 $0xFFFFFFFF  }
0xb5: {  	_ =	strace $0x90000057  }
0xb6: {  	_ =	sfence  }
0xb7: {  	s30 =	sld [smem:$0x0];
	_ =	sdelay $0x2  }
0xb8: {  	s31 =	sshll.u32 s1, $0xD;
	s1 =	sshrl.u32 s1, $0x2  }
0xb9: {  	s3 =	sand.u32 $0x4000, s31;
	s1 =	sadd.s32 s1, s30  }
0xba: {  	s0 =	sor.u32 s3, s0;
	s1 =	sshll.u32 s1, $0x11  }
0xbb: {  	s0 =	sor.u32 s1, s0  }
0xbc: {  	s0 =	sadd.s32 $0x8F2B, s0  }
0xbd: {  	[sflag:s0] =	ssyncadd.remote.s32 $0x1  }
0xbe: {  	_ =	sfence.sel $0xFFFF  }
0xbf: {  	[dreg:$0x0] =	wrdreg $0xFFFFFFFF;
	(pc) =	sbr.abs _section_cstart, $3  }
0xc0: {  	[dreg:$0x1] =	wrdreg $0xFFFFFFFF  }
0xc1: {  	_ =	task.clear_ibuf [dreg:s6], $0x2FFFF;
	_ =	strace $0x9FFFFFFF  }
0xc2: {  	(tm) =	ssettm $0x7FFFFFFF  }
0xc3: {  	_ =	shalt  }
tec
execute0_lowered:
.L_overlay_start_1:
0x0: {  	(tag) =	ssettag $0x1  }
0x1: {  	s6 =	rddreg [dreg:$0x0]  }
0x2: {  	s1 =	rddreg [dreg:$0x1]  }
0x3: {  	s3 =	srdreg.scid;
	s0 =	rddreg [dreg:$0x2];
	s2 =	simm.s32 $0x0  }
0x4: {  	s16 =	simm.s32 $0x13980;
	s17 =	simm.s32 $0x2;
	s7 =	sand.u32 $0x1, s3  }
0x5: {  	s18 =	simm.s32 $0x80;
	s3 =	stileid.u32;
	s5 =	smul.u32 $0x4F00, s7  }
0x6: {  	s19 =	simm.s32 $0x13A00;
	s20 =	simm.s32 $0x1;
	s10 =	smul.u32 $0x2700, s3  }
0x7: {  	s21 =	simm.s32 $0x0;
	[smem:$0x7FF] =	sst s2;
	s12 =	smul.u32 $0x4E000, s3  }
0x8: {  	s4 =	sadd.s32 $0x18200, s6;
	s13 =	sadd.s32 $0x41C00, s6;
	s24 =	smul.u32 $0x27100, s7  }
0x9: {  	s15 =	sadd.s32 $0x138000, s1;
	s9 =	ssub.s32 $0x2, s7;
	s7 =	smul.u32 $0x138800, s7  }
0xa: {  	_ =	strace $0x80000056;
	s26 =	sshll.u32 s3, $0x6;
	s28 =	smul.u32 $0x4F0, s3  }
0xb: {  	p0 =	sne.s32 s3, $0xF;
	s11 =	sshrl.u32 s9, $0x1;
	s8 =	sadd.s32 s5, s6  }
0xc: {  	s5 =	sadd.s32 $0x3F400, s6;
	s9 =	ssub.s32 s9, s11;
	s25 =	sshrl.u32 s12, $0x2  }
0xd: {  	s6 =	sor.u32 $0x1C03, s26;
	s10 =	sadd.s32 s10, s24;
	s29 =	sshrl.u32 s7, $0x3  }
0xe: {  	s14 =	sadd.s32 s25, s1;
	s7 =	sadd.s32 s13, s10;
	s30 =	sadd.s32 s13, s29  }
0xf: {  	s31 =	sadd.s32 s28, s8;
	s9 =	smax.u32 s9, $0x1;
	s13 =	simm.s32 $0x3  }
0x10: {  	s8 =	sadd.s32 $0x27000, s30;
	s10 =	sadd.s32 $0xE400, s31;
	s11 =	sadd.s32 $0x4600, s31  }
0x11: {  	s12 =	sshrl.u32 s14, $0x3;
	s14 =	sshrl.u32 @!p0 s15, $0x3;
	s15 =	simm.s32 $0x13900  }
.LBB2_1:
0x12: {  	[spmem:s12], [sflag:s6] =	dma.local [hbm:s5], $0x2700  }
0x13: {  	_ =	swait.ge [sflag:s13], $0x2700  }
0x14: {  	[sflag:s13] =	ssyncset.done $0x0  }
0x15: {  	s22 =	simm.s32 @!p0 $0x3;
	[sflag:s13] =	ssyncadd.s32 $0xFFFFD900  }
0x16: {  	[spmem:s14], [sflag:s6] =	dma.local @!p0 [hbm:s5], $0x100  }
0x17: {  	_ =	swait.ge @!p0 [sflag:s22], $0x100  }
0x18: {  	[sflag:s22] =	ssyncset.done @!p0 $0x0  }
0x19: {  	[sflag:s22] =	ssyncadd.s32 @!p0 $0xFFFFFF00  }
0x1a: {  	s30 =	sadd.s32 $0x0, s11;
	[bflag:$0x0] =	sbarrier.arrive $0xFFFF  }
0x1b: {  	[tilespmem:s15], [sflag:$0x2] =	stream.linear.gather [hbm4b:s30+s2], $0x80, $0x38;
	[tilespmem:$0x17A00] =	vst v63  }
0x1c: {  	s31 =	sadd.s32 $0x0, s10  }
0x1d: {  	[tilespmem:s16], [sflag:$0x2] =	stream.linear.gather [hbm4b:s31+s2], $0x80, $0x38;
	[tilespmem:$0x17A00] =	vst v63  }
0x1e: {  	_ =	swait.ge [sflag:s17], $0x80  }
0x1f: {  	[sflag:s17] =	ssyncset.done $0x0  }
0x20: {  	[sflag:s17] =	ssyncadd.s32 $0xFFFFFF80  }
0x21: {  	_ =	swait.ge [sflag:s17], $0x80  }
0x22: {  	[sflag:s17] =	ssyncset.done $0x0  }
0x23: {  	[sflag:s17] =	ssyncadd.s32 $0xFFFFFF80  }
0x24: {  	[tilespmem:s19], [sflag:$0x1] =	stream.indirect.gather [hbm4b:s4+s18], $0x80, s15, s18, $0xb8;
	[tilespmem:$0x17A00] =	vst v63  }
0x25: {  	_ =	swait.ge [sflag:s20], $0x4000  }
0x26: {  	[sflag:s20] =	ssyncset.done $0x0  }
0x27: {  	[sflag:s20] =	ssyncadd.s32 $0xFFFFC000  }
0x28: {  	[spmem:s1] =	stream.indirect.scatter.add.f32 [tilespmem:s19], [sflag:$0x3], $0x80, s16, s18, $0xb8;
	[tilespmem:$0x17A00] =	vst v63  }
0x29: {  	_ =	swait.ge [sflag:s13], $0x4000  }
0x2a: {  	s23 =	simm.s32 $0x20;
	s22 =	simm.s32 $0x10;
	[sflag:s13] =	ssyncset.done $0x0  }
.LBB2_2:
0x2b: {  	s24 =	sadd.s32 s22, s11  }
0x2c: {  	[sflag:s13] =	ssyncadd.s32 $0xFFFFC000;
	s25 =	smov.u32 s23;
	s26 =	sadd.s32 $0x10, s23  }
0x2d: {  	[tilespmem:s15], [sflag:$0x2] =	stream.linear.gather [hbm4b:s24+s2], $0x80, $0x38;
	[tilespmem:$0x17A00] =	vst v63  }
0x2e: {  	p1 =	sne.s32 s23, $0x4E0;
	s23 =	sadd.s32 s22, s10;
	s22 =	smov.u32 s25  }
0x2f: {  	[tilespmem:s16], [sflag:$0x2] =	stream.linear.gather [hbm4b:s23+s2], $0x80, $0x38;
	[tilespmem:$0x17A00] =	vst v63  }
0x30: {  	_ =	swait.ge [sflag:s17], $0x80  }
0x31: {  	[sflag:s17] =	ssyncset.done $0x0  }
0x32: {  	[sflag:s17] =	ssyncadd.s32 $0xFFFFFF80  }
0x33: {  	_ =	swait.ge [sflag:s17], $0x80  }
0x34: {  	[sflag:s17] =	ssyncset.done $0x0  }
0x35: {  	[sflag:s17] =	ssyncadd.s32 $0xFFFFFF80  }
0x36: {  	[tilespmem:s19], [sflag:$0x1] =	stream.indirect.gather [hbm4b:s4+s18], $0x80, s15, s18, $0xb8;
	[tilespmem:$0x17A00] =	vst v63  }
0x37: {  	_ =	swait.ge [sflag:s20], $0x4000  }
.Ltmp0:
0x38: {  	[sflag:s20] =	ssyncset.done $0x0;
	(pc) =	sbr.rel @p1 .LBB2_2-.Ltmp0, $4  }
0x39: {  	[sflag:s20] =	ssyncadd.s32 $0xFFFFC000  }
0x3a: {  	[spmem:s1] =	stream.indirect.scatter.add.f32 [tilespmem:s19], [sflag:$0x3], $0x80, s16, s18, $0xb8;
	[tilespmem:$0x17A00] =	vst v63  }
0x3b: {  	_ =	swait.ge [sflag:s13], $0x4000  }
0x3c: {  	s23 =	smov.u32 s26;
	[sflag:s13] =	ssyncset.done $0x0  }
0x3d: {  	s23 =	sadd.s32 s22, s11;
	[sflag:s13] =	ssyncadd.s32 $0xFFFFC000  }
0x3e: {  	[tilespmem:s15], [sflag:$0x2] =	stream.linear.gather [hbm4b:s23+s2], $0x80, $0x38;
	[tilespmem:$0x17A00] =	vst v63  }
0x3f: {  	s31 =	sadd.s32 s22, s10  }
0x40: {  	[tilespmem:s16], [sflag:$0x2] =	stream.linear.gather [hbm4b:s31+s2], $0x80, $0x38;
	[tilespmem:$0x17A00] =	vst v63  }
0x41: {  	_ =	swait.ge [sflag:s17], $0x80  }
0x42: {  	[sflag:s17] =	ssyncset.done $0x0  }
0x43: {  	[sflag:s17] =	ssyncadd.s32 $0xFFFFFF80  }
0x44: {  	_ =	swait.ge [sflag:s17], $0x80  }
0x45: {  	[sflag:s17] =	ssyncset.done $0x0  }
0x46: {  	[sflag:s17] =	ssyncadd.s32 $0xFFFFFF80  }
0x47: {  	[tilespmem:s19], [sflag:$0x1] =	stream.indirect.gather [hbm4b:s4+s18], $0x80, s15, s18, $0xb8;
	[tilespmem:$0x17A00] =	vst v63  }
0x48: {  	_ =	swait.ge [sflag:s20], $0x4000  }
0x49: {  	[sflag:s20] =	ssyncset.done $0x0  }
0x4a: {  	[sflag:s20] =	ssyncadd.s32 $0xFFFFC000  }
0x4b: {  	[spmem:s1] =	stream.indirect.scatter.add.f32 [tilespmem:s19], [sflag:$0x3], $0x80, s16, s18, $0xb8;
	[tilespmem:$0x17A00] =	vst v63  }
0x4c: {  	_ =	swait.ge [sflag:s13], $0x4000  }
0x4d: {  	[sflag:s13] =	ssyncset.done $0x0  }
0x4e: {  	[sflag:s13] =	ssyncadd.s32 $0xFFFFC000  }
0x4f: {  	[bflag:$0x0] =	sbarrier.arrive $0xFFFF  }
0x50: {  	[hbm:s7], [sflag:s6] =	dma.local [spmem:s12], $0x2700  }
0x51: {  	s21 =	sadd.s32 $0x1, s21;
	_ =	swait.ge [sflag:s13], $0x2700  }
0x52: {  	p1 =	sne.s32 s21, s9;
	[sflag:s13] =	ssyncset.done $0x0  }
.Ltmp1:
0x53: {  	s22 =	simm.s32 @!p0 $0x3;
	[sflag:s13] =	ssyncadd.s32 $0xFFFFD900;
	(pc) =	sbr.rel @p1 .LBB2_1-.Ltmp1, $4  }
0x54: {  	[hbm:s8], [sflag:s6] =	dma.local @!p0 [spmem:s14], $0x100  }
0x55: {  	_ =	swait.ge @!p0 [sflag:s22], $0x100  }
0x56: {  	[sflag:s22] =	ssyncset.done @!p0 $0x0  }
0x57: {  	[sflag:s22] =	ssyncadd.s32 @!p0 $0xFFFFFF00  }
0x58: {  	_ =	sfence.sel $0x180000  }
0x59: {  	[bflag:$0x0] =	sbarrier.arrive $0xFFFF  }
0x5a: {  	p0 =	sne.s32 s3, $0x0;
	_ =	strace $0x90000056  }
0x5b: {  	s0 =	sadd.s32 @!p0 $0x100000, s0;
	[bflag:$0x2] =	sbarrier.arrive $0xFFFF  }
0x5c: {  	[sflag:s0] =	ssyncadd.tile.s32 @!p0 $0x1;
	_ =	shalt  }
.Lfunc_end2:
_tile_overlayer_lowered:
.L_overlay_start_2:
0x5d: {  	(tag) =	ssettag $0x2  }
0x5e: {  	s0 =	rddreg [dreg:$0x0];
	s2 =	stileid.u32  }
0x5f: {  	s1 =	rddreg [dreg:$0x1];
	p0 =	sne.s32 s2, $0x0  }
0x60: {  	s3 =	rddreg [dreg:$0x2];
	[bflag:$0x3] =	sbarrier.arrive $0xFFFF;
	s2 =	simm.s32 @!p0 $0x1C03  }
0x61: {  	[timem:s3], [sflag:s2] =	dma.local @!p0 [hbm:s0], s1  }
0x62: {  	s0 =	simm.s32 @!p0 $0x3  }
0x63: {  	_ =	swait.ge @!p0 [sflag:s0], s1  }
0x64: {  	s1 =	ssub.s32 @!p0 $0x0, s1;
	[sflag:s0] =	ssyncset.done @!p0 $0x0  }
0x65: {  	[sflag:s0] =	ssyncadd.s32 @!p0 s1  }
0x66: {  	[bflag:$0x3] =	sbarrier.arrive $0xFFFF  }
0x67: {  	_ =	shalt  }

</sc_bundles>
